<compile_context>
chip_gen: v7x
topology: tpu7x:2x2x1
jax: 0.10.2.dev20260603
libtpu: 0.0.44.dev20260713+nightly
codegen_flags: <defaults>
</compile_context>

<pallas_src>
import functools

import jax
import jax.numpy as jnp
from jax import lax
from jax.experimental import pallas as pl
from jax.experimental.pallas import tpu as pltpu
from jax.experimental.pallas import tpu_sc as plsc

B, S, H = 4096, 50, 128
N_TOK = B * S
EPS = 1e-12

_info = plsc.get_sparse_core_info()
NC, NS = _info.num_cores, _info.num_subcores
NW = NC * NS
TPW = N_TOK // NW
C = 80
NCH = TPW // C
NCG = H // 16


def _rsqrt_s(x):
    i = lax.bitcast_convert_type(x, jnp.int32)
    y = lax.bitcast_convert_type(jnp.int32(0x5F3759DF) - (i >> 1),
                                 jnp.float32)
    for _ in range(3):
        y = y * (1.5 - 0.5 * x * y * y)
    return y


def _body(cid_h, sid_h,
          ct_h, at_h, vt_h, rt_h, dt_h, g_h, b_h,
          out_h,
          age_v, visit_v, record_v, domain_v, gamma_v, beta_v,
          cidx0, cidx1, sidx0, sidx1, crow0, crow1, out0, out1,
          gsem0, gsem1, isem0, isem1, osem0, osem1):
    wid = lax.axis_index("s") * NC + lax.axis_index("c")
    start = wid * TPW

    cidx = [cidx0, cidx1]
    sidx = [sidx0, sidx1]
    crow = [crow0, crow1]
    outb = [out0, out1]
    gsem = [gsem0, gsem1]
    isem = [isem0, isem1]
    osem = [osem0, osem1]

    pltpu.sync_copy(at_h, age_v)
    pltpu.sync_copy(vt_h, visit_v)
    pltpu.sync_copy(rt_h, record_v)
    pltpu.sync_copy(dt_h, domain_v)
    pltpu.sync_copy(g_h, gamma_v)
    pltpu.sync_copy(b_h, beta_v)

    lane = lax.iota(jnp.int32, 16)
    cgoff = [lane + (cg * 16) for cg in range(NCG)]
    gam = [gamma_v[pl.ds(cg * 16, 16)] for cg in range(NCG)]
    bet = [beta_v[pl.ds(cg * 16, 16)] for cg in range(NCG)]

    pltpu.sync_copy(cid_h.at[pl.ds(start, C)], cidx[0])
    pltpu.sync_copy(sid_h.at[pl.ds(start * 4, C * 4)],
                    sidx[0].at[pl.ds(0, C * 4)])
    pltpu.async_copy(cid_h.at[pl.ds(start + C, C)], cidx[1], isem[1])
    pltpu.async_copy(sid_h.at[pl.ds((start + C) * 4, C * 4)],
                     sidx[1].at[pl.ds(0, C * 4)], isem[1])
    pltpu.async_copy(ct_h.at[cidx[0]], crow[0], gsem[0])

    def pair_body(gp, _):
        for b in range(2):
            g = gp * 2 + b
            nb = 1 - b
            pltpu.make_async_copy(
                ct_h.at[pl.ds(0, C)], crow[b], gsem[b]).wait()
            pltpu.make_async_copy(
                cid_h.at[pl.ds(0, C)], cidx[nb], isem[nb]).wait()
            pltpu.make_async_copy(
                sid_h.at[pl.ds(0, C * 4)],
                sidx[nb].at[pl.ds(0, C * 4)], isem[nb]).wait()
            pltpu.async_copy(ct_h.at[cidx[nb]], crow[nb], gsem[nb])

            @pl.when(gp >= 1)
            def _():
                pltpu.make_async_copy(
                    outb[b], out_h.at[pl.ds(start, C)], osem[b]).wait()

            def tok_body(t):
                idvec = sidx[b][pl.ds(t * 4, 16)]
                abase = jnp.take(idvec, jnp.full((16,), 0, jnp.int32))
                vbase = jnp.take(idvec, jnp.full((16,), 1, jnp.int32))
                rbase = jnp.take(idvec, jnp.full((16,), 2, jnp.int32))
                dbase = jnp.take(idvec, jnp.full((16,), 3, jnp.int32))
                vs = []
                for cg in range(NCG):
                    v = crow[b][t, pl.ds(cg * 16, 16)]
                    v = v + plsc.load_gather(age_v, [abase + cgoff[cg]])
                    v = v + plsc.load_gather(visit_v, [vbase + cgoff[cg]])
                    v = v + plsc.load_gather(record_v, [rbase + cgoff[cg]])
                    v = v + plsc.load_gather(domain_v, [dbase + cgoff[cg]])
                    vs.append(v)
                s = vs[0]
                s2 = vs[0] * vs[0]
                for cg in range(1, NCG):
                    s = s + vs[cg]
                    s2 = s2 + vs[cg] * vs[cg]
                tot = jnp.sum(s)
                tot2 = jnp.sum(s2)
                mean = tot * (1.0 / H)
                var = jnp.maximum(tot2 * (1.0 / H) - mean * mean, 0.0) + EPS
                mv = jnp.full((16,), mean, jnp.float32)
                rv = jnp.full((16,), _rsqrt_s(var), jnp.float32)
                for cg in range(NCG):
                    rg = rv * gam[cg]
                    o = (vs[cg] - mv) * rg + bet[cg]
                    outb[b][t, pl.ds(cg * 16, 16)] = o

            plsc.parallel_loop(0, C, unroll=2)(tok_body)

            pltpu.async_copy(
                outb[b], out_h.at[pl.ds(start + g * C, C)], osem[b])
            g2 = jnp.where(g + 2 < NCH, g + 2, 0)
            base2 = start + g2 * C
            pltpu.async_copy(cid_h.at[pl.ds(base2, C)], cidx[b], isem[b])
            pltpu.async_copy(sid_h.at[pl.ds(base2 * 4, C * 4)],
                             sidx[b].at[pl.ds(0, C * 4)], isem[b])
        return 0

    lax.fori_loop(0, NCH // 2, pair_body, 0)

    pltpu.make_async_copy(cid_h.at[pl.ds(0, C)], cidx[1], isem[1]).wait()
    pltpu.make_async_copy(sid_h.at[pl.ds(0, C * 4)],
                          sidx[1].at[pl.ds(0, C * 4)], isem[1]).wait()
    pltpu.make_async_copy(ct_h.at[pl.ds(0, C)], crow[0], gsem[0]).wait()
    pltpu.make_async_copy(outb[0], out_h.at[pl.ds(start, C)], osem[0]).wait()
    pltpu.make_async_copy(outb[1], out_h.at[pl.ds(start, C)], osem[1]).wait()


_mesh = plsc.VectorSubcoreMesh(core_axis_name="c", subcore_axis_name="s")

_ehr_kernel = functools.partial(
    pl.kernel,
    mesh=_mesh,
    compiler_params=pltpu.CompilerParams(needs_layout_passes=False),
    out_type=jax.ShapeDtypeStruct((N_TOK, H), jnp.float32),
    scratch_types=[
        pltpu.VMEM((120 * H,), jnp.float32),
        pltpu.VMEM((100 * H,), jnp.float32),
        pltpu.VMEM((256 * H,), jnp.float32),
        pltpu.VMEM((16 * H,), jnp.float32),
        pltpu.VMEM((H,), jnp.float32),
        pltpu.VMEM((H,), jnp.float32),
        pltpu.VMEM((C,), jnp.int32),
        pltpu.VMEM((C,), jnp.int32),
        pltpu.VMEM((C * 4 + 16,), jnp.int32),
        pltpu.VMEM((C * 4 + 16,), jnp.int32),
        pltpu.VMEM((C, H), jnp.float32),
        pltpu.VMEM((C, H), jnp.float32),
        pltpu.VMEM((C, H), jnp.float32),
        pltpu.VMEM((C, H), jnp.float32),
        pltpu.SemaphoreType.DMA,
        pltpu.SemaphoreType.DMA,
        pltpu.SemaphoreType.DMA,
        pltpu.SemaphoreType.DMA,
        pltpu.SemaphoreType.DMA,
        pltpu.SemaphoreType.DMA,
    ],
)(_body)


def kernel(input_ids, age_ids, segment_ids, record_rank_ids, domain_ids,
           concept_table, age_table, visit_table, record_table, domain_table,
           ln_gamma, ln_beta):
    cid = input_ids.reshape(-1).astype(jnp.int32)
    sid = (jnp.stack(
        [age_ids.reshape(-1).astype(jnp.int32),
         segment_ids.reshape(-1).astype(jnp.int32),
         record_rank_ids.reshape(-1).astype(jnp.int32),
         domain_ids.reshape(-1).astype(jnp.int32)], axis=1) * H).reshape(-1)
    out = _ehr_kernel(cid, sid,
                      concept_table, age_table.reshape(-1),
                      visit_table.reshape(-1), record_table.reshape(-1),
                      domain_table.reshape(-1), ln_gamma, ln_beta)
    return out.reshape(B, S, H)

# --- scband reference (transcript-rebuilt; emitter-appended) ---
"""Pipeline reference for scband-ehr-embeddings-45999099740564 (READ-ONLY COPY).

The authoritative reference and input builder live on the scoring server;
editing this copy changes nothing except your own understanding.
"""

import jax, jax.numpy as jnp
import numpy as np

B, S, H = 4096, 50, 128
VOCAB, MAX_AGE, MAX_VISIT, MAX_RECORD, MAX_DOMAIN = 100000, 120, 100, 256, 16
EPS = 1e-12


def setup_inputs(seed: int = 0) -> dict:
    key = jax.random.key(seed)
    ks = jax.random.split(key, 12)
    return {
        "input_ids": jax.random.randint(ks[0], (B, S), 0, VOCAB),
        "age_ids": jax.random.randint(ks[1], (B, S), 0, MAX_AGE),
        "segment_ids": jax.random.randint(ks[2], (B, S), 0, MAX_VISIT),
        "record_rank_ids": jax.random.randint(ks[3], (B, S), 0, MAX_RECORD),
        "domain_ids": jax.random.randint(ks[4], (B, S), 0, MAX_DOMAIN),
        "concept_table": jax.random.normal(ks[5], (VOCAB, H), jnp.float32) * 0.02,
        "age_table": jax.random.normal(ks[6], (MAX_AGE, H), jnp.float32) * 0.02,
        "visit_table": jax.random.normal(ks[7], (MAX_VISIT, H), jnp.float32) * 0.02,
        "record_table": jax.random.normal(ks[8], (MAX_RECORD, H), jnp.float32) * 0.02,
        "domain_table": jax.random.normal(ks[9], (MAX_DOMAIN, H), jnp.float32) * 0.02,
        "ln_gamma": jnp.ones((H,), jnp.float32),
        "ln_beta": jnp.zeros((H,), jnp.float32),
    }


def reference(input_ids, age_ids, segment_ids, record_rank_ids, domain_ids,
              concept_table, age_table, visit_table, record_table, domain_table,
              ln_gamma, ln_beta):
    # linear=False => a=b=c=d=e=1 (plain sum of embeddings)
    emb = jnp.take(concept_table, input_ids, axis=0)
    emb = emb + jnp.take(age_table, age_ids, axis=0)
    emb = emb + jnp.take(visit_table, segment_ids, axis=0)
    emb = emb + jnp.take(record_table, record_rank_ids, axis=0)
    emb = emb + jnp.take(domain_table, domain_ids, axis=0)
    # LayerNorm over last dim (biased variance, like torch)
    mean = jnp.mean(emb, axis=-1, keepdims=True)
    var = jnp.mean(jnp.square(emb - mean), axis=-1, keepdims=True)
    out = (emb - mean) / jnp.sqrt(var + EPS) * ln_gamma + ln_beta
    # dropout is identity in eval mode
    return out

if __name__ == "__main__":
    import jax
    _d = setup_inputs()
    print(jax.jit(kernel)(*tuple(_d.values())))

</pallas_src>

<mosaic_0001>
#map = affine_map<(d0, d1) -> (0)>
#map1 = affine_map<(d0, d1) -> (0, 0)>
module attributes {stable_mosaic.version = 14 : i64} {
  func.func @_body(%arg0: i32, %arg1: i32, %arg2: memref<204800xi32, #tpu.memory_space<hbm>>, %arg3: memref<819200xi32, #tpu.memory_space<hbm>>, %arg4: memref<100000x128xf32, #tpu.memory_space<hbm>>, %arg5: memref<15360xf32, #tpu.memory_space<hbm>>, %arg6: memref<12800xf32, #tpu.memory_space<hbm>>, %arg7: memref<32768xf32, #tpu.memory_space<hbm>>, %arg8: memref<2048xf32, #tpu.memory_space<hbm>>, %arg9: memref<128xf32, #tpu.memory_space<hbm>>, %arg10: memref<128xf32, #tpu.memory_space<hbm>>, %arg11: memref<204800x128xf32, #tpu.memory_space<hbm>>, %arg12: memref<15360xf32, #tpu.memory_space<vmem>>, %arg13: memref<12800xf32, #tpu.memory_space<vmem>>, %arg14: memref<32768xf32, #tpu.memory_space<vmem>>, %arg15: memref<2048xf32, #tpu.memory_space<vmem>>, %arg16: memref<128xf32, #tpu.memory_space<vmem>>, %arg17: memref<128xf32, #tpu.memory_space<vmem>>, %arg18: memref<80xi32, #tpu.memory_space<vmem>>, %arg19: memref<80xi32, #tpu.memory_space<vmem>>, %arg20: memref<336xi32, #tpu.memory_space<vmem>>, %arg21: memref<336xi32, #tpu.memory_space<vmem>>, %arg22: memref<80x128xf32, #tpu.memory_space<vmem>>, %arg23: memref<80x128xf32, #tpu.memory_space<vmem>>, %arg24: memref<80x128xf32, #tpu.memory_space<vmem>>, %arg25: memref<80x128xf32, #tpu.memory_space<vmem>>, %arg26: memref<!tpu.dma_semaphore, #tpu.memory_space<semaphore_mem>>, %arg27: memref<!tpu.dma_semaphore, #tpu.memory_space<semaphore_mem>>, %arg28: memref<!tpu.dma_semaphore, #tpu.memory_space<semaphore_mem>>, %arg29: memref<!tpu.dma_semaphore, #tpu.memory_space<semaphore_mem>>, %arg30: memref<!tpu.dma_semaphore, #tpu.memory_space<semaphore_mem>>, %arg31: memref<!tpu.dma_semaphore, #tpu.memory_space<semaphore_mem>>) attributes {dimension_semantics = [#tpu.dimension_semantics<core_parallel>, #tpu.dimension_semantics<subcore_parallel>], iteration_bounds = array<i64: 2, 16>, scalar_prefetch = 0 : i64, scratch_operands = 20 : i64, tpu.core_type = #tpu.core_type<sc_vector_subcore>, window_params = [{transform_indices = #map}, {transform_indices = #map}, {transform_indices = #map1}, {transform_indices = #map}, {transform_indices = #map}, {transform_indices = #map}, {transform_indices = #map}, {transform_indices = #map}, {transform_indices = #map}, {transform_indices = #map1}]} {
    %mul3A = arith.constant 2 : i32
    %mul3A_0 = arith.muli %arg1, %mul3A : i32
    %add3A = arith.addi %mul3A_0, %arg0 : i32
    %mul3A_1 = arith.constant 6400 : i32
    %mul3A_2 = arith.muli %add3A, %mul3A_1 : i32
    "tpu.region"() ({
      %run_scoped3A = tpu.sem_alloc : memref<!tpu.dma_semaphore, #tpu.memory_space<semaphore_mem>>
      tpu.enqueue_dma source(%arg5 : memref<15360xf32, #tpu.memory_space<hbm>>) target(%arg12 : memref<15360xf32, #tpu.memory_space<vmem>>) target_semaphore(%run_scoped3A : memref<!tpu.dma_semaphore, #tpu.memory_space<semaphore_mem>>)
      tpu.wait_dma2 semaphore(%run_scoped3A : memref<!tpu.dma_semaphore, #tpu.memory_space<semaphore_mem>>) src(%arg5 : memref<15360xf32, #tpu.memory_space<hbm>>) dst(%arg12 : memref<15360xf32, #tpu.memory_space<vmem>>)
      tpu.yield
    }) : () -> ()
    "tpu.region"() ({
      %run_scoped3A = tpu.sem_alloc : memref<!tpu.dma_semaphore, #tpu.memory_space<semaphore_mem>>
      tpu.enqueue_dma source(%arg6 : memref<12800xf32, #tpu.memory_space<hbm>>) target(%arg13 : memref<12800xf32, #tpu.memory_space<vmem>>) target_semaphore(%run_scoped3A : memref<!tpu.dma_semaphore, #tpu.memory_space<semaphore_mem>>)
      tpu.wait_dma2 semaphore(%run_scoped3A : memref<!tpu.dma_semaphore, #tpu.memory_space<semaphore_mem>>) src(%arg6 : memref<12800xf32, #tpu.memory_space<hbm>>) dst(%arg13 : memref<12800xf32, #tpu.memory_space<vmem>>)
      tpu.yield
    }) : () -> ()
    "tpu.region"() ({
      %run_scoped3A = tpu.sem_alloc : memref<!tpu.dma_semaphore, #tpu.memory_space<semaphore_mem>>
      tpu.enqueue_dma source(%arg7 : memref<32768xf32, #tpu.memory_space<hbm>>) target(%arg14 : memref<32768xf32, #tpu.memory_space<vmem>>) target_semaphore(%run_scoped3A : memref<!tpu.dma_semaphore, #tpu.memory_space<semaphore_mem>>)
      tpu.wait_dma2 semaphore(%run_scoped3A : memref<!tpu.dma_semaphore, #tpu.memory_space<semaphore_mem>>) src(%arg7 : memref<32768xf32, #tpu.memory_space<hbm>>) dst(%arg14 : memref<32768xf32, #tpu.memory_space<vmem>>)
      tpu.yield
    }) : () -> ()
    "tpu.region"() ({
      %run_scoped3A = tpu.sem_alloc : memref<!tpu.dma_semaphore, #tpu.memory_space<semaphore_mem>>
      tpu.enqueue_dma source(%arg8 : memref<2048xf32, #tpu.memory_space<hbm>>) target(%arg15 : memref<2048xf32, #tpu.memory_space<vmem>>) target_semaphore(%run_scoped3A : memref<!tpu.dma_semaphore, #tpu.memory_space<semaphore_mem>>)
      tpu.wait_dma2 semaphore(%run_scoped3A : memref<!tpu.dma_semaphore, #tpu.memory_space<semaphore_mem>>) src(%arg8 : memref<2048xf32, #tpu.memory_space<hbm>>) dst(%arg15 : memref<2048xf32, #tpu.memory_space<vmem>>)
      tpu.yield
    }) : () -> ()
    "tpu.region"() ({
      %run_scoped3A = tpu.sem_alloc : memref<!tpu.dma_semaphore, #tpu.memory_space<semaphore_mem>>
      tpu.enqueue_dma source(%arg9 : memref<128xf32, #tpu.memory_space<hbm>>) target(%arg16 : memref<128xf32, #tpu.memory_space<vmem>>) target_semaphore(%run_scoped3A : memref<!tpu.dma_semaphore, #tpu.memory_space<semaphore_mem>>)
      tpu.wait_dma2 semaphore(%run_scoped3A : memref<!tpu.dma_semaphore, #tpu.memory_space<semaphore_mem>>) src(%arg9 : memref<128xf32, #tpu.memory_space<hbm>>) dst(%arg16 : memref<128xf32, #tpu.memory_space<vmem>>)
      tpu.yield
    }) : () -> ()
    "tpu.region"() ({
      %run_scoped3A = tpu.sem_alloc : memref<!tpu.dma_semaphore, #tpu.memory_space<semaphore_mem>>
      tpu.enqueue_dma source(%arg10 : memref<128xf32, #tpu.memory_space<hbm>>) target(%arg17 : memref<128xf32, #tpu.memory_space<vmem>>) target_semaphore(%run_scoped3A : memref<!tpu.dma_semaphore, #tpu.memory_space<semaphore_mem>>)
      tpu.wait_dma2 semaphore(%run_scoped3A : memref<!tpu.dma_semaphore, #tpu.memory_space<semaphore_mem>>) src(%arg10 : memref<128xf32, #tpu.memory_space<hbm>>) dst(%arg17 : memref<128xf32, #tpu.memory_space<vmem>>)
      tpu.yield
    }) : () -> ()
    %iota3A = tpu.iota {dimensions = array<i32: 0>} : vector<16xi32>
    %add3A_3 = arith.constant 0 : i32
    %add3A_4 = vector.broadcast %add3A_3 : i32 to vector<16xi32>
    %add3A_5 = arith.addi %iota3A, %add3A_4 : vector<16xi32>
    %add3A_6 = arith.constant 16 : i32
    %add3A_7 = vector.broadcast %add3A_6 : i32 to vector<16xi32>
    %add3A_8 = arith.addi %iota3A, %add3A_7 : vector<16xi32>
    %add3A_9 = arith.constant 32 : i32
    %add3A_10 = vector.broadcast %add3A_9 : i32 to vector<16xi32>
    %add3A_11 = arith.addi %iota3A, %add3A_10 : vector<16xi32>
    %add3A_12 = arith.constant 48 : i32
    %add3A_13 = vector.broadcast %add3A_12 : i32 to vector<16xi32>
    %add3A_14 = arith.addi %iota3A, %add3A_13 : vector<16xi32>
    %add3A_15 = arith.constant 64 : i32
    %add3A_16 = vector.broadcast %add3A_15 : i32 to vector<16xi32>
    %add3A_17 = arith.addi %iota3A, %add3A_16 : vector<16xi32>
    %add3A_18 = arith.constant 80 : i32
    %add3A_19 = vector.broadcast %add3A_18 : i32 to vector<16xi32>
    %add3A_20 = arith.addi %iota3A, %add3A_19 : vector<16xi32>
    %add3A_21 = arith.constant 96 : i32
    %add3A_22 = vector.broadcast %add3A_21 : i32 to vector<16xi32>
    %add3A_23 = arith.addi %iota3A, %add3A_22 : vector<16xi32>
    %add3A_24 = arith.constant 112 : i32
    %add3A_25 = vector.broadcast %add3A_24 : i32 to vector<16xi32>
    %add3A_26 = arith.addi %iota3A, %add3A_25 : vector<16xi32>
    %get3A = arith.constant 0 : index
    %get3A_27 = tpu.vector_load %arg16[%get3A] {strides = array<i32>} : memref<128xf32, #tpu.memory_space<vmem>>, vector<16xf32>,
    %get3A_28 = arith.constant 16 : index
    %get3A_29 = tpu.vector_load %arg16[%get3A_28] {strides = array<i32>} : memref<128xf32, #tpu.memory_space<vmem>>, vector<16xf32>,
    %get3A_30 = arith.constant 32 : index
    %get3A_31 = tpu.vector_load %arg16[%get3A_30] {strides = array<i32>} : memref<128xf32, #tpu.memory_space<vmem>>, vector<16xf32>,
    %get3A_32 = arith.constant 48 : index
    %get3A_33 = tpu.vector_load %arg16[%get3A_32] {strides = array<i32>} : memref<128xf32, #tpu.memory_space<vmem>>, vector<16xf32>,
    %get3A_34 = arith.constant 64 : index
    %get3A_35 = tpu.vector_load %arg16[%get3A_34] {strides = array<i32>} : memref<128xf32, #tpu.memory_space<vmem>>, vector<16xf32>,
    %get3A_36 = arith.constant 80 : index
    %get3A_37 = tpu.vector_load %arg16[%get3A_36] {strides = array<i32>} : memref<128xf32, #tpu.memory_space<vmem>>, vector<16xf32>,
    %get3A_38 = arith.constant 96 : index
    %get3A_39 = tpu.vector_load %arg16[%get3A_38] {strides = array<i32>} : memref<128xf32, #tpu.memory_space<vmem>>, vector<16xf32>,
    %get3A_40 = arith.constant 112 : index
    %get3A_41 = tpu.vector_load %arg16[%get3A_40] {strides = array<i32>} : memref<128xf32, #tpu.memory_space<vmem>>, vector<16xf32>,
    %get3A_42 = arith.constant 0 : index
    %get3A_43 = tpu.vector_load %arg17[%get3A_42] {strides = array<i32>} : memref<128xf32, #tpu.memory_space<vmem>>, vector<16xf32>,
    %get3A_44 = arith.constant 16 : index
    %get3A_45 = tpu.vector_load %arg17[%get3A_44] {strides = array<i32>} : memref<128xf32, #tpu.memory_space<vmem>>, vector<16xf32>,
    %get3A_46 = arith.constant 32 : index
    %get3A_47 = tpu.vector_load %arg17[%get3A_46] {strides = array<i32>} : memref<128xf32, #tpu.memory_space<vmem>>, vector<16xf32>,
    %get3A_48 = arith.constant 48 : index
    %get3A_49 = tpu.vector_load %arg17[%get3A_48] {strides = array<i32>} : memref<128xf32, #tpu.memory_space<vmem>>, vector<16xf32>,
    %get3A_50 = arith.constant 64 : index
    %get3A_51 = tpu.vector_load %arg17[%get3A_50] {strides = array<i32>} : memref<128xf32, #tpu.memory_space<vmem>>, vector<16xf32>,
    %get3A_52 = arith.constant 80 : index
    %get3A_53 = tpu.vector_load %arg17[%get3A_52] {strides = array<i32>} : memref<128xf32, #tpu.memory_space<vmem>>, vector<16xf32>,
    %get3A_54 = arith.constant 96 : index
    %get3A_55 = tpu.vector_load %arg17[%get3A_54] {strides = array<i32>} : memref<128xf32, #tpu.memory_space<vmem>>, vector<16xf32>,
    %get3A_56 = arith.constant 112 : index
    %get3A_57 = tpu.vector_load %arg17[%get3A_56] {strides = array<i32>} : memref<128xf32, #tpu.memory_space<vmem>>, vector<16xf32>,
    "tpu.region"() ({
      %run_scoped3A = tpu.sem_alloc : memref<!tpu.dma_semaphore, #tpu.memory_space<semaphore_mem>>
      %dma_start3A_107 = tpu.memref_slice %arg2[%mul3A_2] : memref<204800xi32, #tpu.memory_space<hbm>> -> memref<80xi32, #tpu.memory_space<hbm>>
      %dma_start3A_108 = tpu.memref_slice %arg2[%mul3A_2] : memref<204800xi32, #tpu.memory_space<hbm>> -> memref<80xi32, #tpu.memory_space<hbm>>
      tpu.enqueue_dma source(%dma_start3A_108 : memref<80xi32, #tpu.memory_space<hbm>>) target(%arg18 : memref<80xi32, #tpu.memory_space<vmem>>) target_semaphore(%run_scoped3A : memref<!tpu.dma_semaphore, #tpu.memory_space<semaphore_mem>>)
      %dma_wait3A_109 = tpu.memref_slice %arg2[%mul3A_2] : memref<204800xi32, #tpu.memory_space<hbm>> -> memref<80xi32, #tpu.memory_space<hbm>>
      %dma_wait3A_110 = tpu.memref_slice %arg2[%mul3A_2] : memref<204800xi32, #tpu.memory_space<hbm>> -> memref<80xi32, #tpu.memory_space<hbm>>
      tpu.wait_dma2 semaphore(%run_scoped3A : memref<!tpu.dma_semaphore, #tpu.memory_space<semaphore_mem>>) src(%dma_wait3A_110 : memref<80xi32, #tpu.memory_space<hbm>>) dst(%arg18 : memref<80xi32, #tpu.memory_space<vmem>>)
      tpu.yield
    }) : () -> ()
    %mul3A_58 = arith.constant 4 : i32
    %mul3A_59 = arith.muli %mul3A_2, %mul3A_58 : i32
    "tpu.region"() ({
      %run_scoped3A = tpu.sem_alloc : memref<!tpu.dma_semaphore, #tpu.memory_space<semaphore_mem>>
      %dma_start3A_107 = arith.constant 0 : i32
      %dma_start3A_108 = tpu.memref_slice %arg20[%dma_start3A_107] : memref<336xi32, #tpu.memory_space<vmem>> -> memref<320xi32, #tpu.memory_space<vmem>>
      %dma_start3A_109 = tpu.memref_slice %arg3[%mul3A_59] : memref<819200xi32, #tpu.memory_space<hbm>> -> memref<320xi32, #tpu.memory_space<hbm>>
      %dma_start3A_110 = arith.constant 0 : i32
      %dma_start3A_111 = tpu.memref_slice %arg20[%dma_start3A_110] : memref<336xi32, #tpu.memory_space<vmem>> -> memref<320xi32, #tpu.memory_space<vmem>>
      %dma_start3A_112 = tpu.memref_slice %arg3[%mul3A_59] : memref<819200xi32, #tpu.memory_space<hbm>> -> memref<320xi32, #tpu.memory_space<hbm>>
      tpu.enqueue_dma source(%dma_start3A_112 : memref<320xi32, #tpu.memory_space<hbm>>) target(%dma_start3A_111 : memref<320xi32, #tpu.memory_space<vmem>>) target_semaphore(%run_scoped3A : memref<!tpu.dma_semaphore, #tpu.memory_space<semaphore_mem>>)
      %dma_wait3A_113 = arith.constant 0 : i32
      %dma_wait3A_114 = tpu.memref_slice %arg20[%dma_wait3A_113] : memref<336xi32, #tpu.memory_space<vmem>> -> memref<320xi32, #tpu.memory_space<vmem>>
      %dma_wait3A_115 = tpu.memref_slice %arg3[%mul3A_59] : memref<819200xi32, #tpu.memory_space<hbm>> -> memref<320xi32, #tpu.memory_space<hbm>>
      %dma_wait3A_116 = arith.constant 0 : i32
      %dma_wait3A_117 = tpu.memref_slice %arg20[%dma_wait3A_116] : memref<336xi32, #tpu.memory_space<vmem>> -> memref<320xi32, #tpu.memory_space<vmem>>
      %dma_wait3A_118 = tpu.memref_slice %arg3[%mul3A_59] : memref<819200xi32, #tpu.memory_space<hbm>> -> memref<320xi32, #tpu.memory_space<hbm>>
      tpu.wait_dma2 semaphore(%run_scoped3A : memref<!tpu.dma_semaphore, #tpu.memory_space<semaphore_mem>>) src(%dma_wait3A_118 : memref<320xi32, #tpu.memory_space<hbm>>) dst(%dma_wait3A_117 : memref<320xi32, #tpu.memory_space<vmem>>)
      tpu.yield
    }) : () -> ()
    %add3A_60 = arith.constant 80 : i32
    %add3A_61 = arith.addi %mul3A_2, %add3A_60 : i32
    %dma_start3A = tpu.memref_slice %arg2[%add3A_61] : memref<204800xi32, #tpu.memory_space<hbm>> -> memref<80xi32, #tpu.memory_space<hbm>>
    %dma_start3A_62 = tpu.memref_slice %arg2[%add3A_61] : memref<204800xi32, #tpu.memory_space<hbm>> -> memref<80xi32, #tpu.memory_space<hbm>>
    tpu.enqueue_dma source(%dma_start3A_62 : memref<80xi32, #tpu.memory_space<hbm>>) target(%arg19 : memref<80xi32, #tpu.memory_space<vmem>>) target_semaphore(%arg29 : memref<!tpu.dma_semaphore, #tpu.memory_space<semaphore_mem>>)
    %add3A_63 = arith.constant 80 : i32
    %add3A_64 = arith.addi %mul3A_2, %add3A_63 : i32
    %mul3A_65 = arith.constant 4 : i32
    %mul3A_66 = arith.muli %add3A_64, %mul3A_65 : i32
    %dma_start3A_67 = arith.constant 0 : i32
    %dma_start3A_68 = tpu.memref_slice %arg21[%dma_start3A_67] : memref<336xi32, #tpu.memory_space<vmem>> -> memref<320xi32, #tpu.memory_space<vmem>>
    %dma_start3A_69 = tpu.memref_slice %arg3[%mul3A_66] : memref<819200xi32, #tpu.memory_space<hbm>> -> memref<320xi32, #tpu.memory_space<hbm>>
    %dma_start3A_70 = arith.constant 0 : i32
    %dma_start3A_71 = tpu.memref_slice %arg21[%dma_start3A_70] : memref<336xi32, #tpu.memory_space<vmem>> -> memref<320xi32, #tpu.memory_space<vmem>>
    %dma_start3A_72 = tpu.memref_slice %arg3[%mul3A_66] : memref<819200xi32, #tpu.memory_space<hbm>> -> memref<320xi32, #tpu.memory_space<hbm>>
    tpu.enqueue_dma source(%dma_start3A_72 : memref<320xi32, #tpu.memory_space<hbm>>) target(%dma_start3A_71 : memref<320xi32, #tpu.memory_space<vmem>>) target_semaphore(%arg29 : memref<!tpu.dma_semaphore, #tpu.memory_space<semaphore_mem>>)
    %dma_start3A_73 = arith.constant 0 : i32
    %dma_start3A_74 = arith.constant 0 : i32
    %dma_start3A_75 = tpu.memref_slice %arg4[%dma_start3A_73, %dma_start3A_74] : memref<100000x128xf32, #tpu.memory_space<hbm>> -> memref<100000x128xf32, #tpu.memory_space<hbm>>
    tpu.enqueue_indirect_dma source(%dma_start3A_75 : memref<100000x128xf32, #tpu.memory_space<hbm>>) target(%arg22 : memref<80x128xf32, #tpu.memory_space<vmem>>) offsets(%arg18 : memref<80xi32, #tpu.memory_space<vmem>>) semaphore(%arg26 : memref<!tpu.dma_semaphore, #tpu.memory_space<semaphore_mem>>)
    %scan3A = arith.constant 0 : i32
    %scan3A_76 = arith.constant 0 : i32
    %scan3A_77 = arith.constant 40 : i32
    %scan3A_78 = arith.addi %scan3A_76, %scan3A_77 : i32
    %scan3A_79 = arith.constant 1 : i32
    %scan3A_80 = scf.for %scan3A_107 = %scan3A_76 to %scan3A_78 step %scan3A_79 iter_args(%scan3A_108 = %scan3A) -> (i32)  : i32 {
      %mul3A_109 = arith.constant 2 : i32
      %mul3A_110 = arith.muli %scan3A_107, %mul3A_109 : i32
      %add3A_111 = arith.constant 0 : i32
      %add3A_112 = arith.addi %mul3A_110, %add3A_111 : i32
      %dma_wait3A_113 = arith.constant 0 : i32
      %dma_wait3A_114 = arith.constant 0 : i32
      %dma_wait3A_115 = tpu.memref_slice %arg4[%dma_wait3A_113, %dma_wait3A_114] : memref<100000x128xf32, #tpu.memory_space<hbm>> -> memref<80x128xf32, #tpu.memory_space<hbm>>
      %dma_wait3A_116 = arith.constant 0 : i32
      %dma_wait3A_117 = arith.constant 0 : i32
      %dma_wait3A_118 = tpu.memref_slice %arg4[%dma_wait3A_116, %dma_wait3A_117] : memref<100000x128xf32, #tpu.memory_space<hbm>> -> memref<80x128xf32, #tpu.memory_space<hbm>>
      tpu.wait_dma2 semaphore(%arg26 : memref<!tpu.dma_semaphore, #tpu.memory_space<semaphore_mem>>) src(%dma_wait3A_118 : memref<80x128xf32, #tpu.memory_space<hbm>>) dst(%arg22 : memref<80x128xf32, #tpu.memory_space<vmem>>)
      %dma_wait3A_119 = arith.constant 0 : i32
      %dma_wait3A_120 = tpu.memref_slice %arg2[%dma_wait3A_119] : memref<204800xi32, #tpu.memory_space<hbm>> -> memref<80xi32, #tpu.memory_space<hbm>>
      %dma_wait3A_121 = arith.constant 0 : i32
      %dma_wait3A_122 = tpu.memref_slice %arg2[%dma_wait3A_121] : memref<204800xi32, #tpu.memory_space<hbm>> -> memref<80xi32, #tpu.memory_space<hbm>>
      tpu.wait_dma2 semaphore(%arg29 : memref<!tpu.dma_semaphore, #tpu.memory_space<semaphore_mem>>) src(%dma_wait3A_122 : memref<80xi32, #tpu.memory_space<hbm>>) dst(%arg19 : memref<80xi32, #tpu.memory_space<vmem>>)
      %dma_wait3A_123 = arith.constant 0 : i32
      %dma_wait3A_124 = tpu.memref_slice %arg21[%dma_wait3A_123] : memref<336xi32, #tpu.memory_space<vmem>> -> memref<320xi32, #tpu.memory_space<vmem>>
      %dma_wait3A_125 = arith.constant 0 : i32
      %dma_wait3A_126 = tpu.memref_slice %arg3[%dma_wait3A_125] : memref<819200xi32, #tpu.memory_space<hbm>> -> memref<320xi32, #tpu.memory_space<hbm>>
      %dma_wait3A_127 = arith.constant 0 : i32
      %dma_wait3A_128 = tpu.memref_slice %arg21[%dma_wait3A_127] : memref<336xi32, #tpu.memory_space<vmem>> -> memref<320xi32, #tpu.memory_space<vmem>>
      %dma_wait3A_129 = arith.constant 0 : i32
      %dma_wait3A_130 = tpu.memref_slice %arg3[%dma_wait3A_129] : memref<819200xi32, #tpu.memory_space<hbm>> -> memref<320xi32, #tpu.memory_space<hbm>>
      tpu.wait_dma2 semaphore(%arg29 : memref<!tpu.dma_semaphore, #tpu.memory_space<semaphore_mem>>) src(%dma_wait3A_130 : memref<320xi32, #tpu.memory_space<hbm>>) dst(%dma_wait3A_128 : memref<320xi32, #tpu.memory_space<vmem>>)
      %dma_start3A_131 = arith.constant 0 : i32
      %dma_start3A_132 = arith.constant 0 : i32
      %dma_start3A_133 = tpu.memref_slice %arg4[%dma_start3A_131, %dma_start3A_132] : memref<100000x128xf32, #tpu.memory_space<hbm>> -> memref<100000x128xf32, #tpu.memory_space<hbm>>
      tpu.enqueue_indirect_dma source(%dma_start3A_133 : memref<100000x128xf32, #tpu.memory_space<hbm>>) target(%arg23 : memref<80x128xf32, #tpu.memory_space<vmem>>) offsets(%arg19 : memref<80xi32, #tpu.memory_space<vmem>>) semaphore(%arg27 : memref<!tpu.dma_semaphore, #tpu.memory_space<semaphore_mem>>)
      %ge3A = arith.constant 1 : i32
      %ge3A_134 = arith.cmpi sge, %scan3A_107, %ge3A : i32
      %convert_element_type3A = arith.extui %ge3A_134 : i1 to i32
      %cond3A = arith.constant 0 : i32
      %cond3A_135 = arith.cmpi ne, %convert_element_type3A, %cond3A : i32
      scf.if %cond3A_135 {
        %dma_wait3A_225 = arith.constant 0 : i32
        %dma_wait3A_226 = tpu.memref_slice %arg11[%mul3A_2, %dma_wait3A_225] : memref<204800x128xf32, #tpu.memory_space<hbm>> -> memref<80x128xf32, #tpu.memory_space<hbm>>
        %dma_wait3A_227 = arith.constant 0 : i32
        %dma_wait3A_228 = tpu.memref_slice %arg11[%mul3A_2, %dma_wait3A_227] : memref<204800x128xf32, #tpu.memory_space<hbm>> -> memref<80x128xf32, #tpu.memory_space<hbm>>
        tpu.wait_dma2 semaphore(%arg30 : memref<!tpu.dma_semaphore, #tpu.memory_space<semaphore_mem>>) src(%arg24 : memref<80x128xf32, #tpu.memory_space<vmem>>) dst(%dma_wait3A_228 : memref<80x128xf32, #tpu.memory_space<hbm>>)
      } else {
      }
      %parallel_loop3A = arith.constant 0 : i32
      %parallel_loop3A_136 = arith.constant 80 : i32
      %parallel_loop3A_137 = arith.constant 1 : i32
      scf.for %parallel_loop3A_225 = %parallel_loop3A to %parallel_loop3A_136 step %parallel_loop3A_137  : i32 {
        %parallel_loop3A_226 = arith.constant 4 : i32
        %parallel_loop3A_227 = arith.muli %parallel_loop3A_225, %parallel_loop3A_226 : i32
        %parallel_loop3A_228 = arith.index_cast %parallel_loop3A_227 : i32 to index
        %parallel_loop3A_229 = tpu.vector_load %arg20[%parallel_loop3A_228] {strides = array<i32>} : memref<336xi32, #tpu.memory_space<vmem>>, vector<16xi32>,
        %parallel_loop3A_230 = arith.constant 0 : i32
        %parallel_loop3A_231 = vector.broadcast %parallel_loop3A_230 : i32 to vector<16xi32>
        %parallel_loop3A_232 = arith.constant 0 : i32
        %parallel_loop3A_233 = vector.broadcast %parallel_loop3A_232 : i32 to vector<16xi32>
        %parallel_loop3A_234 = arith.cmpi slt, %parallel_loop3A_231, %parallel_loop3A_233 : vector<16xi32>
        %parallel_loop3A_235 = arith.constant 16 : i32
        %parallel_loop3A_236 = vector.broadcast %parallel_loop3A_235 : i32 to vector<16xi32>
        %parallel_loop3A_237 = arith.addi %parallel_loop3A_231, %parallel_loop3A_236 : vector<16xi32>
        %parallel_loop3A_238 = arith.select %parallel_loop3A_234, %parallel_loop3A_237, %parallel_loop3A_231 : vector<16xi1>, vector<16xi32>
        %parallel_loop3A_239 = vector.shape_cast %parallel_loop3A_238 : vector<16xi32> to vector<16x1xi32>
        %parallel_loop3A_240 = vector.shape_cast %parallel_loop3A_239 : vector<16x1xi32> to vector<16xi32>
        %parallel_loop3A_241 = tpu.dynamic_gather %parallel_loop3A_229[%parallel_loop3A_240] in [0] : vector<16xi32>, vector<16xi32> -> vector<16xi32>
        %parallel_loop3A_242 = arith.constant 1 : i32
        %parallel_loop3A_243 = vector.broadcast %parallel_loop3A_242 : i32 to vector<16xi32>
        %parallel_loop3A_244 = arith.constant 0 : i32
        %parallel_loop3A_245 = vector.broadcast %parallel_loop3A_244 : i32 to vector<16xi32>
        %parallel_loop3A_246 = arith.cmpi slt, %parallel_loop3A_243, %parallel_loop3A_245 : vector<16xi32>
        %parallel_loop3A_247 = arith.constant 16 : i32
        %parallel_loop3A_248 = vector.broadcast %parallel_loop3A_247 : i32 to vector<16xi32>
        %parallel_loop3A_249 = arith.addi %parallel_loop3A_243, %parallel_loop3A_248 : vector<16xi32>
        %parallel_loop3A_250 = arith.select %parallel_loop3A_246, %parallel_loop3A_249, %parallel_loop3A_243 : vector<16xi1>, vector<16xi32>
        %parallel_loop3A_251 = vector.shape_cast %parallel_loop3A_250 : vector<16xi32> to vector<16x1xi32>
        %parallel_loop3A_252 = vector.shape_cast %parallel_loop3A_251 : vector<16x1xi32> to vector<16xi32>
        %parallel_loop3A_253 = tpu.dynamic_gather %parallel_loop3A_229[%parallel_loop3A_252] in [0] : vector<16xi32>, vector<16xi32> -> vector<16xi32>
        %parallel_loop3A_254 = arith.constant 2 : i32
        %parallel_loop3A_255 = vector.broadcast %parallel_loop3A_254 : i32 to vector<16xi32>
        %parallel_loop3A_256 = arith.constant 0 : i32
        %parallel_loop3A_257 = vector.broadcast %parallel_loop3A_256 : i32 to vector<16xi32>
        %parallel_loop3A_258 = arith.cmpi slt, %parallel_loop3A_255, %parallel_loop3A_257 : vector<16xi32>
        %parallel_loop3A_259 = arith.constant 16 : i32
        %parallel_loop3A_260 = vector.broadcast %parallel_loop3A_259 : i32 to vector<16xi32>
        %parallel_loop3A_261 = arith.addi %parallel_loop3A_255, %parallel_loop3A_260 : vector<16xi32>
        %parallel_loop3A_262 = arith.select %parallel_loop3A_258, %parallel_loop3A_261, %parallel_loop3A_255 : vector<16xi1>, vector<16xi32>
        %parallel_loop3A_263 = vector.shape_cast %parallel_loop3A_262 : vector<16xi32> to vector<16x1xi32>
        %parallel_loop3A_264 = vector.shape_cast %parallel_loop3A_263 : vector<16x1xi32> to vector<16xi32>
        %parallel_loop3A_265 = tpu.dynamic_gather %parallel_loop3A_229[%parallel_loop3A_264] in [0] : vector<16xi32>, vector<16xi32> -> vector<16xi32>
        %parallel_loop3A_266 = arith.constant 3 : i32
        %parallel_loop3A_267 = vector.broadcast %parallel_loop3A_266 : i32 to vector<16xi32>
        %parallel_loop3A_268 = arith.constant 0 : i32
        %parallel_loop3A_269 = vector.broadcast %parallel_loop3A_268 : i32 to vector<16xi32>
        %parallel_loop3A_270 = arith.cmpi slt, %parallel_loop3A_267, %parallel_loop3A_269 : vector<16xi32>
        %parallel_loop3A_271 = arith.constant 16 : i32
        %parallel_loop3A_272 = vector.broadcast %parallel_loop3A_271 : i32 to vector<16xi32>
        %parallel_loop3A_273 = arith.addi %parallel_loop3A_267, %parallel_loop3A_272 : vector<16xi32>
        %parallel_loop3A_274 = arith.select %parallel_loop3A_270, %parallel_loop3A_273, %parallel_loop3A_267 : vector<16xi1>, vector<16xi32>
        %parallel_loop3A_275 = vector.shape_cast %parallel_loop3A_274 : vector<16xi32> to vector<16x1xi32>
        %parallel_loop3A_276 = vector.shape_cast %parallel_loop3A_275 : vector<16x1xi32> to vector<16xi32>
        %parallel_loop3A_277 = tpu.dynamic_gather %parallel_loop3A_229[%parallel_loop3A_276] in [0] : vector<16xi32>, vector<16xi32> -> vector<16xi32>
        %parallel_loop3A_278 = arith.index_cast %parallel_loop3A_225 : i32 to index
        %parallel_loop3A_279 = arith.constant 0 : index
        %parallel_loop3A_280 = tpu.vector_load %arg22[%parallel_loop3A_278, %parallel_loop3A_279] {strides = array<i32>} : memref<80x128xf32, #tpu.memory_space<vmem>>, vector<16xf32>,
        %parallel_loop3A_281 = arith.addi %parallel_loop3A_241, %add3A_5 : vector<16xi32>
        %parallel_loop3A_282 = tpu.vector_load_idx %arg12[%parallel_loop3A_281] : memref<15360xf32, #tpu.memory_space<vmem>>[vector<16xi32>], vector<16xf32>,
        %parallel_loop3A_283 = arith.addf %parallel_loop3A_280, %parallel_loop3A_282 : vector<16xf32>
        %parallel_loop3A_284 = arith.addi %parallel_loop3A_253, %add3A_5 : vector<16xi32>
        %parallel_loop3A_285 = tpu.vector_load_idx %arg13[%parallel_loop3A_284] : memref<12800xf32, #tpu.memory_space<vmem>>[vector<16xi32>], vector<16xf32>,
        %parallel_loop3A_286 = arith.addf %parallel_loop3A_283, %parallel_loop3A_285 : vector<16xf32>
        %parallel_loop3A_287 = arith.addi %parallel_loop3A_265, %add3A_5 : vector<16xi32>
        %parallel_loop3A_288 = tpu.vector_load_idx %arg14[%parallel_loop3A_287] : memref<32768xf32, #tpu.memory_space<vmem>>[vector<16xi32>], vector<16xf32>,
        %parallel_loop3A_289 = arith.addf %parallel_loop3A_286, %parallel_loop3A_288 : vector<16xf32>
        %parallel_loop3A_290 = arith.addi %parallel_loop3A_277, %add3A_5 : vector<16xi32>
        %parallel_loop3A_291 = tpu.vector_load_idx %arg15[%parallel_loop3A_290] : memref<2048xf32, #tpu.memory_space<vmem>>[vector<16xi32>], vector<16xf32>,
        %parallel_loop3A_292 = arith.addf %parallel_loop3A_289, %parallel_loop3A_291 : vector<16xf32>
        %parallel_loop3A_293 = arith.index_cast %parallel_loop3A_225 : i32 to index
        %parallel_loop3A_294 = arith.constant 16 : index
        %parallel_loop3A_295 = tpu.vector_load %arg22[%parallel_loop3A_293, %parallel_loop3A_294] {strides = array<i32>} : memref<80x128xf32, #tpu.memory_space<vmem>>, vector<16xf32>,
        %parallel_loop3A_296 = arith.addi %parallel_loop3A_241, %add3A_8 : vector<16xi32>
        %parallel_loop3A_297 = tpu.vector_load_idx %arg12[%parallel_loop3A_296] : memref<15360xf32, #tpu.memory_space<vmem>>[vector<16xi32>], vector<16xf32>,
        %parallel_loop3A_298 = arith.addf %parallel_loop3A_295, %parallel_loop3A_297 : vector<16xf32>
        %parallel_loop3A_299 = arith.addi %parallel_loop3A_253, %add3A_8 : vector<16xi32>
        %parallel_loop3A_300 = tpu.vector_load_idx %arg13[%parallel_loop3A_299] : memref<12800xf32, #tpu.memory_space<vmem>>[vector<16xi32>], vector<16xf32>,
        %parallel_loop3A_301 = arith.addf %parallel_loop3A_298, %parallel_loop3A_300 : vector<16xf32>
        %parallel_loop3A_302 = arith.addi %parallel_loop3A_265, %add3A_8 : vector<16xi32>
        %parallel_loop3A_303 = tpu.vector_load_idx %arg14[%parallel_loop3A_302] : memref<32768xf32, #tpu.memory_space<vmem>>[vector<16xi32>], vector<16xf32>,
        %parallel_loop3A_304 = arith.addf %parallel_loop3A_301, %parallel_loop3A_303 : vector<16xf32>
        %parallel_loop3A_305 = arith.addi %parallel_loop3A_277, %add3A_8 : vector<16xi32>
        %parallel_loop3A_306 = tpu.vector_load_idx %arg15[%parallel_loop3A_305] : memref<2048xf32, #tpu.memory_space<vmem>>[vector<16xi32>], vector<16xf32>,
        %parallel_loop3A_307 = arith.addf %parallel_loop3A_304, %parallel_loop3A_306 : vector<16xf32>
        %parallel_loop3A_308 = arith.index_cast %parallel_loop3A_225 : i32 to index
        %parallel_loop3A_309 = arith.constant 32 : index
        %parallel_loop3A_310 = tpu.vector_load %arg22[%parallel_loop3A_308, %parallel_loop3A_309] {strides = array<i32>} : memref<80x128xf32, #tpu.memory_space<vmem>>, vector<16xf32>,
        %parallel_loop3A_311 = arith.addi %parallel_loop3A_241, %add3A_11 : vector<16xi32>
        %parallel_loop3A_312 = tpu.vector_load_idx %arg12[%parallel_loop3A_311] : memref<15360xf32, #tpu.memory_space<vmem>>[vector<16xi32>], vector<16xf32>,
        %parallel_loop3A_313 = arith.addf %parallel_loop3A_310, %parallel_loop3A_312 : vector<16xf32>
        %parallel_loop3A_314 = arith.addi %parallel_loop3A_253, %add3A_11 : vector<16xi32>
        %parallel_loop3A_315 = tpu.vector_load_idx %arg13[%parallel_loop3A_314] : memref<12800xf32, #tpu.memory_space<vmem>>[vector<16xi32>], vector<16xf32>,
        %parallel_loop3A_316 = arith.addf %parallel_loop3A_313, %parallel_loop3A_315 : vector<16xf32>
        %parallel_loop3A_317 = arith.addi %parallel_loop3A_265, %add3A_11 : vector<16xi32>
        %parallel_loop3A_318 = tpu.vector_load_idx %arg14[%parallel_loop3A_317] : memref<32768xf32, #tpu.memory_space<vmem>>[vector<16xi32>], vector<16xf32>,
        %parallel_loop3A_319 = arith.addf %parallel_loop3A_316, %parallel_loop3A_318 : vector<16xf32>
        %parallel_loop3A_320 = arith.addi %parallel_loop3A_277, %add3A_11 : vector<16xi32>
        %parallel_loop3A_321 = tpu.vector_load_idx %arg15[%parallel_loop3A_320] : memref<2048xf32, #tpu.memory_space<vmem>>[vector<16xi32>], vector<16xf32>,
        %parallel_loop3A_322 = arith.addf %parallel_loop3A_319, %parallel_loop3A_321 : vector<16xf32>
        %parallel_loop3A_323 = arith.index_cast %parallel_loop3A_225 : i32 to index
        %parallel_loop3A_324 = arith.constant 48 : index
        %parallel_loop3A_325 = tpu.vector_load %arg22[%parallel_loop3A_323, %parallel_loop3A_324] {strides = array<i32>} : memref<80x128xf32, #tpu.memory_space<vmem>>, vector<16xf32>,
        %parallel_loop3A_326 = arith.addi %parallel_loop3A_241, %add3A_14 : vector<16xi32>
        %parallel_loop3A_327 = tpu.vector_load_idx %arg12[%parallel_loop3A_326] : memref<15360xf32, #tpu.memory_space<vmem>>[vector<16xi32>], vector<16xf32>,
        %parallel_loop3A_328 = arith.addf %parallel_loop3A_325, %parallel_loop3A_327 : vector<16xf32>
        %parallel_loop3A_329 = arith.addi %parallel_loop3A_253, %add3A_14 : vector<16xi32>
        %parallel_loop3A_330 = tpu.vector_load_idx %arg13[%parallel_loop3A_329] : memref<12800xf32, #tpu.memory_space<vmem>>[vector<16xi32>], vector<16xf32>,
        %parallel_loop3A_331 = arith.addf %parallel_loop3A_328, %parallel_loop3A_330 : vector<16xf32>
        %parallel_loop3A_332 = arith.addi %parallel_loop3A_265, %add3A_14 : vector<16xi32>
        %parallel_loop3A_333 = tpu.vector_load_idx %arg14[%parallel_loop3A_332] : memref<32768xf32, #tpu.memory_space<vmem>>[vector<16xi32>], vector<16xf32>,
        %parallel_loop3A_334 = arith.addf %parallel_loop3A_331, %parallel_loop3A_333 : vector<16xf32>
        %parallel_loop3A_335 = arith.addi %parallel_loop3A_277, %add3A_14 : vector<16xi32>
        %parallel_loop3A_336 = tpu.vector_load_idx %arg15[%parallel_loop3A_335] : memref<2048xf32, #tpu.memory_space<vmem>>[vector<16xi32>], vector<16xf32>,
        %parallel_loop3A_337 = arith.addf %parallel_loop3A_334, %parallel_loop3A_336 : vector<16xf32>
        %parallel_loop3A_338 = arith.index_cast %parallel_loop3A_225 : i32 to index
        %parallel_loop3A_339 = arith.constant 64 : index
        %parallel_loop3A_340 = tpu.vector_load %arg22[%parallel_loop3A_338, %parallel_loop3A_339] {strides = array<i32>} : memref<80x128xf32, #tpu.memory_space<vmem>>, vector<16xf32>,
        %parallel_loop3A_341 = arith.addi %parallel_loop3A_241, %add3A_17 : vector<16xi32>
        %parallel_loop3A_342 = tpu.vector_load_idx %arg12[%parallel_loop3A_341] : memref<15360xf32, #tpu.memory_space<vmem>>[vector<16xi32>], vector<16xf32>,
        %parallel_loop3A_343 = arith.addf %parallel_loop3A_340, %parallel_loop3A_342 : vector<16xf32>
        %parallel_loop3A_344 = arith.addi %parallel_loop3A_253, %add3A_17 : vector<16xi32>
        %parallel_loop3A_345 = tpu.vector_load_idx %arg13[%parallel_loop3A_344] : memref<12800xf32, #tpu.memory_space<vmem>>[vector<16xi32>], vector<16xf32>,
        %parallel_loop3A_346 = arith.addf %parallel_loop3A_343, %parallel_loop3A_345 : vector<16xf32>
        %parallel_loop3A_347 = arith.addi %parallel_loop3A_265, %add3A_17 : vector<16xi32>
        %parallel_loop3A_348 = tpu.vector_load_idx %arg14[%parallel_loop3A_347] : memref<32768xf32, #tpu.memory_space<vmem>>[vector<16xi32>], vector<16xf32>,
        %parallel_loop3A_349 = arith.addf %parallel_loop3A_346, %parallel_loop3A_348 : vector<16xf32>
        %parallel_loop3A_350 = arith.addi %parallel_loop3A_277, %add3A_17 : vector<16xi32>
        %parallel_loop3A_351 = tpu.vector_load_idx %arg15[%parallel_loop3A_350] : memref<2048xf32, #tpu.memory_space<vmem>>[vector<16xi32>], vector<16xf32>,
        %parallel_loop3A_352 = arith.addf %parallel_loop3A_349, %parallel_loop3A_351 : vector<16xf32>
        %parallel_loop3A_353 = arith.index_cast %parallel_loop3A_225 : i32 to index
        %parallel_loop3A_354 = arith.constant 80 : index
        %parallel_loop3A_355 = tpu.vector_load %arg22[%parallel_loop3A_353, %parallel_loop3A_354] {strides = array<i32>} : memref<80x128xf32, #tpu.memory_space<vmem>>, vector<16xf32>,
        %parallel_loop3A_356 = arith.addi %parallel_loop3A_241, %add3A_20 : vector<16xi32>
        %parallel_loop3A_357 = tpu.vector_load_idx %arg12[%parallel_loop3A_356] : memref<15360xf32, #tpu.memory_space<vmem>>[vector<16xi32>], vector<16xf32>,
        %parallel_loop3A_358 = arith.addf %parallel_loop3A_355, %parallel_loop3A_357 : vector<16xf32>
        %parallel_loop3A_359 = arith.addi %parallel_loop3A_253, %add3A_20 : vector<16xi32>
        %parallel_loop3A_360 = tpu.vector_load_idx %arg13[%parallel_loop3A_359] : memref<12800xf32, #tpu.memory_space<vmem>>[vector<16xi32>], vector<16xf32>,
        %parallel_loop3A_361 = arith.addf %parallel_loop3A_358, %parallel_loop3A_360 : vector<16xf32>
        %parallel_loop3A_362 = arith.addi %parallel_loop3A_265, %add3A_20 : vector<16xi32>
        %parallel_loop3A_363 = tpu.vector_load_idx %arg14[%parallel_loop3A_362] : memref<32768xf32, #tpu.memory_space<vmem>>[vector<16xi32>], vector<16xf32>,
        %parallel_loop3A_364 = arith.addf %parallel_loop3A_361, %parallel_loop3A_363 : vector<16xf32>
        %parallel_loop3A_365 = arith.addi %parallel_loop3A_277, %add3A_20 : vector<16xi32>
        %parallel_loop3A_366 = tpu.vector_load_idx %arg15[%parallel_loop3A_365] : memref<2048xf32, #tpu.memory_space<vmem>>[vector<16xi32>], vector<16xf32>,
        %parallel_loop3A_367 = arith.addf %parallel_loop3A_364, %parallel_loop3A_366 : vector<16xf32>
        %parallel_loop3A_368 = arith.index_cast %parallel_loop3A_225 : i32 to index
        %parallel_loop3A_369 = arith.constant 96 : index
        %parallel_loop3A_370 = tpu.vector_load %arg22[%parallel_loop3A_368, %parallel_loop3A_369] {strides = array<i32>} : memref<80x128xf32, #tpu.memory_space<vmem>>, vector<16xf32>,
        %parallel_loop3A_371 = arith.addi %parallel_loop3A_241, %add3A_23 : vector<16xi32>
        %parallel_loop3A_372 = tpu.vector_load_idx %arg12[%parallel_loop3A_371] : memref<15360xf32, #tpu.memory_space<vmem>>[vector<16xi32>], vector<16xf32>,
        %parallel_loop3A_373 = arith.addf %parallel_loop3A_370, %parallel_loop3A_372 : vector<16xf32>
        %parallel_loop3A_374 = arith.addi %parallel_loop3A_253, %add3A_23 : vector<16xi32>
        %parallel_loop3A_375 = tpu.vector_load_idx %arg13[%parallel_loop3A_374] : memref<12800xf32, #tpu.memory_space<vmem>>[vector<16xi32>], vector<16xf32>,
        %parallel_loop3A_376 = arith.addf %parallel_loop3A_373, %parallel_loop3A_375 : vector<16xf32>
        %parallel_loop3A_377 = arith.addi %parallel_loop3A_265, %add3A_23 : vector<16xi32>
        %parallel_loop3A_378 = tpu.vector_load_idx %arg14[%parallel_loop3A_377] : memref<32768xf32, #tpu.memory_space<vmem>>[vector<16xi32>], vector<16xf32>,
        %parallel_loop3A_379 = arith.addf %parallel_loop3A_376, %parallel_loop3A_378 : vector<16xf32>
        %parallel_loop3A_380 = arith.addi %parallel_loop3A_277, %add3A_23 : vector<16xi32>
        %parallel_loop3A_381 = tpu.vector_load_idx %arg15[%parallel_loop3A_380] : memref<2048xf32, #tpu.memory_space<vmem>>[vector<16xi32>], vector<16xf32>,
        %parallel_loop3A_382 = arith.addf %parallel_loop3A_379, %parallel_loop3A_381 : vector<16xf32>
        %parallel_loop3A_383 = arith.index_cast %parallel_loop3A_225 : i32 to index
        %parallel_loop3A_384 = arith.constant 112 : index
        %parallel_loop3A_385 = tpu.vector_load %arg22[%parallel_loop3A_383, %parallel_loop3A_384] {strides = array<i32>} : memref<80x128xf32, #tpu.memory_space<vmem>>, vector<16xf32>,
        %parallel_loop3A_386 = arith.addi %parallel_loop3A_241, %add3A_26 : vector<16xi32>
        %parallel_loop3A_387 = tpu.vector_load_idx %arg12[%parallel_loop3A_386] : memref<15360xf32, #tpu.memory_space<vmem>>[vector<16xi32>], vector<16xf32>,
        %parallel_loop3A_388 = arith.addf %parallel_loop3A_385, %parallel_loop3A_387 : vector<16xf32>
        %parallel_loop3A_389 = arith.addi %parallel_loop3A_253, %add3A_26 : vector<16xi32>
        %parallel_loop3A_390 = tpu.vector_load_idx %arg13[%parallel_loop3A_389] : memref<12800xf32, #tpu.memory_space<vmem>>[vector<16xi32>], vector<16xf32>,
        %parallel_loop3A_391 = arith.addf %parallel_loop3A_388, %parallel_loop3A_390 : vector<16xf32>
        %parallel_loop3A_392 = arith.addi %parallel_loop3A_265, %add3A_26 : vector<16xi32>
        %parallel_loop3A_393 = tpu.vector_load_idx %arg14[%parallel_loop3A_392] : memref<32768xf32, #tpu.memory_space<vmem>>[vector<16xi32>], vector<16xf32>,
        %parallel_loop3A_394 = arith.addf %parallel_loop3A_391, %parallel_loop3A_393 : vector<16xf32>
        %parallel_loop3A_395 = arith.addi %parallel_loop3A_277, %add3A_26 : vector<16xi32>
        %parallel_loop3A_396 = tpu.vector_load_idx %arg15[%parallel_loop3A_395] : memref<2048xf32, #tpu.memory_space<vmem>>[vector<16xi32>], vector<16xf32>,
        %parallel_loop3A_397 = arith.addf %parallel_loop3A_394, %parallel_loop3A_396 : vector<16xf32>
        %parallel_loop3A_398 = arith.mulf %parallel_loop3A_292, %parallel_loop3A_292 : vector<16xf32>
        %parallel_loop3A_399 = arith.addf %parallel_loop3A_292, %parallel_loop3A_307 : vector<16xf32>
        %parallel_loop3A_400 = arith.mulf %parallel_loop3A_307, %parallel_loop3A_307 : vector<16xf32>
        %parallel_loop3A_401 = arith.addf %parallel_loop3A_398, %parallel_loop3A_400 : vector<16xf32>
        %parallel_loop3A_402 = arith.addf %parallel_loop3A_399, %parallel_loop3A_322 : vector<16xf32>
        %parallel_loop3A_403 = arith.mulf %parallel_loop3A_322, %parallel_loop3A_322 : vector<16xf32>
        %parallel_loop3A_404 = arith.addf %parallel_loop3A_401, %parallel_loop3A_403 : vector<16xf32>
        %parallel_loop3A_405 = arith.addf %parallel_loop3A_402, %parallel_loop3A_337 : vector<16xf32>
        %parallel_loop3A_406 = arith.mulf %parallel_loop3A_337, %parallel_loop3A_337 : vector<16xf32>
        %parallel_loop3A_407 = arith.addf %parallel_loop3A_404, %parallel_loop3A_406 : vector<16xf32>
        %parallel_loop3A_408 = arith.addf %parallel_loop3A_405, %parallel_loop3A_352 : vector<16xf32>
        %parallel_loop3A_409 = arith.mulf %parallel_loop3A_352, %parallel_loop3A_352 : vector<16xf32>
        %parallel_loop3A_410 = arith.addf %parallel_loop3A_407, %parallel_loop3A_409 : vector<16xf32>
        %parallel_loop3A_411 = arith.addf %parallel_loop3A_408, %parallel_loop3A_367 : vector<16xf32>
        %parallel_loop3A_412 = arith.mulf %parallel_loop3A_367, %parallel_loop3A_367 : vector<16xf32>
        %parallel_loop3A_413 = arith.addf %parallel_loop3A_410, %parallel_loop3A_412 : vector<16xf32>
        %parallel_loop3A_414 = arith.addf %parallel_loop3A_411, %parallel_loop3A_382 : vector<16xf32>
        %parallel_loop3A_415 = arith.mulf %parallel_loop3A_382, %parallel_loop3A_382 : vector<16xf32>
        %parallel_loop3A_416 = arith.addf %parallel_loop3A_413, %parallel_loop3A_415 : vector<16xf32>
        %parallel_loop3A_417 = arith.addf %parallel_loop3A_414, %parallel_loop3A_397 : vector<16xf32>
        %parallel_loop3A_418 = arith.mulf %parallel_loop3A_397, %parallel_loop3A_397 : vector<16xf32>
        %parallel_loop3A_419 = arith.addf %parallel_loop3A_416, %parallel_loop3A_418 : vector<16xf32>
        %parallel_loop3A_420 = arith.constant true
        %parallel_loop3A_421 = vector.broadcast %parallel_loop3A_420 : i1 to vector<16xi1>
        %parallel_loop3A_422 = tpu.scan <sum>, %parallel_loop3A_417 masked %parallel_loop3A_421 : vector<16xf32>, vector<16xi1> -> vector<16xf32>
        %parallel_loop3A_423 = vector.extract %parallel_loop3A_422[15] : f32 from vector<16xf32>
        %parallel_loop3A_424 = arith.constant true
        %parallel_loop3A_425 = vector.broadcast %parallel_loop3A_424 : i1 to vector<16xi1>
        %parallel_loop3A_426 = tpu.scan <sum>, %parallel_loop3A_419 masked %parallel_loop3A_425 : vector<16xf32>, vector<16xi1> -> vector<16xf32>
        %parallel_loop3A_427 = vector.extract %parallel_loop3A_426[15] : f32 from vector<16xf32>
        %parallel_loop3A_428 = arith.constant 7.812500e-03 : f32
        %parallel_loop3A_429 = arith.mulf %parallel_loop3A_423, %parallel_loop3A_428 : f32
        %parallel_loop3A_430 = arith.constant 7.812500e-03 : f32
        %parallel_loop3A_431 = arith.mulf %parallel_loop3A_427, %parallel_loop3A_430 : f32
        %parallel_loop3A_432 = arith.mulf %parallel_loop3A_429, %parallel_loop3A_429 : f32
        %parallel_loop3A_433 = arith.subf %parallel_loop3A_431, %parallel_loop3A_432 : f32
        %parallel_loop3A_434 = arith.constant 0.000000e+00 : f32
        %parallel_loop3A_435 = arith.maximumf %parallel_loop3A_433, %parallel_loop3A_434 : f32
        %parallel_loop3A_436 = arith.constant 9.99999996E-13 : f32
        %parallel_loop3A_437 = arith.addf %parallel_loop3A_435, %parallel_loop3A_436 : f32
        %parallel_loop3A_438 = vector.broadcast %parallel_loop3A_429 : f32 to vector<16xf32>
        %parallel_loop3A_439 = arith.bitcast %parallel_loop3A_437 : f32 to i32
        %parallel_loop3A_440 = arith.constant 1 : i32
        %parallel_loop3A_441 = arith.shrsi %parallel_loop3A_439, %parallel_loop3A_440 : i32
        %parallel_loop3A_442 = arith.constant 1597463007 : i32
        %parallel_loop3A_443 = arith.subi %parallel_loop3A_442, %parallel_loop3A_441 : i32
        %parallel_loop3A_444 = arith.bitcast %parallel_loop3A_443 : i32 to f32
        %parallel_loop3A_445 = arith.constant 5.000000e-01 : f32
        %parallel_loop3A_446 = arith.mulf %parallel_loop3A_445, %parallel_loop3A_437 : f32
        %parallel_loop3A_447 = arith.mulf %parallel_loop3A_446, %parallel_loop3A_444 : f32
        %parallel_loop3A_448 = arith.mulf %parallel_loop3A_447, %parallel_loop3A_444 : f32
        %parallel_loop3A_449 = arith.constant 1.500000e+00 : f32
        %parallel_loop3A_450 = arith.subf %parallel_loop3A_449, %parallel_loop3A_448 : f32
        %parallel_loop3A_451 = arith.mulf %parallel_loop3A_444, %parallel_loop3A_450 : f32
        %parallel_loop3A_452 = arith.constant 5.000000e-01 : f32
        %parallel_loop3A_453 = arith.mulf %parallel_loop3A_452, %parallel_loop3A_437 : f32
        %parallel_loop3A_454 = arith.mulf %parallel_loop3A_453, %parallel_loop3A_451 : f32
        %parallel_loop3A_455 = arith.mulf %parallel_loop3A_454, %parallel_loop3A_451 : f32
        %parallel_loop3A_456 = arith.constant 1.500000e+00 : f32
        %parallel_loop3A_457 = arith.subf %parallel_loop3A_456, %parallel_loop3A_455 : f32
        %parallel_loop3A_458 = arith.mulf %parallel_loop3A_451, %parallel_loop3A_457 : f32
        %parallel_loop3A_459 = arith.constant 5.000000e-01 : f32
        %parallel_loop3A_460 = arith.mulf %parallel_loop3A_459, %parallel_loop3A_437 : f32
        %parallel_loop3A_461 = arith.mulf %parallel_loop3A_460, %parallel_loop3A_458 : f32
        %parallel_loop3A_462 = arith.mulf %parallel_loop3A_461, %parallel_loop3A_458 : f32
        %parallel_loop3A_463 = arith.constant 1.500000e+00 : f32
        %parallel_loop3A_464 = arith.subf %parallel_loop3A_463, %parallel_loop3A_462 : f32
        %parallel_loop3A_465 = arith.mulf %parallel_loop3A_458, %parallel_loop3A_464 : f32
        %parallel_loop3A_466 = vector.broadcast %parallel_loop3A_465 : f32 to vector<16xf32>
        %parallel_loop3A_467 = arith.mulf %parallel_loop3A_466, %get3A_27 : vector<16xf32>
        %parallel_loop3A_468 = arith.subf %parallel_loop3A_292, %parallel_loop3A_438 : vector<16xf32>
        %parallel_loop3A_469 = arith.mulf %parallel_loop3A_468, %parallel_loop3A_467 : vector<16xf32>
        %parallel_loop3A_470 = arith.addf %parallel_loop3A_469, %get3A_43 : vector<16xf32>
        %parallel_loop3A_471 = arith.index_cast %parallel_loop3A_225 : i32 to index
        %parallel_loop3A_472 = arith.constant 0 : index
        %parallel_loop3A_473 = tpu.vector_load %arg24[%parallel_loop3A_471, %parallel_loop3A_472] {strides = array<i32>} : memref<80x128xf32, #tpu.memory_space<vmem>>, vector<16xf32>,
        tpu.vector_store %arg24[%parallel_loop3A_471, %parallel_loop3A_472], %parallel_loop3A_470 {strides = array<i32>} : memref<80x128xf32, #tpu.memory_space<vmem>>, vector<16xf32>,
        %parallel_loop3A_474 = arith.mulf %parallel_loop3A_466, %get3A_29 : vector<16xf32>
        %parallel_loop3A_475 = arith.subf %parallel_loop3A_307, %parallel_loop3A_438 : vector<16xf32>
        %parallel_loop3A_476 = arith.mulf %parallel_loop3A_475, %parallel_loop3A_474 : vector<16xf32>
        %parallel_loop3A_477 = arith.addf %parallel_loop3A_476, %get3A_45 : vector<16xf32>
        %parallel_loop3A_478 = arith.index_cast %parallel_loop3A_225 : i32 to index
        %parallel_loop3A_479 = arith.constant 16 : index
        %parallel_loop3A_480 = tpu.vector_load %arg24[%parallel_loop3A_478, %parallel_loop3A_479] {strides = array<i32>} : memref<80x128xf32, #tpu.memory_space<vmem>>, vector<16xf32>,
        tpu.vector_store %arg24[%parallel_loop3A_478, %parallel_loop3A_479], %parallel_loop3A_477 {strides = array<i32>} : memref<80x128xf32, #tpu.memory_space<vmem>>, vector<16xf32>,
        %parallel_loop3A_481 = arith.mulf %parallel_loop3A_466, %get3A_31 : vector<16xf32>
        %parallel_loop3A_482 = arith.subf %parallel_loop3A_322, %parallel_loop3A_438 : vector<16xf32>
        %parallel_loop3A_483 = arith.mulf %parallel_loop3A_482, %parallel_loop3A_481 : vector<16xf32>
        %parallel_loop3A_484 = arith.addf %parallel_loop3A_483, %get3A_47 : vector<16xf32>
        %parallel_loop3A_485 = arith.index_cast %parallel_loop3A_225 : i32 to index
        %parallel_loop3A_486 = arith.constant 32 : index
        %parallel_loop3A_487 = tpu.vector_load %arg24[%parallel_loop3A_485, %parallel_loop3A_486] {strides = array<i32>} : memref<80x128xf32, #tpu.memory_space<vmem>>, vector<16xf32>,
        tpu.vector_store %arg24[%parallel_loop3A_485, %parallel_loop3A_486], %parallel_loop3A_484 {strides = array<i32>} : memref<80x128xf32, #tpu.memory_space<vmem>>, vector<16xf32>,
        %parallel_loop3A_488 = arith.mulf %parallel_loop3A_466, %get3A_33 : vector<16xf32>
        %parallel_loop3A_489 = arith.subf %parallel_loop3A_337, %parallel_loop3A_438 : vector<16xf32>
        %parallel_loop3A_490 = arith.mulf %parallel_loop3A_489, %parallel_loop3A_488 : vector<16xf32>
        %parallel_loop3A_491 = arith.addf %parallel_loop3A_490, %get3A_49 : vector<16xf32>
        %parallel_loop3A_492 = arith.index_cast %parallel_loop3A_225 : i32 to index
        %parallel_loop3A_493 = arith.constant 48 : index
        %parallel_loop3A_494 = tpu.vector_load %arg24[%parallel_loop3A_492, %parallel_loop3A_493] {strides = array<i32>} : memref<80x128xf32, #tpu.memory_space<vmem>>, vector<16xf32>,
        tpu.vector_store %arg24[%parallel_loop3A_492, %parallel_loop3A_493], %parallel_loop3A_491 {strides = array<i32>} : memref<80x128xf32, #tpu.memory_space<vmem>>, vector<16xf32>,
        %parallel_loop3A_495 = arith.mulf %parallel_loop3A_466, %get3A_35 : vector<16xf32>
        %parallel_loop3A_496 = arith.subf %parallel_loop3A_352, %parallel_loop3A_438 : vector<16xf32>
        %parallel_loop3A_497 = arith.mulf %parallel_loop3A_496, %parallel_loop3A_495 : vector<16xf32>
        %parallel_loop3A_498 = arith.addf %parallel_loop3A_497, %get3A_51 : vector<16xf32>
        %parallel_loop3A_499 = arith.index_cast %parallel_loop3A_225 : i32 to index
        %parallel_loop3A_500 = arith.constant 64 : index
        %parallel_loop3A_501 = tpu.vector_load %arg24[%parallel_loop3A_499, %parallel_loop3A_500] {strides = array<i32>} : memref<80x128xf32, #tpu.memory_space<vmem>>, vector<16xf32>,
        tpu.vector_store %arg24[%parallel_loop3A_499, %parallel_loop3A_500], %parallel_loop3A_498 {strides = array<i32>} : memref<80x128xf32, #tpu.memory_space<vmem>>, vector<16xf32>,
        %parallel_loop3A_502 = arith.mulf %parallel_loop3A_466, %get3A_37 : vector<16xf32>
        %parallel_loop3A_503 = arith.subf %parallel_loop3A_367, %parallel_loop3A_438 : vector<16xf32>
        %parallel_loop3A_504 = arith.mulf %parallel_loop3A_503, %parallel_loop3A_502 : vector<16xf32>
        %parallel_loop3A_505 = arith.addf %parallel_loop3A_504, %get3A_53 : vector<16xf32>
        %parallel_loop3A_506 = arith.index_cast %parallel_loop3A_225 : i32 to index
        %parallel_loop3A_507 = arith.constant 80 : index
        %parallel_loop3A_508 = tpu.vector_load %arg24[%parallel_loop3A_506, %parallel_loop3A_507] {strides = array<i32>} : memref<80x128xf32, #tpu.memory_space<vmem>>, vector<16xf32>,
        tpu.vector_store %arg24[%parallel_loop3A_506, %parallel_loop3A_507], %parallel_loop3A_505 {strides = array<i32>} : memref<80x128xf32, #tpu.memory_space<vmem>>, vector<16xf32>,
        %parallel_loop3A_509 = arith.mulf %parallel_loop3A_466, %get3A_39 : vector<16xf32>
        %parallel_loop3A_510 = arith.subf %parallel_loop3A_382, %parallel_loop3A_438 : vector<16xf32>
        %parallel_loop3A_511 = arith.mulf %parallel_loop3A_510, %parallel_loop3A_509 : vector<16xf32>
        %parallel_loop3A_512 = arith.addf %parallel_loop3A_511, %get3A_55 : vector<16xf32>
        %parallel_loop3A_513 = arith.index_cast %parallel_loop3A_225 : i32 to index
        %parallel_loop3A_514 = arith.constant 96 : index
        %parallel_loop3A_515 = tpu.vector_load %arg24[%parallel_loop3A_513, %parallel_loop3A_514] {strides = array<i32>} : memref<80x128xf32, #tpu.memory_space<vmem>>, vector<16xf32>,
        tpu.vector_store %arg24[%parallel_loop3A_513, %parallel_loop3A_514], %parallel_loop3A_512 {strides = array<i32>} : memref<80x128xf32, #tpu.memory_space<vmem>>, vector<16xf32>,
        %parallel_loop3A_516 = arith.mulf %parallel_loop3A_466, %get3A_41 : vector<16xf32>
        %parallel_loop3A_517 = arith.subf %parallel_loop3A_397, %parallel_loop3A_438 : vector<16xf32>
        %parallel_loop3A_518 = arith.mulf %parallel_loop3A_517, %parallel_loop3A_516 : vector<16xf32>
        %parallel_loop3A_519 = arith.addf %parallel_loop3A_518, %get3A_57 : vector<16xf32>
        %parallel_loop3A_520 = arith.index_cast %parallel_loop3A_225 : i32 to index
        %parallel_loop3A_521 = arith.constant 112 : index
        %parallel_loop3A_522 = tpu.vector_load %arg24[%parallel_loop3A_520, %parallel_loop3A_521] {strides = array<i32>} : memref<80x128xf32, #tpu.memory_space<vmem>>, vector<16xf32>,
        tpu.vector_store %arg24[%parallel_loop3A_520, %parallel_loop3A_521], %parallel_loop3A_519 {strides = array<i32>} : memref<80x128xf32, #tpu.memory_space<vmem>>, vector<16xf32>,
      } {sc.loop_unroll_factor = 2 : i64, sc.parallel_access}
      %mul3A_138 = arith.constant 80 : i32
      %mul3A_139 = arith.muli %add3A_112, %mul3A_138 : i32
      %add3A_140 = arith.addi %mul3A_2, %mul3A_139 : i32
      %dma_start3A_141 = arith.constant 0 : i32
      %dma_start3A_142 = tpu.memref_slice %arg11[%add3A_140, %dma_start3A_141] : memref<204800x128xf32, #tpu.memory_space<hbm>> -> memref<80x128xf32, #tpu.memory_space<hbm>>
      %dma_start3A_143 = arith.constant 0 : i32
      %dma_start3A_144 = tpu.memref_slice %arg11[%add3A_140, %dma_start3A_143] : memref<204800x128xf32, #tpu.memory_space<hbm>> -> memref<80x128xf32, #tpu.memory_space<hbm>>
      tpu.enqueue_dma source(%arg24 : memref<80x128xf32, #tpu.memory_space<vmem>>) target(%dma_start3A_144 : memref<80x128xf32, #tpu.memory_space<hbm>>) target_semaphore(%arg30 : memref<!tpu.dma_semaphore, #tpu.memory_space<semaphore_mem>>)
      %add3A_145 = arith.constant 2 : i32
      %add3A_146 = arith.addi %add3A_112, %add3A_145 : i32
      %lt3A = arith.constant 80 : i32
      %lt3A_147 = arith.cmpi slt, %add3A_146, %lt3A : i32
      %add3A_148 = arith.constant 2 : i32
      %add3A_149 = arith.addi %add3A_112, %add3A_148 : i32
      %jit3A = arith.constant 0 : i32
      %select_n3A = arith.select %lt3A_147, %add3A_149, %jit3A : i32
      %mul3A_150 = arith.constant 80 : i32
      %mul3A_151 = arith.muli %select_n3A, %mul3A_150 : i32
      %add3A_152 = arith.addi %mul3A_2, %mul3A_151 : i32
      %dma_start3A_153 = tpu.memref_slice %arg2[%add3A_152] : memref<204800xi32, #tpu.memory_space<hbm>> -> memref<80xi32, #tpu.memory_space<hbm>>
      %dma_start3A_154 = tpu.memref_slice %arg2[%add3A_152] : memref<204800xi32, #tpu.memory_space<hbm>> -> memref<80xi32, #tpu.memory_space<hbm>>
      tpu.enqueue_dma source(%dma_start3A_154 : memref<80xi32, #tpu.memory_space<hbm>>) target(%arg18 : memref<80xi32, #tpu.memory_space<vmem>>) target_semaphore(%arg28 : memref<!tpu.dma_semaphore, #tpu.memory_space<semaphore_mem>>)
      %mul3A_155 = arith.constant 4 : i32
      %mul3A_156 = arith.muli %add3A_152, %mul3A_155 : i32
      %dma_start3A_157 = arith.constant 0 : i32
      %dma_start3A_158 = tpu.memref_slice %arg20[%dma_start3A_157] : memref<336xi32, #tpu.memory_space<vmem>> -> memref<320xi32, #tpu.memory_space<vmem>>
      %dma_start3A_159 = tpu.memref_slice %arg3[%mul3A_156] : memref<819200xi32, #tpu.memory_space<hbm>> -> memref<320xi32, #tpu.memory_space<hbm>>
      %dma_start3A_160 = arith.constant 0 : i32
      %dma_start3A_161 = tpu.memref_slice %arg20[%dma_start3A_160] : memref<336xi32, #tpu.memory_space<vmem>> -> memref<320xi32, #tpu.memory_space<vmem>>
      %dma_start3A_162 = tpu.memref_slice %arg3[%mul3A_156] : memref<819200xi32, #tpu.memory_space<hbm>> -> memref<320xi32, #tpu.memory_space<hbm>>
      tpu.enqueue_dma source(%dma_start3A_162 : memref<320xi32, #tpu.memory_space<hbm>>) target(%dma_start3A_161 : memref<320xi32, #tpu.memory_space<vmem>>) target_semaphore(%arg28 : memref<!tpu.dma_semaphore, #tpu.memory_space<semaphore_mem>>)
      %mul3A_163 = arith.constant 2 : i32
      %mul3A_164 = arith.muli %scan3A_107, %mul3A_163 : i32
      %add3A_165 = arith.constant 1 : i32
      %add3A_166 = arith.addi %mul3A_164, %add3A_165 : i32
      %dma_wait3A_167 = arith.constant 0 : i32
      %dma_wait3A_168 = arith.constant 0 : i32
      %dma_wait3A_169 = tpu.memref_slice %arg4[%dma_wait3A_167, %dma_wait3A_168] : memref<100000x128xf32, #tpu.memory_space<hbm>> -> memref<80x128xf32, #tpu.memory_space<hbm>>
      %dma_wait3A_170 = arith.constant 0 : i32
      %dma_wait3A_171 = arith.constant 0 : i32
      %dma_wait3A_172 = tpu.memref_slice %arg4[%dma_wait3A_170, %dma_wait3A_171] : memref<100000x128xf32, #tpu.memory_space<hbm>> -> memref<80x128xf32, #tpu.memory_space<hbm>>
      tpu.wait_dma2 semaphore(%arg27 : memref<!tpu.dma_semaphore, #tpu.memory_space<semaphore_mem>>) src(%dma_wait3A_172 : memref<80x128xf32, #tpu.memory_space<hbm>>) dst(%arg23 : memref<80x128xf32, #tpu.memory_space<vmem>>)
      %dma_wait3A_173 = arith.constant 0 : i32
      %dma_wait3A_174 = tpu.memref_slice %arg2[%dma_wait3A_173] : memref<204800xi32, #tpu.memory_space<hbm>> -> memref<80xi32, #tpu.memory_space<hbm>>
      %dma_wait3A_175 = arith.constant 0 : i32
      %dma_wait3A_176 = tpu.memref_slice %arg2[%dma_wait3A_175] : memref<204800xi32, #tpu.memory_space<hbm>> -> memref<80xi32, #tpu.memory_space<hbm>>
      tpu.wait_dma2 semaphore(%arg28 : memref<!tpu.dma_semaphore, #tpu.memory_space<semaphore_mem>>) src(%dma_wait3A_176 : memref<80xi32, #tpu.memory_space<hbm>>) dst(%arg18 : memref<80xi32, #tpu.memory_space<vmem>>)
      %dma_wait3A_177 = arith.constant 0 : i32
      %dma_wait3A_178 = tpu.memref_slice %arg20[%dma_wait3A_177] : memref<336xi32, #tpu.memory_space<vmem>> -> memref<320xi32, #tpu.memory_space<vmem>>
      %dma_wait3A_179 = arith.constant 0 : i32
      %dma_wait3A_180 = tpu.memref_slice %arg3[%dma_wait3A_179] : memref<819200xi32, #tpu.memory_space<hbm>> -> memref<320xi32, #tpu.memory_space<hbm>>
      %dma_wait3A_181 = arith.constant 0 : i32
      %dma_wait3A_182 = tpu.memref_slice %arg20[%dma_wait3A_181] : memref<336xi32, #tpu.memory_space<vmem>> -> memref<320xi32, #tpu.memory_space<vmem>>
      %dma_wait3A_183 = arith.constant 0 : i32
      %dma_wait3A_184 = tpu.memref_slice %arg3[%dma_wait3A_183] : memref<819200xi32, #tpu.memory_space<hbm>> -> memref<320xi32, #tpu.memory_space<hbm>>
      tpu.wait_dma2 semaphore(%arg28 : memref<!tpu.dma_semaphore, #tpu.memory_space<semaphore_mem>>) src(%dma_wait3A_184 : memref<320xi32, #tpu.memory_space<hbm>>) dst(%dma_wait3A_182 : memref<320xi32, #tpu.memory_space<vmem>>)
      %dma_start3A_185 = arith.constant 0 : i32
      %dma_start3A_186 = arith.constant 0 : i32
      %dma_start3A_187 = tpu.memref_slice %arg4[%dma_start3A_185, %dma_start3A_186] : memref<100000x128xf32, #tpu.memory_space<hbm>> -> memref<100000x128xf32, #tpu.memory_space<hbm>>
      tpu.enqueue_indirect_dma source(%dma_start3A_187 : memref<100000x128xf32, #tpu.memory_space<hbm>>) target(%arg22 : memref<80x128xf32, #tpu.memory_space<vmem>>) offsets(%arg18 : memref<80xi32, #tpu.memory_space<vmem>>) semaphore(%arg26 : memref<!tpu.dma_semaphore, #tpu.memory_space<semaphore_mem>>)
      %ge3A_188 = arith.constant 1 : i32
      %ge3A_189 = arith.cmpi sge, %scan3A_107, %ge3A_188 : i32
      %convert_element_type3A_190 = arith.extui %ge3A_189 : i1 to i32
      %cond3A_191 = arith.constant 0 : i32
      %cond3A_192 = arith.cmpi ne, %convert_element_type3A_190, %cond3A_191 : i32
      scf.if %cond3A_192 {
        %dma_wait3A_225 = arith.constant 0 : i32
        %dma_wait3A_226 = tpu.memref_slice %arg11[%mul3A_2, %dma_wait3A_225] : memref<204800x128xf32, #tpu.memory_space<hbm>> -> memref<80x128xf32, #tpu.memory_space<hbm>>
        %dma_wait3A_227 = arith.constant 0 : i32
        %dma_wait3A_228 = tpu.memref_slice %arg11[%mul3A_2, %dma_wait3A_227] : memref<204800x128xf32, #tpu.memory_space<hbm>> -> memref<80x128xf32, #tpu.memory_space<hbm>>
        tpu.wait_dma2 semaphore(%arg31 : memref<!tpu.dma_semaphore, #tpu.memory_space<semaphore_mem>>) src(%arg25 : memref<80x128xf32, #tpu.memory_space<vmem>>) dst(%dma_wait3A_228 : memref<80x128xf32, #tpu.memory_space<hbm>>)
      } else {
      }
      %parallel_loop3A_193 = arith.constant 0 : i32
      %parallel_loop3A_194 = arith.constant 80 : i32
      %parallel_loop3A_195 = arith.constant 1 : i32
      scf.for %parallel_loop3A_225 = %parallel_loop3A_193 to %parallel_loop3A_194 step %parallel_loop3A_195  : i32 {
        %parallel_loop3A_226 = arith.constant 4 : i32
        %parallel_loop3A_227 = arith.muli %parallel_loop3A_225, %parallel_loop3A_226 : i32
        %parallel_loop3A_228 = arith.index_cast %parallel_loop3A_227 : i32 to index
        %parallel_loop3A_229 = tpu.vector_load %arg21[%parallel_loop3A_228] {strides = array<i32>} : memref<336xi32, #tpu.memory_space<vmem>>, vector<16xi32>,
        %parallel_loop3A_230 = arith.constant 0 : i32
        %parallel_loop3A_231 = vector.broadcast %parallel_loop3A_230 : i32 to vector<16xi32>
        %parallel_loop3A_232 = arith.constant 0 : i32
        %parallel_loop3A_233 = vector.broadcast %parallel_loop3A_232 : i32 to vector<16xi32>
        %parallel_loop3A_234 = arith.cmpi slt, %parallel_loop3A_231, %parallel_loop3A_233 : vector<16xi32>
        %parallel_loop3A_235 = arith.constant 16 : i32
        %parallel_loop3A_236 = vector.broadcast %parallel_loop3A_235 : i32 to vector<16xi32>
        %parallel_loop3A_237 = arith.addi %parallel_loop3A_231, %parallel_loop3A_236 : vector<16xi32>
        %parallel_loop3A_238 = arith.select %parallel_loop3A_234, %parallel_loop3A_237, %parallel_loop3A_231 : vector<16xi1>, vector<16xi32>
        %parallel_loop3A_239 = vector.shape_cast %parallel_loop3A_238 : vector<16xi32> to vector<16x1xi32>
        %parallel_loop3A_240 = vector.shape_cast %parallel_loop3A_239 : vector<16x1xi32> to vector<16xi32>
        %parallel_loop3A_241 = tpu.dynamic_gather %parallel_loop3A_229[%parallel_loop3A_240] in [0] : vector<16xi32>, vector<16xi32> -> vector<16xi32>
        %parallel_loop3A_242 = arith.constant 1 : i32
        %parallel_loop3A_243 = vector.broadcast %parallel_loop3A_242 : i32 to vector<16xi32>
        %parallel_loop3A_244 = arith.constant 0 : i32
        %parallel_loop3A_245 = vector.broadcast %parallel_loop3A_244 : i32 to vector<16xi32>
        %parallel_loop3A_246 = arith.cmpi slt, %parallel_loop3A_243, %parallel_loop3A_245 : vector<16xi32>
        %parallel_loop3A_247 = arith.constant 16 : i32
        %parallel_loop3A_248 = vector.broadcast %parallel_loop3A_247 : i32 to vector<16xi32>
        %parallel_loop3A_249 = arith.addi %parallel_loop3A_243, %parallel_loop3A_248 : vector<16xi32>
        %parallel_loop3A_250 = arith.select %parallel_loop3A_246, %parallel_loop3A_249, %parallel_loop3A_243 : vector<16xi1>, vector<16xi32>
        %parallel_loop3A_251 = vector.shape_cast %parallel_loop3A_250 : vector<16xi32> to vector<16x1xi32>
        %parallel_loop3A_252 = vector.shape_cast %parallel_loop3A_251 : vector<16x1xi32> to vector<16xi32>
        %parallel_loop3A_253 = tpu.dynamic_gather %parallel_loop3A_229[%parallel_loop3A_252] in [0] : vector<16xi32>, vector<16xi32> -> vector<16xi32>
        %parallel_loop3A_254 = arith.constant 2 : i32
        %parallel_loop3A_255 = vector.broadcast %parallel_loop3A_254 : i32 to vector<16xi32>
        %parallel_loop3A_256 = arith.constant 0 : i32
        %parallel_loop3A_257 = vector.broadcast %parallel_loop3A_256 : i32 to vector<16xi32>
        %parallel_loop3A_258 = arith.cmpi slt, %parallel_loop3A_255, %parallel_loop3A_257 : vector<16xi32>
        %parallel_loop3A_259 = arith.constant 16 : i32
        %parallel_loop3A_260 = vector.broadcast %parallel_loop3A_259 : i32 to vector<16xi32>
        %parallel_loop3A_261 = arith.addi %parallel_loop3A_255, %parallel_loop3A_260 : vector<16xi32>
        %parallel_loop3A_262 = arith.select %parallel_loop3A_258, %parallel_loop3A_261, %parallel_loop3A_255 : vector<16xi1>, vector<16xi32>
        %parallel_loop3A_263 = vector.shape_cast %parallel_loop3A_262 : vector<16xi32> to vector<16x1xi32>
        %parallel_loop3A_264 = vector.shape_cast %parallel_loop3A_263 : vector<16x1xi32> to vector<16xi32>
        %parallel_loop3A_265 = tpu.dynamic_gather %parallel_loop3A_229[%parallel_loop3A_264] in [0] : vector<16xi32>, vector<16xi32> -> vector<16xi32>
        %parallel_loop3A_266 = arith.constant 3 : i32
        %parallel_loop3A_267 = vector.broadcast %parallel_loop3A_266 : i32 to vector<16xi32>
        %parallel_loop3A_268 = arith.constant 0 : i32
        %parallel_loop3A_269 = vector.broadcast %parallel_loop3A_268 : i32 to vector<16xi32>
        %parallel_loop3A_270 = arith.cmpi slt, %parallel_loop3A_267, %parallel_loop3A_269 : vector<16xi32>
        %parallel_loop3A_271 = arith.constant 16 : i32
        %parallel_loop3A_272 = vector.broadcast %parallel_loop3A_271 : i32 to vector<16xi32>
        %parallel_loop3A_273 = arith.addi %parallel_loop3A_267, %parallel_loop3A_272 : vector<16xi32>
        %parallel_loop3A_274 = arith.select %parallel_loop3A_270, %parallel_loop3A_273, %parallel_loop3A_267 : vector<16xi1>, vector<16xi32>
        %parallel_loop3A_275 = vector.shape_cast %parallel_loop3A_274 : vector<16xi32> to vector<16x1xi32>
        %parallel_loop3A_276 = vector.shape_cast %parallel_loop3A_275 : vector<16x1xi32> to vector<16xi32>
        %parallel_loop3A_277 = tpu.dynamic_gather %parallel_loop3A_229[%parallel_loop3A_276] in [0] : vector<16xi32>, vector<16xi32> -> vector<16xi32>
        %parallel_loop3A_278 = arith.index_cast %parallel_loop3A_225 : i32 to index
        %parallel_loop3A_279 = arith.constant 0 : index
        %parallel_loop3A_280 = tpu.vector_load %arg23[%parallel_loop3A_278, %parallel_loop3A_279] {strides = array<i32>} : memref<80x128xf32, #tpu.memory_space<vmem>>, vector<16xf32>,
        %parallel_loop3A_281 = arith.addi %parallel_loop3A_241, %add3A_5 : vector<16xi32>
        %parallel_loop3A_282 = tpu.vector_load_idx %arg12[%parallel_loop3A_281] : memref<15360xf32, #tpu.memory_space<vmem>>[vector<16xi32>], vector<16xf32>,
        %parallel_loop3A_283 = arith.addf %parallel_loop3A_280, %parallel_loop3A_282 : vector<16xf32>
        %parallel_loop3A_284 = arith.addi %parallel_loop3A_253, %add3A_5 : vector<16xi32>
        %parallel_loop3A_285 = tpu.vector_load_idx %arg13[%parallel_loop3A_284] : memref<12800xf32, #tpu.memory_space<vmem>>[vector<16xi32>], vector<16xf32>,
        %parallel_loop3A_286 = arith.addf %parallel_loop3A_283, %parallel_loop3A_285 : vector<16xf32>
        %parallel_loop3A_287 = arith.addi %parallel_loop3A_265, %add3A_5 : vector<16xi32>
        %parallel_loop3A_288 = tpu.vector_load_idx %arg14[%parallel_loop3A_287] : memref<32768xf32, #tpu.memory_space<vmem>>[vector<16xi32>], vector<16xf32>,
        %parallel_loop3A_289 = arith.addf %parallel_loop3A_286, %parallel_loop3A_288 : vector<16xf32>
        %parallel_loop3A_290 = arith.addi %parallel_loop3A_277, %add3A_5 : vector<16xi32>
        %parallel_loop3A_291 = tpu.vector_load_idx %arg15[%parallel_loop3A_290] : memref<2048xf32, #tpu.memory_space<vmem>>[vector<16xi32>], vector<16xf32>,
        %parallel_loop3A_292 = arith.addf %parallel_loop3A_289, %parallel_loop3A_291 : vector<16xf32>
        %parallel_loop3A_293 = arith.index_cast %parallel_loop3A_225 : i32 to index
        %parallel_loop3A_294 = arith.constant 16 : index
        %parallel_loop3A_295 = tpu.vector_load %arg23[%parallel_loop3A_293, %parallel_loop3A_294] {strides = array<i32>} : memref<80x128xf32, #tpu.memory_space<vmem>>, vector<16xf32>,
        %parallel_loop3A_296 = arith.addi %parallel_loop3A_241, %add3A_8 : vector<16xi32>
        %parallel_loop3A_297 = tpu.vector_load_idx %arg12[%parallel_loop3A_296] : memref<15360xf32, #tpu.memory_space<vmem>>[vector<16xi32>], vector<16xf32>,
        %parallel_loop3A_298 = arith.addf %parallel_loop3A_295, %parallel_loop3A_297 : vector<16xf32>
        %parallel_loop3A_299 = arith.addi %parallel_loop3A_253, %add3A_8 : vector<16xi32>
        %parallel_loop3A_300 = tpu.vector_load_idx %arg13[%parallel_loop3A_299] : memref<12800xf32, #tpu.memory_space<vmem>>[vector<16xi32>], vector<16xf32>,
        %parallel_loop3A_301 = arith.addf %parallel_loop3A_298, %parallel_loop3A_300 : vector<16xf32>
        %parallel_loop3A_302 = arith.addi %parallel_loop3A_265, %add3A_8 : vector<16xi32>
        %parallel_loop3A_303 = tpu.vector_load_idx %arg14[%parallel_loop3A_302] : memref<32768xf32, #tpu.memory_space<vmem>>[vector<16xi32>], vector<16xf32>,
        %parallel_loop3A_304 = arith.addf %parallel_loop3A_301, %parallel_loop3A_303 : vector<16xf32>
        %parallel_loop3A_305 = arith.addi %parallel_loop3A_277, %add3A_8 : vector<16xi32>
        %parallel_loop3A_306 = tpu.vector_load_idx %arg15[%parallel_loop3A_305] : memref<2048xf32, #tpu.memory_space<vmem>>[vector<16xi32>], vector<16xf32>,
        %parallel_loop3A_307 = arith.addf %parallel_loop3A_304, %parallel_loop3A_306 : vector<16xf32>
        %parallel_loop3A_308 = arith.index_cast %parallel_loop3A_225 : i32 to index
        %parallel_loop3A_309 = arith.constant 32 : index
        %parallel_loop3A_310 = tpu.vector_load %arg23[%parallel_loop3A_308, %parallel_loop3A_309] {strides = array<i32>} : memref<80x128xf32, #tpu.memory_space<vmem>>, vector<16xf32>,
        %parallel_loop3A_311 = arith.addi %parallel_loop3A_241, %add3A_11 : vector<16xi32>
        %parallel_loop3A_312 = tpu.vector_load_idx %arg12[%parallel_loop3A_311] : memref<15360xf32, #tpu.memory_space<vmem>>[vector<16xi32>], vector<16xf32>,
        %parallel_loop3A_313 = arith.addf %parallel_loop3A_310, %parallel_loop3A_312 : vector<16xf32>
        %parallel_loop3A_314 = arith.addi %parallel_loop3A_253, %add3A_11 : vector<16xi32>
        %parallel_loop3A_315 = tpu.vector_load_idx %arg13[%parallel_loop3A_314] : memref<12800xf32, #tpu.memory_space<vmem>>[vector<16xi32>], vector<16xf32>,
        %parallel_loop3A_316 = arith.addf %parallel_loop3A_313, %parallel_loop3A_315 : vector<16xf32>
        %parallel_loop3A_317 = arith.addi %parallel_loop3A_265, %add3A_11 : vector<16xi32>
        %parallel_loop3A_318 = tpu.vector_load_idx %arg14[%parallel_loop3A_317] : memref<32768xf32, #tpu.memory_space<vmem>>[vector<16xi32>], vector<16xf32>,
        %parallel_loop3A_319 = arith.addf %parallel_loop3A_316, %parallel_loop3A_318 : vector<16xf32>
        %parallel_loop3A_320 = arith.addi %parallel_loop3A_277, %add3A_11 : vector<16xi32>
        %parallel_loop3A_321 = tpu.vector_load_idx %arg15[%parallel_loop3A_320] : memref<2048xf32, #tpu.memory_space<vmem>>[vector<16xi32>], vector<16xf32>,
        %parallel_loop3A_322 = arith.addf %parallel_loop3A_319, %parallel_loop3A_321 : vector<16xf32>
        %parallel_loop3A_323 = arith.index_cast %parallel_loop3A_225 : i32 to index
        %parallel_loop3A_324 = arith.constant 48 : index
        %parallel_loop3A_325 = tpu.vector_load %arg23[%parallel_loop3A_323, %parallel_loop3A_324] {strides = array<i32>} : memref<80x128xf32, #tpu.memory_space<vmem>>, vector<16xf32>,
        %parallel_loop3A_326 = arith.addi %parallel_loop3A_241, %add3A_14 : vector<16xi32>
        %parallel_loop3A_327 = tpu.vector_load_idx %arg12[%parallel_loop3A_326] : memref<15360xf32, #tpu.memory_space<vmem>>[vector<16xi32>], vector<16xf32>,
        %parallel_loop3A_328 = arith.addf %parallel_loop3A_325, %parallel_loop3A_327 : vector<16xf32>
        %parallel_loop3A_329 = arith.addi %parallel_loop3A_253, %add3A_14 : vector<16xi32>
        %parallel_loop3A_330 = tpu.vector_load_idx %arg13[%parallel_loop3A_329] : memref<12800xf32, #tpu.memory_space<vmem>>[vector<16xi32>], vector<16xf32>,
        %parallel_loop3A_331 = arith.addf %parallel_loop3A_328, %parallel_loop3A_330 : vector<16xf32>
        %parallel_loop3A_332 = arith.addi %parallel_loop3A_265, %add3A_14 : vector<16xi32>
        %parallel_loop3A_333 = tpu.vector_load_idx %arg14[%parallel_loop3A_332] : memref<32768xf32, #tpu.memory_space<vmem>>[vector<16xi32>], vector<16xf32>,
        %parallel_loop3A_334 = arith.addf %parallel_loop3A_331, %parallel_loop3A_333 : vector<16xf32>
        %parallel_loop3A_335 = arith.addi %parallel_loop3A_277, %add3A_14 : vector<16xi32>
        %parallel_loop3A_336 = tpu.vector_load_idx %arg15[%parallel_loop3A_335] : memref<2048xf32, #tpu.memory_space<vmem>>[vector<16xi32>], vector<16xf32>,
        %parallel_loop3A_337 = arith.addf %parallel_loop3A_334, %parallel_loop3A_336 : vector<16xf32>
        %parallel_loop3A_338 = arith.index_cast %parallel_loop3A_225 : i32 to index
        %parallel_loop3A_339 = arith.constant 64 : index
        %parallel_loop3A_340 = tpu.vector_load %arg23[%parallel_loop3A_338, %parallel_loop3A_339] {strides = array<i32>} : memref<80x128xf32, #tpu.memory_space<vmem>>, vector<16xf32>,
        %parallel_loop3A_341 = arith.addi %parallel_loop3A_241, %add3A_17 : vector<16xi32>
        %parallel_loop3A_342 = tpu.vector_load_idx %arg12[%parallel_loop3A_341] : memref<15360xf32, #tpu.memory_space<vmem>>[vector<16xi32>], vector<16xf32>,
        %parallel_loop3A_343 = arith.addf %parallel_loop3A_340, %parallel_loop3A_342 : vector<16xf32>
        %parallel_loop3A_344 = arith.addi %parallel_loop3A_253, %add3A_17 : vector<16xi32>
        %parallel_loop3A_345 = tpu.vector_load_idx %arg13[%parallel_loop3A_344] : memref<12800xf32, #tpu.memory_space<vmem>>[vector<16xi32>], vector<16xf32>,
        %parallel_loop3A_346 = arith.addf %parallel_loop3A_343, %parallel_loop3A_345 : vector<16xf32>
        %parallel_loop3A_347 = arith.addi %parallel_loop3A_265, %add3A_17 : vector<16xi32>
        %parallel_loop3A_348 = tpu.vector_load_idx %arg14[%parallel_loop3A_347] : memref<32768xf32, #tpu.memory_space<vmem>>[vector<16xi32>], vector<16xf32>,
        %parallel_loop3A_349 = arith.addf %parallel_loop3A_346, %parallel_loop3A_348 : vector<16xf32>
        %parallel_loop3A_350 = arith.addi %parallel_loop3A_277, %add3A_17 : vector<16xi32>
        %parallel_loop3A_351 = tpu.vector_load_idx %arg15[%parallel_loop3A_350] : memref<2048xf32, #tpu.memory_space<vmem>>[vector<16xi32>], vector<16xf32>,
        %parallel_loop3A_352 = arith.addf %parallel_loop3A_349, %parallel_loop3A_351 : vector<16xf32>
        %parallel_loop3A_353 = arith.index_cast %parallel_loop3A_225 : i32 to index
        %parallel_loop3A_354 = arith.constant 80 : index
        %parallel_loop3A_355 = tpu.vector_load %arg23[%parallel_loop3A_353, %parallel_loop3A_354] {strides = array<i32>} : memref<80x128xf32, #tpu.memory_space<vmem>>, vector<16xf32>,
        %parallel_loop3A_356 = arith.addi %parallel_loop3A_241, %add3A_20 : vector<16xi32>
        %parallel_loop3A_357 = tpu.vector_load_idx %arg12[%parallel_loop3A_356] : memref<15360xf32, #tpu.memory_space<vmem>>[vector<16xi32>], vector<16xf32>,
        %parallel_loop3A_358 = arith.addf %parallel_loop3A_355, %parallel_loop3A_357 : vector<16xf32>
        %parallel_loop3A_359 = arith.addi %parallel_loop3A_253, %add3A_20 : vector<16xi32>
        %parallel_loop3A_360 = tpu.vector_load_idx %arg13[%parallel_loop3A_359] : memref<12800xf32, #tpu.memory_space<vmem>>[vector<16xi32>], vector<16xf32>,
        %parallel_loop3A_361 = arith.addf %parallel_loop3A_358, %parallel_loop3A_360 : vector<16xf32>
        %parallel_loop3A_362 = arith.addi %parallel_loop3A_265, %add3A_20 : vector<16xi32>
        %parallel_loop3A_363 = tpu.vector_load_idx %arg14[%parallel_loop3A_362] : memref<32768xf32, #tpu.memory_space<vmem>>[vector<16xi32>], vector<16xf32>,
        %parallel_loop3A_364 = arith.addf %parallel_loop3A_361, %parallel_loop3A_363 : vector<16xf32>
        %parallel_loop3A_365 = arith.addi %parallel_loop3A_277, %add3A_20 : vector<16xi32>
        %parallel_loop3A_366 = tpu.vector_load_idx %arg15[%parallel_loop3A_365] : memref<2048xf32, #tpu.memory_space<vmem>>[vector<16xi32>], vector<16xf32>,
        %parallel_loop3A_367 = arith.addf %parallel_loop3A_364, %parallel_loop3A_366 : vector<16xf32>
        %parallel_loop3A_368 = arith.index_cast %parallel_loop3A_225 : i32 to index
        %parallel_loop3A_369 = arith.constant 96 : index
        %parallel_loop3A_370 = tpu.vector_load %arg23[%parallel_loop3A_368, %parallel_loop3A_369] {strides = array<i32>} : memref<80x128xf32, #tpu.memory_space<vmem>>, vector<16xf32>,
        %parallel_loop3A_371 = arith.addi %parallel_loop3A_241, %add3A_23 : vector<16xi32>
        %parallel_loop3A_372 = tpu.vector_load_idx %arg12[%parallel_loop3A_371] : memref<15360xf32, #tpu.memory_space<vmem>>[vector<16xi32>], vector<16xf32>,
        %parallel_loop3A_373 = arith.addf %parallel_loop3A_370, %parallel_loop3A_372 : vector<16xf32>
        %parallel_loop3A_374 = arith.addi %parallel_loop3A_253, %add3A_23 : vector<16xi32>
        %parallel_loop3A_375 = tpu.vector_load_idx %arg13[%parallel_loop3A_374] : memref<12800xf32, #tpu.memory_space<vmem>>[vector<16xi32>], vector<16xf32>,
        %parallel_loop3A_376 = arith.addf %parallel_loop3A_373, %parallel_loop3A_375 : vector<16xf32>
        %parallel_loop3A_377 = arith.addi %parallel_loop3A_265, %add3A_23 : vector<16xi32>
        %parallel_loop3A_378 = tpu.vector_load_idx %arg14[%parallel_loop3A_377] : memref<32768xf32, #tpu.memory_space<vmem>>[vector<16xi32>], vector<16xf32>,
        %parallel_loop3A_379 = arith.addf %parallel_loop3A_376, %parallel_loop3A_378 : vector<16xf32>
        %parallel_loop3A_380 = arith.addi %parallel_loop3A_277, %add3A_23 : vector<16xi32>
        %parallel_loop3A_381 = tpu.vector_load_idx %arg15[%parallel_loop3A_380] : memref<2048xf32, #tpu.memory_space<vmem>>[vector<16xi32>], vector<16xf32>,
        %parallel_loop3A_382 = arith.addf %parallel_loop3A_379, %parallel_loop3A_381 : vector<16xf32>
        %parallel_loop3A_383 = arith.index_cast %parallel_loop3A_225 : i32 to index
        %parallel_loop3A_384 = arith.constant 112 : index
        %parallel_loop3A_385 = tpu.vector_load %arg23[%parallel_loop3A_383, %parallel_loop3A_384] {strides = array<i32>} : memref<80x128xf32, #tpu.memory_space<vmem>>, vector<16xf32>,
        %parallel_loop3A_386 = arith.addi %parallel_loop3A_241, %add3A_26 : vector<16xi32>
        %parallel_loop3A_387 = tpu.vector_load_idx %arg12[%parallel_loop3A_386] : memref<15360xf32, #tpu.memory_space<vmem>>[vector<16xi32>], vector<16xf32>,
        %parallel_loop3A_388 = arith.addf %parallel_loop3A_385, %parallel_loop3A_387 : vector<16xf32>
        %parallel_loop3A_389 = arith.addi %parallel_loop3A_253, %add3A_26 : vector<16xi32>
        %parallel_loop3A_390 = tpu.vector_load_idx %arg13[%parallel_loop3A_389] : memref<12800xf32, #tpu.memory_space<vmem>>[vector<16xi32>], vector<16xf32>,
        %parallel_loop3A_391 = arith.addf %parallel_loop3A_388, %parallel_loop3A_390 : vector<16xf32>
        %parallel_loop3A_392 = arith.addi %parallel_loop3A_265, %add3A_26 : vector<16xi32>
        %parallel_loop3A_393 = tpu.vector_load_idx %arg14[%parallel_loop3A_392] : memref<32768xf32, #tpu.memory_space<vmem>>[vector<16xi32>], vector<16xf32>,
        %parallel_loop3A_394 = arith.addf %parallel_loop3A_391, %parallel_loop3A_393 : vector<16xf32>
        %parallel_loop3A_395 = arith.addi %parallel_loop3A_277, %add3A_26 : vector<16xi32>
        %parallel_loop3A_396 = tpu.vector_load_idx %arg15[%parallel_loop3A_395] : memref<2048xf32, #tpu.memory_space<vmem>>[vector<16xi32>], vector<16xf32>,
        %parallel_loop3A_397 = arith.addf %parallel_loop3A_394, %parallel_loop3A_396 : vector<16xf32>
        %parallel_loop3A_398 = arith.mulf %parallel_loop3A_292, %parallel_loop3A_292 : vector<16xf32>
        %parallel_loop3A_399 = arith.addf %parallel_loop3A_292, %parallel_loop3A_307 : vector<16xf32>
        %parallel_loop3A_400 = arith.mulf %parallel_loop3A_307, %parallel_loop3A_307 : vector<16xf32>
        %parallel_loop3A_401 = arith.addf %parallel_loop3A_398, %parallel_loop3A_400 : vector<16xf32>
        %parallel_loop3A_402 = arith.addf %parallel_loop3A_399, %parallel_loop3A_322 : vector<16xf32>
        %parallel_loop3A_403 = arith.mulf %parallel_loop3A_322, %parallel_loop3A_322 : vector<16xf32>
        %parallel_loop3A_404 = arith.addf %parallel_loop3A_401, %parallel_loop3A_403 : vector<16xf32>
        %parallel_loop3A_405 = arith.addf %parallel_loop3A_402, %parallel_loop3A_337 : vector<16xf32>
        %parallel_loop3A_406 = arith.mulf %parallel_loop3A_337, %parallel_loop3A_337 : vector<16xf32>
        %parallel_loop3A_407 = arith.addf %parallel_loop3A_404, %parallel_loop3A_406 : vector<16xf32>
        %parallel_loop3A_408 = arith.addf %parallel_loop3A_405, %parallel_loop3A_352 : vector<16xf32>
        %parallel_loop3A_409 = arith.mulf %parallel_loop3A_352, %parallel_loop3A_352 : vector<16xf32>
        %parallel_loop3A_410 = arith.addf %parallel_loop3A_407, %parallel_loop3A_409 : vector<16xf32>
        %parallel_loop3A_411 = arith.addf %parallel_loop3A_408, %parallel_loop3A_367 : vector<16xf32>
        %parallel_loop3A_412 = arith.mulf %parallel_loop3A_367, %parallel_loop3A_367 : vector<16xf32>
        %parallel_loop3A_413 = arith.addf %parallel_loop3A_410, %parallel_loop3A_412 : vector<16xf32>
        %parallel_loop3A_414 = arith.addf %parallel_loop3A_411, %parallel_loop3A_382 : vector<16xf32>
        %parallel_loop3A_415 = arith.mulf %parallel_loop3A_382, %parallel_loop3A_382 : vector<16xf32>
        %parallel_loop3A_416 = arith.addf %parallel_loop3A_413, %parallel_loop3A_415 : vector<16xf32>
        %parallel_loop3A_417 = arith.addf %parallel_loop3A_414, %parallel_loop3A_397 : vector<16xf32>
        %parallel_loop3A_418 = arith.mulf %parallel_loop3A_397, %parallel_loop3A_397 : vector<16xf32>
        %parallel_loop3A_419 = arith.addf %parallel_loop3A_416, %parallel_loop3A_418 : vector<16xf32>
        %parallel_loop3A_420 = arith.constant true
        %parallel_loop3A_421 = vector.broadcast %parallel_loop3A_420 : i1 to vector<16xi1>
        %parallel_loop3A_422 = tpu.scan <sum>, %parallel_loop3A_417 masked %parallel_loop3A_421 : vector<16xf32>, vector<16xi1> -> vector<16xf32>
        %parallel_loop3A_423 = vector.extract %parallel_loop3A_422[15] : f32 from vector<16xf32>
        %parallel_loop3A_424 = arith.constant true
        %parallel_loop3A_425 = vector.broadcast %parallel_loop3A_424 : i1 to vector<16xi1>
        %parallel_loop3A_426 = tpu.scan <sum>, %parallel_loop3A_419 masked %parallel_loop3A_425 : vector<16xf32>, vector<16xi1> -> vector<16xf32>
        %parallel_loop3A_427 = vector.extract %parallel_loop3A_426[15] : f32 from vector<16xf32>
        %parallel_loop3A_428 = arith.constant 7.812500e-03 : f32
        %parallel_loop3A_429 = arith.mulf %parallel_loop3A_423, %parallel_loop3A_428 : f32
        %parallel_loop3A_430 = arith.constant 7.812500e-03 : f32
        %parallel_loop3A_431 = arith.mulf %parallel_loop3A_427, %parallel_loop3A_430 : f32
        %parallel_loop3A_432 = arith.mulf %parallel_loop3A_429, %parallel_loop3A_429 : f32
        %parallel_loop3A_433 = arith.subf %parallel_loop3A_431, %parallel_loop3A_432 : f32
        %parallel_loop3A_434 = arith.constant 0.000000e+00 : f32
        %parallel_loop3A_435 = arith.maximumf %parallel_loop3A_433, %parallel_loop3A_434 : f32
        %parallel_loop3A_436 = arith.constant 9.99999996E-13 : f32
        %parallel_loop3A_437 = arith.addf %parallel_loop3A_435, %parallel_loop3A_436 : f32
        %parallel_loop3A_438 = vector.broadcast %parallel_loop3A_429 : f32 to vector<16xf32>
        %parallel_loop3A_439 = arith.bitcast %parallel_loop3A_437 : f32 to i32
        %parallel_loop3A_440 = arith.constant 1 : i32
        %parallel_loop3A_441 = arith.shrsi %parallel_loop3A_439, %parallel_loop3A_440 : i32
        %parallel_loop3A_442 = arith.constant 1597463007 : i32
        %parallel_loop3A_443 = arith.subi %parallel_loop3A_442, %parallel_loop3A_441 : i32
        %parallel_loop3A_444 = arith.bitcast %parallel_loop3A_443 : i32 to f32
        %parallel_loop3A_445 = arith.constant 5.000000e-01 : f32
        %parallel_loop3A_446 = arith.mulf %parallel_loop3A_445, %parallel_loop3A_437 : f32
        %parallel_loop3A_447 = arith.mulf %parallel_loop3A_446, %parallel_loop3A_444 : f32
        %parallel_loop3A_448 = arith.mulf %parallel_loop3A_447, %parallel_loop3A_444 : f32
        %parallel_loop3A_449 = arith.constant 1.500000e+00 : f32
        %parallel_loop3A_450 = arith.subf %parallel_loop3A_449, %parallel_loop3A_448 : f32
        %parallel_loop3A_451 = arith.mulf %parallel_loop3A_444, %parallel_loop3A_450 : f32
        %parallel_loop3A_452 = arith.constant 5.000000e-01 : f32
        %parallel_loop3A_453 = arith.mulf %parallel_loop3A_452, %parallel_loop3A_437 : f32
        %parallel_loop3A_454 = arith.mulf %parallel_loop3A_453, %parallel_loop3A_451 : f32
        %parallel_loop3A_455 = arith.mulf %parallel_loop3A_454, %parallel_loop3A_451 : f32
        %parallel_loop3A_456 = arith.constant 1.500000e+00 : f32
        %parallel_loop3A_457 = arith.subf %parallel_loop3A_456, %parallel_loop3A_455 : f32
        %parallel_loop3A_458 = arith.mulf %parallel_loop3A_451, %parallel_loop3A_457 : f32
        %parallel_loop3A_459 = arith.constant 5.000000e-01 : f32
        %parallel_loop3A_460 = arith.mulf %parallel_loop3A_459, %parallel_loop3A_437 : f32
        %parallel_loop3A_461 = arith.mulf %parallel_loop3A_460, %parallel_loop3A_458 : f32
        %parallel_loop3A_462 = arith.mulf %parallel_loop3A_461, %parallel_loop3A_458 : f32
        %parallel_loop3A_463 = arith.constant 1.500000e+00 : f32
        %parallel_loop3A_464 = arith.subf %parallel_loop3A_463, %parallel_loop3A_462 : f32
        %parallel_loop3A_465 = arith.mulf %parallel_loop3A_458, %parallel_loop3A_464 : f32
        %parallel_loop3A_466 = vector.broadcast %parallel_loop3A_465 : f32 to vector<16xf32>
        %parallel_loop3A_467 = arith.mulf %parallel_loop3A_466, %get3A_27 : vector<16xf32>
        %parallel_loop3A_468 = arith.subf %parallel_loop3A_292, %parallel_loop3A_438 : vector<16xf32>
        %parallel_loop3A_469 = arith.mulf %parallel_loop3A_468, %parallel_loop3A_467 : vector<16xf32>
        %parallel_loop3A_470 = arith.addf %parallel_loop3A_469, %get3A_43 : vector<16xf32>
        %parallel_loop3A_471 = arith.index_cast %parallel_loop3A_225 : i32 to index
        %parallel_loop3A_472 = arith.constant 0 : index
        %parallel_loop3A_473 = tpu.vector_load %arg25[%parallel_loop3A_471, %parallel_loop3A_472] {strides = array<i32>} : memref<80x128xf32, #tpu.memory_space<vmem>>, vector<16xf32>,
        tpu.vector_store %arg25[%parallel_loop3A_471, %parallel_loop3A_472], %parallel_loop3A_470 {strides = array<i32>} : memref<80x128xf32, #tpu.memory_space<vmem>>, vector<16xf32>,
        %parallel_loop3A_474 = arith.mulf %parallel_loop3A_466, %get3A_29 : vector<16xf32>
        %parallel_loop3A_475 = arith.subf %parallel_loop3A_307, %parallel_loop3A_438 : vector<16xf32>
        %parallel_loop3A_476 = arith.mulf %parallel_loop3A_475, %parallel_loop3A_474 : vector<16xf32>
        %parallel_loop3A_477 = arith.addf %parallel_loop3A_476, %get3A_45 : vector<16xf32>
        %parallel_loop3A_478 = arith.index_cast %parallel_loop3A_225 : i32 to index
        %parallel_loop3A_479 = arith.constant 16 : index
        %parallel_loop3A_480 = tpu.vector_load %arg25[%parallel_loop3A_478, %parallel_loop3A_479] {strides = array<i32>} : memref<80x128xf32, #tpu.memory_space<vmem>>, vector<16xf32>,
        tpu.vector_store %arg25[%parallel_loop3A_478, %parallel_loop3A_479], %parallel_loop3A_477 {strides = array<i32>} : memref<80x128xf32, #tpu.memory_space<vmem>>, vector<16xf32>,
        %parallel_loop3A_481 = arith.mulf %parallel_loop3A_466, %get3A_31 : vector<16xf32>
        %parallel_loop3A_482 = arith.subf %parallel_loop3A_322, %parallel_loop3A_438 : vector<16xf32>
        %parallel_loop3A_483 = arith.mulf %parallel_loop3A_482, %parallel_loop3A_481 : vector<16xf32>
        %parallel_loop3A_484 = arith.addf %parallel_loop3A_483, %get3A_47 : vector<16xf32>
        %parallel_loop3A_485 = arith.index_cast %parallel_loop3A_225 : i32 to index
        %parallel_loop3A_486 = arith.constant 32 : index
        %parallel_loop3A_487 = tpu.vector_load %arg25[%parallel_loop3A_485, %parallel_loop3A_486] {strides = array<i32>} : memref<80x128xf32, #tpu.memory_space<vmem>>, vector<16xf32>,
        tpu.vector_store %arg25[%parallel_loop3A_485, %parallel_loop3A_486], %parallel_loop3A_484 {strides = array<i32>} : memref<80x128xf32, #tpu.memory_space<vmem>>, vector<16xf32>,
        %parallel_loop3A_488 = arith.mulf %parallel_loop3A_466, %get3A_33 : vector<16xf32>
        %parallel_loop3A_489 = arith.subf %parallel_loop3A_337, %parallel_loop3A_438 : vector<16xf32>
        %parallel_loop3A_490 = arith.mulf %parallel_loop3A_489, %parallel_loop3A_488 : vector<16xf32>
        %parallel_loop3A_491 = arith.addf %parallel_loop3A_490, %get3A_49 : vector<16xf32>
        %parallel_loop3A_492 = arith.index_cast %parallel_loop3A_225 : i32 to index
        %parallel_loop3A_493 = arith.constant 48 : index
        %parallel_loop3A_494 = tpu.vector_load %arg25[%parallel_loop3A_492, %parallel_loop3A_493] {strides = array<i32>} : memref<80x128xf32, #tpu.memory_space<vmem>>, vector<16xf32>,
        tpu.vector_store %arg25[%parallel_loop3A_492, %parallel_loop3A_493], %parallel_loop3A_491 {strides = array<i32>} : memref<80x128xf32, #tpu.memory_space<vmem>>, vector<16xf32>,
        %parallel_loop3A_495 = arith.mulf %parallel_loop3A_466, %get3A_35 : vector<16xf32>
        %parallel_loop3A_496 = arith.subf %parallel_loop3A_352, %parallel_loop3A_438 : vector<16xf32>
        %parallel_loop3A_497 = arith.mulf %parallel_loop3A_496, %parallel_loop3A_495 : vector<16xf32>
        %parallel_loop3A_498 = arith.addf %parallel_loop3A_497, %get3A_51 : vector<16xf32>
        %parallel_loop3A_499 = arith.index_cast %parallel_loop3A_225 : i32 to index
        %parallel_loop3A_500 = arith.constant 64 : index
        %parallel_loop3A_501 = tpu.vector_load %arg25[%parallel_loop3A_499, %parallel_loop3A_500] {strides = array<i32>} : memref<80x128xf32, #tpu.memory_space<vmem>>, vector<16xf32>,
        tpu.vector_store %arg25[%parallel_loop3A_499, %parallel_loop3A_500], %parallel_loop3A_498 {strides = array<i32>} : memref<80x128xf32, #tpu.memory_space<vmem>>, vector<16xf32>,
        %parallel_loop3A_502 = arith.mulf %parallel_loop3A_466, %get3A_37 : vector<16xf32>
        %parallel_loop3A_503 = arith.subf %parallel_loop3A_367, %parallel_loop3A_438 : vector<16xf32>
        %parallel_loop3A_504 = arith.mulf %parallel_loop3A_503, %parallel_loop3A_502 : vector<16xf32>
        %parallel_loop3A_505 = arith.addf %parallel_loop3A_504, %get3A_53 : vector<16xf32>
        %parallel_loop3A_506 = arith.index_cast %parallel_loop3A_225 : i32 to index
        %parallel_loop3A_507 = arith.constant 80 : index
        %parallel_loop3A_508 = tpu.vector_load %arg25[%parallel_loop3A_506, %parallel_loop3A_507] {strides = array<i32>} : memref<80x128xf32, #tpu.memory_space<vmem>>, vector<16xf32>,
        tpu.vector_store %arg25[%parallel_loop3A_506, %parallel_loop3A_507], %parallel_loop3A_505 {strides = array<i32>} : memref<80x128xf32, #tpu.memory_space<vmem>>, vector<16xf32>,
        %parallel_loop3A_509 = arith.mulf %parallel_loop3A_466, %get3A_39 : vector<16xf32>
        %parallel_loop3A_510 = arith.subf %parallel_loop3A_382, %parallel_loop3A_438 : vector<16xf32>
        %parallel_loop3A_511 = arith.mulf %parallel_loop3A_510, %parallel_loop3A_509 : vector<16xf32>
        %parallel_loop3A_512 = arith.addf %parallel_loop3A_511, %get3A_55 : vector<16xf32>
        %parallel_loop3A_513 = arith.index_cast %parallel_loop3A_225 : i32 to index
        %parallel_loop3A_514 = arith.constant 96 : index
        %parallel_loop3A_515 = tpu.vector_load %arg25[%parallel_loop3A_513, %parallel_loop3A_514] {strides = array<i32>} : memref<80x128xf32, #tpu.memory_space<vmem>>, vector<16xf32>,
        tpu.vector_store %arg25[%parallel_loop3A_513, %parallel_loop3A_514], %parallel_loop3A_512 {strides = array<i32>} : memref<80x128xf32, #tpu.memory_space<vmem>>, vector<16xf32>,
        %parallel_loop3A_516 = arith.mulf %parallel_loop3A_466, %get3A_41 : vector<16xf32>
        %parallel_loop3A_517 = arith.subf %parallel_loop3A_397, %parallel_loop3A_438 : vector<16xf32>
        %parallel_loop3A_518 = arith.mulf %parallel_loop3A_517, %parallel_loop3A_516 : vector<16xf32>
        %parallel_loop3A_519 = arith.addf %parallel_loop3A_518, %get3A_57 : vector<16xf32>
        %parallel_loop3A_520 = arith.index_cast %parallel_loop3A_225 : i32 to index
        %parallel_loop3A_521 = arith.constant 112 : index
        %parallel_loop3A_522 = tpu.vector_load %arg25[%parallel_loop3A_520, %parallel_loop3A_521] {strides = array<i32>} : memref<80x128xf32, #tpu.memory_space<vmem>>, vector<16xf32>,
        tpu.vector_store %arg25[%parallel_loop3A_520, %parallel_loop3A_521], %parallel_loop3A_519 {strides = array<i32>} : memref<80x128xf32, #tpu.memory_space<vmem>>, vector<16xf32>,
      } {sc.loop_unroll_factor = 2 : i64, sc.parallel_access}
      %mul3A_196 = arith.constant 80 : i32
      %mul3A_197 = arith.muli %add3A_166, %mul3A_196 : i32
      %add3A_198 = arith.addi %mul3A_2, %mul3A_197 : i32
      %dma_start3A_199 = arith.constant 0 : i32
      %dma_start3A_200 = tpu.memref_slice %arg11[%add3A_198, %dma_start3A_199] : memref<204800x128xf32, #tpu.memory_space<hbm>> -> memref<80x128xf32, #tpu.memory_space<hbm>>
      %dma_start3A_201 = arith.constant 0 : i32
      %dma_start3A_202 = tpu.memref_slice %arg11[%add3A_198, %dma_start3A_201] : memref<204800x128xf32, #tpu.memory_space<hbm>> -> memref<80x128xf32, #tpu.memory_space<hbm>>
      tpu.enqueue_dma source(%arg25 : memref<80x128xf32, #tpu.memory_space<vmem>>) target(%dma_start3A_202 : memref<80x128xf32, #tpu.memory_space<hbm>>) target_semaphore(%arg31 : memref<!tpu.dma_semaphore, #tpu.memory_space<semaphore_mem>>)
      %add3A_203 = arith.constant 2 : i32
      %add3A_204 = arith.addi %add3A_166, %add3A_203 : i32
      %lt3A_205 = arith.constant 80 : i32
      %lt3A_206 = arith.cmpi slt, %add3A_204, %lt3A_205 : i32
      %add3A_207 = arith.constant 2 : i32
      %add3A_208 = arith.addi %add3A_166, %add3A_207 : i32
      %jit3A_209 = arith.constant 0 : i32
      %select_n3A_210 = arith.select %lt3A_206, %add3A_208, %jit3A_209 : i32
      %mul3A_211 = arith.constant 80 : i32
      %mul3A_212 = arith.muli %select_n3A_210, %mul3A_211 : i32
      %add3A_213 = arith.addi %mul3A_2, %mul3A_212 : i32
      %dma_start3A_214 = tpu.memref_slice %arg2[%add3A_213] : memref<204800xi32, #tpu.memory_space<hbm>> -> memref<80xi32, #tpu.memory_space<hbm>>
      %dma_start3A_215 = tpu.memref_slice %arg2[%add3A_213] : memref<204800xi32, #tpu.memory_space<hbm>> -> memref<80xi32, #tpu.memory_space<hbm>>
      tpu.enqueue_dma source(%dma_start3A_215 : memref<80xi32, #tpu.memory_space<hbm>>) target(%arg19 : memref<80xi32, #tpu.memory_space<vmem>>) target_semaphore(%arg29 : memref<!tpu.dma_semaphore, #tpu.memory_space<semaphore_mem>>)
      %mul3A_216 = arith.constant 4 : i32
      %mul3A_217 = arith.muli %add3A_213, %mul3A_216 : i32
      %dma_start3A_218 = arith.constant 0 : i32
      %dma_start3A_219 = tpu.memref_slice %arg21[%dma_start3A_218] : memref<336xi32, #tpu.memory_space<vmem>> -> memref<320xi32, #tpu.memory_space<vmem>>
      %dma_start3A_220 = tpu.memref_slice %arg3[%mul3A_217] : memref<819200xi32, #tpu.memory_space<hbm>> -> memref<320xi32, #tpu.memory_space<hbm>>
      %dma_start3A_221 = arith.constant 0 : i32
      %dma_start3A_222 = tpu.memref_slice %arg21[%dma_start3A_221] : memref<336xi32, #tpu.memory_space<vmem>> -> memref<320xi32, #tpu.memory_space<vmem>>
      %dma_start3A_223 = tpu.memref_slice %arg3[%mul3A_217] : memref<819200xi32, #tpu.memory_space<hbm>> -> memref<320xi32, #tpu.memory_space<hbm>>
      tpu.enqueue_dma source(%dma_start3A_223 : memref<320xi32, #tpu.memory_space<hbm>>) target(%dma_start3A_222 : memref<320xi32, #tpu.memory_space<vmem>>) target_semaphore(%arg29 : memref<!tpu.dma_semaphore, #tpu.memory_space<semaphore_mem>>)
      %scan3A_224 = arith.constant 0 : i32
      scf.yield %scan3A_224 : i32
    }
    %scan3A_81 = arith.constant 40 : i32
    %dma_wait3A = arith.constant 0 : i32
    %dma_wait3A_82 = tpu.memref_slice %arg2[%dma_wait3A] : memref<204800xi32, #tpu.memory_space<hbm>> -> memref<80xi32, #tpu.memory_space<hbm>>
    %dma_wait3A_83 = arith.constant 0 : i32
    %dma_wait3A_84 = tpu.memref_slice %arg2[%dma_wait3A_83] : memref<204800xi32, #tpu.memory_space<hbm>> -> memref<80xi32, #tpu.memory_space<hbm>>
    tpu.wait_dma2 semaphore(%arg29 : memref<!tpu.dma_semaphore, #tpu.memory_space<semaphore_mem>>) src(%dma_wait3A_84 : memref<80xi32, #tpu.memory_space<hbm>>) dst(%arg19 : memref<80xi32, #tpu.memory_space<vmem>>)
    %dma_wait3A_85 = arith.constant 0 : i32
    %dma_wait3A_86 = tpu.memref_slice %arg21[%dma_wait3A_85] : memref<336xi32, #tpu.memory_space<vmem>> -> memref<320xi32, #tpu.memory_space<vmem>>
    %dma_wait3A_87 = arith.constant 0 : i32
    %dma_wait3A_88 = tpu.memref_slice %arg3[%dma_wait3A_87] : memref<819200xi32, #tpu.memory_space<hbm>> -> memref<320xi32, #tpu.memory_space<hbm>>
    %dma_wait3A_89 = arith.constant 0 : i32
    %dma_wait3A_90 = tpu.memref_slice %arg21[%dma_wait3A_89] : memref<336xi32, #tpu.memory_space<vmem>> -> memref<320xi32, #tpu.memory_space<vmem>>
    %dma_wait3A_91 = arith.constant 0 : i32
    %dma_wait3A_92 = tpu.memref_slice %arg3[%dma_wait3A_91] : memref<819200xi32, #tpu.memory_space<hbm>> -> memref<320xi32, #tpu.memory_space<hbm>>
    tpu.wait_dma2 semaphore(%arg29 : memref<!tpu.dma_semaphore, #tpu.memory_space<semaphore_mem>>) src(%dma_wait3A_92 : memref<320xi32, #tpu.memory_space<hbm>>) dst(%dma_wait3A_90 : memref<320xi32, #tpu.memory_space<vmem>>)
    %dma_wait3A_93 = arith.constant 0 : i32
    %dma_wait3A_94 = arith.constant 0 : i32
    %dma_wait3A_95 = tpu.memref_slice %arg4[%dma_wait3A_93, %dma_wait3A_94] : memref<100000x128xf32, #tpu.memory_space<hbm>> -> memref<80x128xf32, #tpu.memory_space<hbm>>
    %dma_wait3A_96 = arith.constant 0 : i32
    %dma_wait3A_97 = arith.constant 0 : i32
    %dma_wait3A_98 = tpu.memref_slice %arg4[%dma_wait3A_96, %dma_wait3A_97] : memref<100000x128xf32, #tpu.memory_space<hbm>> -> memref<80x128xf32, #tpu.memory_space<hbm>>
    tpu.wait_dma2 semaphore(%arg26 : memref<!tpu.dma_semaphore, #tpu.memory_space<semaphore_mem>>) src(%dma_wait3A_98 : memref<80x128xf32, #tpu.memory_space<hbm>>) dst(%arg22 : memref<80x128xf32, #tpu.memory_space<vmem>>)
    %dma_wait3A_99 = arith.constant 0 : i32
    %dma_wait3A_100 = tpu.memref_slice %arg11[%mul3A_2, %dma_wait3A_99] : memref<204800x128xf32, #tpu.memory_space<hbm>> -> memref<80x128xf32, #tpu.memory_space<hbm>>
    %dma_wait3A_101 = arith.constant 0 : i32
    %dma_wait3A_102 = tpu.memref_slice %arg11[%mul3A_2, %dma_wait3A_101] : memref<204800x128xf32, #tpu.memory_space<hbm>> -> memref<80x128xf32, #tpu.memory_space<hbm>>
    tpu.wait_dma2 semaphore(%arg30 : memref<!tpu.dma_semaphore, #tpu.memory_space<semaphore_mem>>) src(%arg24 : memref<80x128xf32, #tpu.memory_space<vmem>>) dst(%dma_wait3A_102 : memref<80x128xf32, #tpu.memory_space<hbm>>)
    %dma_wait3A_103 = arith.constant 0 : i32
    %dma_wait3A_104 = tpu.memref_slice %arg11[%mul3A_2, %dma_wait3A_103] : memref<204800x128xf32, #tpu.memory_space<hbm>> -> memref<80x128xf32, #tpu.memory_space<hbm>>
    %dma_wait3A_105 = arith.constant 0 : i32
    %dma_wait3A_106 = tpu.memref_slice %arg11[%mul3A_2, %dma_wait3A_105] : memref<204800x128xf32, #tpu.memory_space<hbm>> -> memref<80x128xf32, #tpu.memory_space<hbm>>
    tpu.wait_dma2 semaphore(%arg31 : memref<!tpu.dma_semaphore, #tpu.memory_space<semaphore_mem>>) src(%arg25 : memref<80x128xf32, #tpu.memory_space<vmem>>) dst(%dma_wait3A_106 : memref<80x128xf32, #tpu.memory_space<hbm>>)
    return
  }
}

</mosaic_0001>

<sc_bundles>
// kernel: kernel.3.cloned.1.call-start
scs
__scs_entry_jumppad:
0x0: {  	(pc) =	sbr.rel $0x88, $3  }
0x1: {  	(tag) =	ssettag $0x0;
	lr =	simm.s32 $0x1  }
0x2: {  	[smem:$0x3F95] =	sst lr;
	_ =	strace $0xD0000000  }
0x3: {  	_ = 	snop  }
0x4: {  	_ = 	snop  }
0x5: {  	_ = 	snop  }
0x6: {  	_ = 	snop  }
0x7: {  	_ = 	snop  }
__scs_overlays_trampoline_lowered:
0x8: {  	[smem:$0x3FA4] =	sst s0  }
0x9: {  	[smem:$0x3FA5] =	sst s1  }
0xa: {  	[smem:$0x3FA6] =	sst s2  }
0xb: {  	[smem:$0x3FA7] =	sst s3  }
0xc: {  	[smem:$0x3FA8] =	sst s4  }
0xd: {  	[smem:$0x3FA9] =	sst s5  }
0xe: {  	[smem:$0x3FAA] =	sst s6  }
0xf: {  	[smem:$0x3FAB] =	sst s7  }
0x10: {  	[smem:$0x3FAC] =	sst s8  }
0x11: {  	[smem:$0x3FAD] =	sst s9;
	s0 =	simm.s32 @!p0 $0x0  }
0x12: {  	s1 =	sld [smem:$0x3F93];
	s0 =	simm.s32 @p0 $0x1  }
0x13: {  	[smem:$0x3FAE] =	sst s0;
	s0 =	simm.s32 @!p1 $0x0  }
0x14: {  	s2 =	sld [smem:$0x3F92];
	s0 =	simm.s32 @p1 $0x1  }
0x15: {  	[smem:$0x3FAF] =	sst s0;
	s0 =	simm.s32 @!p2 $0x0  }
0x16: {  	s3 =	sld [smem:$0x3FDB];
	s0 =	simm.s32 @p2 $0x1  }
0x17: {  	s4 =	simm.s32 $0x1BF5;
	[smem:$0x3FB1] =	sst s0  }
0x18: {  	s0 =	sld [smem:$0x3F94];
	_ =	swait.ge [sflag:s4], $0x0  }
0x19: {  	s7 =	sld [smem:$0x3F95]  }
0x1a: {  	s8 =	sadd.s32 $0xFFFFE003, lr  }
0x1b: {  	s9 =	sadd.s32 $0xFFFFFEF7, lr;
	s5 =	simm.s32 $0xFFFFFFFF;
	p2 =	slt.u32 s8, $0xFFFFF086  }
0x1c: {  	p1 =	slt.u32 s9, $0xF7A;
	s5 =	simm.s32 @!p2 $0x0  }
0x1d: {  	s5 =	simm.s32 @p1 $0x1;
	p0 =	seq.s32 s7, s2  }
0x1e: {  	s7 =	smul.u32 @!p0 $0xF7A, s2;
	p2 =	seq.s32 @!p0 s5, $0x0  }
0x1f: {  	s9 =	smul.u32 $0xF7A, s1;
	s8 =	simm.s32 @!p0 $0x1BF5;
	p2 =	por !p2, p0  }
0x20: {  	[sflag:s8] =	ssyncset.s32 @!p0 $0xFFFFF086;
	s6 =	sadd.s32 @!p0 s3, s7;
	s7 =	simm.s32 @!p0 $0x108  }
0x21: {  	s3 =	sadd.s32 s3, s9;
	s6 =	sadd.s32 @!p0 $0x88, s6;
	s7 =	simm.s32 @p2 $0x1082  }
0x22: {  	[simem:s7], [sflag:s8] =	dma.local @!p0 [hbm:s6], $0xF7A  }
0x23: {  	s9 =	sor.u32 $0xD0000000, s2;
	s6 =	simm.s32 $0x108;
	_ =	swait.ge @!p0 [sflag:s8], $0x0  }
0x24: {  	s3 =	sadd.s32 $0x88, s3;
	s6 =	simm.s32 @!p1 $0x1082;
	[sflag:s4] =	ssyncset.s32 $0xFFFFF086  }
0x25: {  	[simem:s6], [sflag:s4] =	dma.local [hbm:s3], $0xF7A  }
0x26: {  	[smem:$0x3F95] =	sst s1;
	(tag) =	ssettag s2;
	_ =	strace s9  }
0x27: {  	s1 =	sld [smem:$0x3FA5]  }
0x28: {  	s2 =	sld [smem:$0x3FA6]  }
0x29: {  	s4 =	sld [smem:$0x3FA8]  }
0x2a: {  	p0 =	seq.s32 s5, $0x0;
	s5 =	sld [smem:$0x3FA9]  }
0x2b: {  	s6 =	sld [smem:$0x3FAA]  }
0x2c: {  	s7 =	sld [smem:$0x3FAB]  }
0x2d: {  	s3 =	simm.s32 $0x108;
	s8 =	sld [smem:$0x3FAC]  }
0x2e: {  	s3 =	simm.s32 @!p0 $0x1082;
	s9 =	sld [smem:$0x3FAD]  }
0x2f: {  	lr =	sadd.s32 s0, s3;
	s0 =	sld [smem:$0x3FA4]  }
0x30: {  	s3 =	sld [smem:$0x3FA7]  }
0x31: {  	[smem:$0x3FB0] =	sst s10  }
0x32: {  	s10 =	sld [smem:$0x3FAE];
	_ =	sdelay $0x3  }
0x33: {  	p0 =	seq.s32 s10, $0x1;
	s10 =	sld [smem:$0x3FB0];
	_ =	sdelay $0x3  }
0x34: {  	[smem:$0x3FB0] =	sst s10  }
0x35: {  	s10 =	sld [smem:$0x3FAF];
	_ =	sdelay $0x3  }
0x36: {  	p1 =	seq.s32 s10, $0x1;
	s10 =	sld [smem:$0x3FB0];
	_ =	sdelay $0x3  }
0x37: {  	[smem:$0x3FB0] =	sst s10  }
0x38: {  	s10 =	sld [smem:$0x3FB1]  }
0x39: {  	_ = 	snop;
	(pc) =	sbr.ind lr, $3  }
0x3a: {  	_ = 	snop  }
0x3b: {  	_ = 	snop  }
0x3c: {  	p2 =	seq.s32 s10, $0x1;
	s10 =	sld [smem:$0x3FB0]  }
0x3d: {  	_ =	shalt  }
0x3e: {  	_ =	shalt  }
0x3f: {  	_ =	shalt  }
0x40: {  	_ =	shalt  }
0x41: {  	_ =	shalt  }
0x42: {  	_ =	shalt  }
0x43: {  	_ =	shalt  }
0x44: {  	_ =	shalt  }
0x45: {  	_ =	shalt  }
0x46: {  	_ =	shalt  }
0x47: {  	_ =	shalt  }
0x48: {  	_ =	shalt  }
0x49: {  	_ =	shalt  }
0x4a: {  	_ =	shalt  }
0x4b: {  	_ =	shalt  }
0x4c: {  	_ =	shalt  }
0x4d: {  	_ =	shalt  }
0x4e: {  	_ =	shalt  }
0x4f: {  	_ =	shalt  }
0x50: {  	_ =	shalt  }
0x51: {  	_ =	shalt  }
0x52: {  	_ =	shalt  }
0x53: {  	_ =	shalt  }
0x54: {  	_ =	shalt  }
0x55: {  	_ =	shalt  }
0x56: {  	_ =	shalt  }
0x57: {  	_ =	shalt  }
0x58: {  	_ =	shalt  }
0x59: {  	_ =	shalt  }
0x5a: {  	_ =	shalt  }
0x5b: {  	_ =	shalt  }
0x5c: {  	_ =	shalt  }
0x5d: {  	_ =	shalt  }
0x5e: {  	_ =	shalt  }
0x5f: {  	_ =	shalt  }
0x60: {  	_ =	shalt  }
0x61: {  	_ =	shalt  }
0x62: {  	_ =	shalt  }
0x63: {  	_ =	shalt  }
0x64: {  	_ =	shalt  }
0x65: {  	_ =	shalt  }
0x66: {  	_ =	shalt  }
0x67: {  	_ =	shalt  }
0x68: {  	_ =	shalt  }
0x69: {  	_ =	shalt  }
0x6a: {  	_ =	shalt  }
0x6b: {  	_ =	shalt  }
0x6c: {  	_ =	shalt  }
0x6d: {  	_ =	shalt  }
0x6e: {  	_ =	shalt  }
0x6f: {  	_ =	shalt  }
0x70: {  	_ =	shalt  }
0x71: {  	_ =	shalt  }
0x72: {  	_ =	shalt  }
0x73: {  	_ =	shalt  }
0x74: {  	_ =	shalt  }
0x75: {  	_ =	shalt  }
0x76: {  	_ =	shalt  }
0x77: {  	_ =	shalt  }
0x78: {  	_ =	shalt  }
0x79: {  	_ =	shalt  }
0x7a: {  	_ =	shalt  }
0x7b: {  	_ =	shalt  }
0x7c: {  	_ =	shalt  }
0x7d: {  	_ =	shalt  }
0x7e: {  	_ =	shalt  }
0x7f: {  	_ =	shalt  }
0x80: {  	_ =	shalt  }
0x81: {  	_ =	shalt  }
0x82: {  	_ =	shalt  }
0x83: {  	_ =	shalt  }
0x84: {  	_ =	shalt  }
0x85: {  	_ =	shalt  }
0x86: {  	_ =	shalt  }
0x87: {  	_ =	shalt  }
.Lfunc_end0:
.L_simem_size_0:
called_computation.1_lowered:
.L_overlay_start_0:
0x88: {  	s2 =	sld [smem:$0x3FD9]  }
0x89: {  	s3 =	sld [smem:$0x3FFE];
	_ =	sdelay $0x1  }
0x8a: {  	s1 =	srdreg.scid  }
0x8b: {  	s0 =	sand.u32 $0x1, s1  }
0x8c: {  	s17 =	sshll.u32 s0, $0xA;
	s2 =	sadd.s32 s3, s2  }
0x8d: {  	s2 =	sadd.s32 s2, s17  }
0x8e: {  	[smem:$0x3FBC] =	sst s2  }
0x8f: {  	_ = 	snop  }
0x90: {  	s2 =	sld [smem:$0x3FC4]  }
0x91: {  	s18 =	sld [smem:$0x3FC3]  }
0x92: {  	s4 =	sld [smem:$0x3FC2]  }
0x93: {  	s5 =	sld [smem:$0x3FC1]  }
0x94: {  	s6 =	sld [smem:$0x3FC0]  }
0x95: {  	s7 =	sld [smem:$0x3FBF]  }
0x96: {  	s8 =	sld [smem:$0x3FBE]  }
0x97: {  	s9 =	sld [smem:$0x3FD0];
	(tm) =	ssettm $0x1  }
0x98: {  	s10 =	sld [smem:$0x3FFB];
	_ =	sdelay $0x3  }
0x99: {  	_ =	strace s10  }
0x9a: {  	s10 =	sld [smem:$0x3FFC];
	_ =	sdelay $0x3  }
0x9b: {  	_ =	strace s10  }
0x9c: {  	s10 =	sld [smem:$0x3FFD];
	_ =	sdelay $0x3  }
0x9d: {  	_ =	strace s10  }
0x9e: {  	_ =	strace $0x8FFFFFFF  }
0x9f: {  	s19 =	sld [smem:$0x3FDB];
	_ =	sdelay $0x1  }
0xa0: {  	s11 =	simm.s32 $_scs_section_size  }
0xa1: {  	s12 =	simm.s32 $_size__tile_overlayer_lowered;
	s13 =	simm.s32 $_tile_overlayer_lowered  }
0xa2: {  	s22 =	simm.s32 $0x1BFF;
	s21 =	sshll.u32 s13, $0x1;
	s10 =	sadd.s32 s11, s19  }
0xa3: {  	s14 =	simm.s32 $0x0;
	s20 =	sshll.u32 s12, $0x1;
	s12 =	sadd.s32 s21, s10  }
0xa4: {  	[timem:s14], [sflag:s22] =	dma.local [hbm:s12], s20  }
0xa5: {  	_ =	swait.ge [sflag:s22], s20  }
0xa6: {  	s11 =	ssub.s32 $0x0, s20;
	[sflag:s22] =	ssyncset.done $0x0  }
0xa7: {  	[sflag:s22] =	ssyncadd.s32 s11;
	_ =	sdelay $0x1  }
0xa8: {  	s23 =	simm.s32 $0x1B8B  }
0xa9: {  	_ =	swait.ge [sflag:s23], $0x1  }
0xaa: {  	[sflag:s23] =	ssyncset.done $0x0  }
0xab: {  	s25 =	simm.s32 $0x1B8E;
	s24 =	sld [smem:$0x3FFE];
	[sflag:s23] =	ssyncadd.s32 $0xFFFFFFFF  }
0xac: {  	s26 =	simm.s32 $execute0_lowered;
	[smem:$0x3FD2] =	sst s25  }
0xad: {  	s12 =	sshll.u32 s26, $0x1;
	_ =	strace $0x80000046;
	[dreg:$0x1] =	wrdreg $0xFFFFFFFF  }
0xae: {  	s28 =	simm.s32 $_size_execute0_lowered;
	s10 =	sadd.s32 s10, s12;
	[dreg:$0x0] =	wrdreg $0x0  }
0xaf: {  	s12 =	sshll.u32 s28, $0x1;
	[dreg:$0x2] =	wrdreg s10  }
0xb0: {  	[dreg:$0x3] =	wrdreg s12  }
0xb1: {  	[dreg:$0x4] =	wrdreg $0xC0  }
0xb2: {  	_ =	task [dreg:s14], $0x5FFFF  }
0xb3: {  	[dreg:$0x1] =	wrdreg $0xFFFFFFFF  }
0xb4: {  	[dreg:$0x0] =	wrdreg $0x60  }
0xb5: {  	[dreg:$0x2] =	wrdreg s24  }
0xb6: {  	[dreg:$0x3] =	wrdreg s2  }
0xb7: {  	[dreg:$0x4] =	wrdreg s18  }
0xb8: {  	[dreg:$0x5] =	wrdreg s4  }
0xb9: {  	[dreg:$0x6] =	wrdreg s5  }
0xba: {  	[dreg:$0x7] =	wrdreg s6  }
0xbb: {  	[dreg:$0x8] =	wrdreg s7  }
0xbc: {  	[dreg:$0x9] =	wrdreg s8  }
0xbd: {  	[dreg:$0xa] =	wrdreg s9  }
0xbe: {  	[dreg:$0xb] =	wrdreg $0x9  }
0xbf: {  	_ =	task.clear_ibuf [dreg:s14], $0xCFFFF;
	_ =	strace $0x90000046  }
0xc0: {  	s29 =	simm.s32 $0x9;
	_ =	strace $0x80000048  }
0xc1: {  	_ =	swait.ge [sflag:s29], $0x1  }
0xc2: {  	[sflag:s29] =	ssyncadd.s32 $0xFFFFFFFF  }
0xc3: {  	_ =	strace $0x90000048  }
0xc4: {  	_ =	sfence  }
0xc5: {  	s30 =	sld [smem:$0x0];
	_ =	sdelay $0x2  }
0xc6: {  	s31 =	sshll.u32 s1, $0xD;
	s1 =	sshrl.u32 s1, $0x2  }
0xc7: {  	s3 =	sand.u32 $0x4000, s31;
	s1 =	sadd.s32 s1, s30  }
0xc8: {  	s0 =	sor.u32 s3, s0;
	s1 =	sshll.u32 s1, $0x11  }
0xc9: {  	s0 =	sor.u32 s1, s0  }
0xca: {  	s0 =	sadd.s32 $0x8F2B, s0  }
0xcb: {  	[sflag:s0] =	ssyncadd.remote.s32 $0x1  }
0xcc: {  	_ =	sfence.sel $0xFFFF  }
0xcd: {  	[dreg:$0x0] =	wrdreg $0xFFFFFFFF;
	(pc) =	sbr.abs _section_cstart, $3  }
0xce: {  	[dreg:$0x1] =	wrdreg $0xFFFFFFFF  }
0xcf: {  	_ =	task.clear_ibuf [dreg:s14], $0x2FFFF;
	_ =	strace $0x9FFFFFFF  }
0xd0: {  	(tm) =	ssettm $0x7FFFFFFF  }
0xd1: {  	_ =	shalt  }
tec
execute0_lowered:
.L_overlay_start_1:
0x0: {  	(tag) =	ssettag $0x1  }
0x1: {  	s1 =	rddreg [dreg:$0x0]  }
0x2: {  	s0 =	rddreg [dreg:$0x1]  }
0x3: {  	s9 =	rddreg [dreg:$0x8];
	s2 =	srdreg.scid  }
0x4: {  	s3 =	stileid.u32;
	s10 =	simm.s32 $0x0;
	s21 =	simm.s32 $0x3C00  }
0x5: {  	s22 =	simm.s32 $0x6E00;
	s23 =	simm.s32 $0xEE00;
	s29 =	simm.s32 $0xF780  }
0x6: {  	s31 =	simm.s32 $0x50;
	s2 =	sand.u32 $0x1, s2;
	s3 =	sshll.u32 s3, $0x1  }
0x7: {  	s7 =	simm.s32 $0x1;
	s5 =	simm.s32 $0x2;
	s3 =	sor.u32 s2, s3  }
0x8: {  	v62 =	vlaneseq.u32;
	s6 =	simm.s32 $0x3;
	[smem:$0x7FF] =	sst s10;
	s11 =	smul.u32 $0x1900, s3  }
0x9: {  	s12 =	sadd.s32 $0x1000, s1;
	v57 =	vor.u32 $0x50, v62;
	s2 =	ssub.s32 $0x2, s2;
	s3 =	smul.u32 $0xC80, s3  }
0xa: {  	s13 =	sadd.s32 $0x7400, s1;
	v10 =	vor.u32 $0x70, v62;
	_ =	strace $0x80000047;
	[tilespmem:$0x1FF90] =	vst v57;
	s25 =	sshrl.u32 s2, $0x1  }
0xb: {  	v9 =	vor.u32 $0x60, v62;
	[tilespmem:$0x1FFA0] =	vst v10;
	s1 =	ssub.s32 s2, s25;
	s4 =	sshrl.u32 s11, $0x3;
	s3 =	sadd.s32 s13, s3  }
0xc: {  	v5 =	vor.u32 $0x10, v62;
	[tilespmem:$0x1FFB0] =	vst v9;
	s14 =	sor.u32 $0x50, s11;
	s1 =	smax.u32 s1, $0x1;
	[dreg:$0xb] =	wrdreg s3  }
0xd: {  	v6 =	vor.u32 $0x20, v62;
	[tilespmem:$0x1FFC0] =	vst v5;
	s26 =	sadd.s32 s12, s4;
	s28 =	sshrl.u32 s14, $0x3;
	[dreg:$0xe] =	wrdreg s1  }
0xe: {  	v7 =	vor.u32 $0x30, v62;
	[tilespmem:$0x1FFD0] =	vst v6;
	s30 =	sshrl.u32 s14, $0x1;
	[dreg:$0xa] =	wrdreg s26;
	s2 =	sadd.s32 s12, s28  }
0xf: {  	v52 =	vor.u32 $0x40, v62;
	[tilespmem:$0x1FFE0] =	vst v7;
	s1 =	simm.s32 $0x4;
	[dreg:$0xc] =	wrdreg s2;
	s2 =	sadd.s32 s13, s30  }
0x10: {  	v60 =	vimm.s32 $0x0;
	v61 =	vimm.s32 $0x1;
	v56 =	vimm.s32 $0x3;
	[tilespmem:$0x1FFF0] =	vst v52;
	s4 =	simm.s32 $0x0;
	s26 =	simm.s32 $0xF700;
	[dreg:$0xd] =	wrdreg s2  }
.LBB2_1:
0x11: {  	[dreg:$0xf] =	wrdreg s4  }
0x12: {  	s2 =	rddreg [dreg:$0x2];
	s3 =	simm.s32 $0x7  }
0x13: {  	[tilespmem:s10], [sflag:$0x7] =	stream.linear.gather [hbm4b:s2+s10], $0x3C00, $0x38;
	[tilespmem:$0x19B00] =	vst v63  }
0x14: {  	_ =	swait.ge [sflag:s3], $0x3C00  }
0x15: {  	[sflag:s3] =	ssyncset.done $0x0  }
0x16: {  	[sflag:s3] =	ssyncadd.s32 $0xFFFFC400  }
0x17: {  	s28 =	rddreg [dreg:$0x3]  }
0x18: {  	[tilespmem:s21], [sflag:$0x7] =	stream.linear.gather [hbm4b:s28+s10], $0x3200, $0x38;
	[tilespmem:$0x19B00] =	vst v63  }
0x19: {  	_ =	swait.ge [sflag:s3], $0x3200  }
0x1a: {  	[sflag:s3] =	ssyncset.done $0x0  }
0x1b: {  	[sflag:s3] =	ssyncadd.s32 $0xFFFFCE00  }
0x1c: {  	s30 =	rddreg [dreg:$0x4]  }
0x1d: {  	[tilespmem:s22], [sflag:$0x7] =	stream.linear.gather [hbm4b:s30+s10], $0x8000, $0x38;
	[tilespmem:$0x19B00] =	vst v63  }
0x1e: {  	_ =	swait.ge [sflag:s3], $0x8000  }
0x1f: {  	[sflag:s3] =	ssyncset.done $0x0  }
0x20: {  	[sflag:s3] =	ssyncadd.s32 $0xFFFF8000  }
0x21: {  	s4 =	rddreg [dreg:$0x5]  }
0x22: {  	[tilespmem:s23], [sflag:$0x7] =	stream.linear.gather [hbm4b:s4+s10], $0x800, $0x38;
	[tilespmem:$0x19B00] =	vst v63  }
0x23: {  	_ =	swait.ge [sflag:s3], $0x800  }
0x24: {  	[sflag:s3] =	ssyncset.done $0x0  }
0x25: {  	[sflag:s3] =	ssyncadd.s32 $0xFFFFF800  }
0x26: {  	s15 =	simm.s32 $0xF600;
	s8 =	rddreg [dreg:$0x6]  }
0x27: {  	[tilespmem:s15], [sflag:$0x7] =	stream.linear.gather [hbm4b:s8+s10], $0x80, $0x38;
	[tilespmem:$0x19B00] =	vst v63  }
0x28: {  	_ =	swait.ge [sflag:s3], $0x80  }
0x29: {  	[sflag:s3] =	ssyncset.done $0x0  }
0x2a: {  	[sflag:s3] =	ssyncadd.s32 $0xFFFFFF80  }
0x2b: {  	s17 =	simm.s32 $0xF680;
	s16 =	rddreg [dreg:$0x7]  }
0x2c: {  	[tilespmem:s17], [sflag:$0x7] =	stream.linear.gather [hbm4b:s16+s10], $0x80, $0x38;
	[tilespmem:$0x19B00] =	vst v63  }
0x2d: {  	_ =	swait.ge [sflag:s3], $0x80  }
0x2e: {  	[sflag:s3] =	ssyncset.done $0x0  }
0x2f: {  	[sflag:s3] =	ssyncadd.s32 $0xFFFFFF80  }
0x30: {  	v0 =	vld [tilespmem:$0xF600]  }
0x31: {  	v46 =	vld [tilespmem:$0xF610]  }
0x32: {  	v47 =	vld [tilespmem:$0xF620]  }
0x33: {  	v48 =	vld [tilespmem:$0xF630]  }
0x34: {  	v49 =	vld [tilespmem:$0xF640]  }
0x35: {  	v50 =	vld [tilespmem:$0xF650]  }
0x36: {  	v51 =	vld [tilespmem:$0xF660]  }
0x37: {  	v53 =	vld [tilespmem:$0xF670]  }
0x38: {  	v54 =	vld [tilespmem:$0xF680]  }
0x39: {  	v55 =	vld [tilespmem:$0xF690]  }
0x3a: {  	v58 =	vld [tilespmem:$0xF6A0]  }
0x3b: {  	v63 =	vld [tilespmem:$0xF6B0]  }
0x3c: {  	v40 =	vld [tilespmem:$0xF6C0]  }
0x3d: {  	v37 =	vld [tilespmem:$0xF6D0]  }
0x3e: {  	s18 =	rddreg [dreg:$0xa];
	v36 =	vld [tilespmem:$0xF6E0]  }
0x3f: {  	v59 =	vld [tilespmem:$0xF6F0];
	[tilespmem:s26], [sflag:$0x7] =	stream.linear.gather [hbm4b:s18+s10], $0x50, $0x38  }
0x40: {  	[tilespmem:$0x1FE90] =	vst v0  }
0x41: {  	[tilespmem:$0x1FEA0] =	vst v46  }
0x42: {  	[tilespmem:$0x1FEB0] =	vst v47  }
0x43: {  	[tilespmem:$0x1FEC0] =	vst v48  }
0x44: {  	[tilespmem:$0x1FED0] =	vst v49  }
0x45: {  	[tilespmem:$0x1FEE0] =	vst v50  }
0x46: {  	[tilespmem:$0x1FEF0] =	vst v51  }
0x47: {  	[tilespmem:$0x1FF00] =	vst v53  }
0x48: {  	[tilespmem:$0x1FF10] =	vst v54  }
0x49: {  	[tilespmem:$0x1FF20] =	vst v55  }
0x4a: {  	[tilespmem:$0x1FF30] =	vst v58  }
0x4b: {  	[tilespmem:$0x1FF40] =	vst v59  }
0x4c: {  	_ =	swait.ge [sflag:s3], $0x50  }
0x4d: {  	[sflag:s3] =	ssyncset.done $0x0  }
0x4e: {  	s20 =	simm.s32 $0xF800;
	s19 =	rddreg [dreg:$0xb];
	[sflag:s3] =	ssyncadd.s32 $0xFFFFFFB0  }
0x4f: {  	[tilespmem:s20], [sflag:$0x7] =	stream.linear.gather [hbm4b:s19+s10], $0x140, $0x38;
	[tilespmem:$0x19B00] =	vst v63  }
0x50: {  	_ =	swait.ge [sflag:s3], $0x140  }
0x51: {  	[sflag:s3] =	ssyncset.done $0x0;
	[tilespmem:$0x1FF50] =	vst v63  }
0x52: {  	s24 =	rddreg [dreg:$0xc];
	[tilespmem:$0x1FF60] =	vst v40;
	[sflag:s3] =	ssyncadd.s32 $0xFFFFFEC0  }
0x53: {  	[tilespmem:s29], [sflag:$0x4] =	stream.linear.gather [hbm4b:s24+s10], $0x50, $0x38;
	[tilespmem:$0x19B00] =	vst v63  }
0x54: {  	s28 =	simm.s32 $0xF980;
	s25 =	rddreg [dreg:$0xd];
	[tilespmem:$0x1FF70] =	vst v36  }
0x55: {  	[tilespmem:s28], [sflag:$0x4] =	stream.linear.gather [hbm4b:s25+s10], $0x140, $0x38;
	[tilespmem:$0x19B00] =	vst v63  }
0x56: {  	s30 =	simm.s32 $0xFB00;
	s16 =	simm.s32 $0x0;
	[tilespmem:$0x1FF80] =	vst v37  }
0x57: {  	[tilespmem:s30], [sflag:$0x1] =	stream.indirect.gather [hbm4b:s0+s31], $0x80, s26, s31, $0xb8;
	[tilespmem:$0x19B00] =	vst v63  }
.LBB2_2:
0x58: {  	_ =	swait.ge [sflag:s7], $0x2800  }
0x59: {  	[sflag:s7] =	ssyncset.done $0x0  }
0x5a: {  	[sflag:s7] =	ssyncadd.s32 $0xFFFFD800  }
0x5b: {  	_ =	swait.ge [sflag:s1], $0x50  }
0x5c: {  	[sflag:s1] =	ssyncset.done $0x0  }
0x5d: {  	[sflag:s1] =	ssyncadd.s32 $0xFFFFFFB0  }
0x5e: {  	_ =	swait.ge [sflag:s1], $0x140  }
0x5f: {  	p0 =	seq.s32 s16, $0x0;
	[sflag:s1] =	ssyncset.done $0x0  }
0x60: {  	s2 =	simm.s32 $0x12300;
	s3 =	simm.s32 @!p0 $0x5;
	[sflag:s1] =	ssyncadd.s32 $0xFFFFFEC0  }
0x61: {  	[tilespmem:s2], [sflag:$0x2] =	stream.indirect.gather [hbm4b:s0+s31], $0x80, s29, s31, $0xb8;
	[tilespmem:$0x19B00] =	vst v63  }
0x62: {  	_ =	swait.ge @!p0 [sflag:s3], $0x2800  }
0x63: {  	[sflag:s3] =	ssyncset.done @!p0 $0x0  }
0x64: {  	s4 =	simm.s32 $0xF804;
	[sflag:s3] =	ssyncadd.s32 @!p0 $0xFFFFD800  }
0x65: {  	v0 =	vld [tilespmem:s4+$0x0];
	_ =	sdelay $0x2  }
0x66: {  	s18 =	simm.s32 $0xFB80;
	v1 =	vld [tilespmem:s4+$0xFFFFFFFC]  }
0x67: {  	v2 =	vld [tilespmem:s18+$0x70]  }
0x68: {  	v4 =	vld [tilespmem:s18+$0x60];
	v3 =	vperm.xlane v0, v61  }
0x69: {  	v12 =	vld [tilespmem:s18+$0x50]  }
0x6a: {  	v14 =	vld [tilespmem:s18+$0x40];
	v13 =	vperm.xlane v0, v60;
	v15 =	vadd.s32 v10, v3  }
0x6b: {  	v16 =	vld [tilespmem:s18+$0x30];
	v17 =	vadd.s32 v9, v3  }
0x6c: {  	v18 =	vld [tilespmem:s18+$0x20];
	v19 =	vadd.s32 v10, v13  }
0x6d: {  	v21 =	vld [tilespmem:s18+$0x0];
	v22 =	vadd.s32 v57, v3  }
0x6e: {  	v23 =	vld [tilespmem:s18+$0x10];
	v24 =	vadd.s32 v9, v13  }
0x6f: {  	v26 =	vadd.s32 v57, v13;
	v15 =	vld.idx.msk [tilespmem:v15+s21+$0x0], $0xffff  }
0x70: {  	v29 =	vadd.s32 v52, v13;
	v17 =	vld.idx.msk [tilespmem:v17+s21+$0x0], $0xffff  }
0x71: {  	v31 =	vadd.s32 v7, v13;
	v19 =	vld.idx.msk [tilespmem:v19+s10+$0x0], $0xffff  }
0x72: {  	v32 =	vadd.s32 v6, v13;
	v22 =	vld.idx.msk [tilespmem:v22+s21+$0x0], $0xffff  }
0x73: {  	v33 =	vadd.s32 v62, v13;
	v24 =	vld.idx.msk [tilespmem:v24+s10+$0x0], $0xffff  }
0x74: {  	v13 =	vadd.s32 v5, v13;
	v26 =	vld.idx.msk [tilespmem:v26+s10+$0x0], $0xffff  }
0x75: {  	v34 =	vadd.s32 v62, v3;
	v29 =	vld.idx.msk [tilespmem:v29+s10+$0x0], $0xffff  }
0x76: {  	v35 =	vadd.s32 v5, v3;
	v31 =	vld.idx.msk [tilespmem:v31+s10+$0x0], $0xffff  }
0x77: {  	v36 =	vadd.s32 v6, v3;
	v32 =	vld.idx.msk [tilespmem:v32+s10+$0x0], $0xffff  }
0x78: {  	v53 =	vperm.xlane v1, v60;
	v38 =	vadd.s32 v7, v3;
	v33 =	vld.idx.msk [tilespmem:v33+s10+$0x0], $0xffff  }
0x79: {  	v11 =	vmov v10;
	v10 =	vimm.s32 $0x2;
	v3 =	vadd.s32 v52, v3;
	v13 =	vld.idx.msk [tilespmem:v13+s10+$0x0], $0xffff  }
0x7a: {  	v48 =	vadd.s32 v62, v53;
	v20 =	vperm.xlane v0, v10;
	v34 =	vld.idx.msk [tilespmem:v34+s21+$0x0], $0xffff  }
0x7b: {  	v50 =	vadd.s32 v5, v53;
	v0 =	vperm.xlane v0, v56;
	v35 =	vld.idx.msk [tilespmem:v35+s21+$0x0], $0xffff  }
0x7c: {  	v25 =	vadd.s32 v7, v20;
	v36 =	vld.idx.msk [tilespmem:v36+s21+$0x0], $0xffff  }
0x7d: {  	v27 =	vadd.s32 v62, v0;
	v38 =	vld.idx.msk [tilespmem:v38+s21+$0x0], $0xffff  }
0x7e: {  	v28 =	vadd.s32 v6, v20;
	v3 =	vld.idx.msk [tilespmem:v3+s21+$0x0], $0xffff  }
0x7f: {  	v30 =	vadd.s32 v62, v20;
	v55 =	vld.idx.msk [tilespmem:v48+s10+$0x0], $0xffff  }
0x80: {  	v37 =	vadd.s32 v5, v20;
	v43 =	vadd.s32 v57, v20;
	v46 =	vadd.s32 v57, v0;
	v57 =	vld.idx.msk [tilespmem:v50+s10+$0x0], $0xffff  }
0x81: {  	v39 =	vadd.s32 v5, v0;
	v25 =	vld.idx.msk [tilespmem:v25+s22+$0x0], $0xffff  }
0x82: {  	v40 =	vadd.s32 v6, v0;
	v27 =	vld.idx.msk [tilespmem:v27+s23+$0x0], $0xffff  }
0x83: {  	v41 =	vadd.s32 v52, v20;
	v28 =	vld.idx.msk [tilespmem:v28+s22+$0x0], $0xffff  }
0x84: {  	v42 =	vadd.s32 v7, v0;
	v30 =	vld.idx.msk [tilespmem:v30+s22+$0x0], $0xffff  }
0x85: {  	v37 =	vld.idx.msk [tilespmem:v37+s22+$0x0], $0xffff  }
0x86: {  	v58 =	vadd.s32 v52, v0;
	v44 =	vld.idx.msk [tilespmem:v39+s23+$0x0], $0xffff  }
0x87: {  	v45 =	vadd.s32 v9, v20;
	v40 =	vld.idx.msk [tilespmem:v40+s23+$0x0], $0xffff  }
0x88: {  	v41 =	vld.idx.msk [tilespmem:v41+s22+$0x0], $0xffff  }
0x89: {  	v20 =	vadd.s32 v11, v20;
	v42 =	vld.idx.msk [tilespmem:v42+s23+$0x0], $0xffff  }
0x8a: {  	v47 =	vadd.s32 v9, v0;
	v43 =	vld.idx.msk [tilespmem:v43+s22+$0x0], $0xffff  }
0x8b: {  	v59 =	vadd.s32 v11, v0;
	v49 =	vld.idx.msk [tilespmem:v58+s23+$0x0], $0xffff  }
0x8c: {  	v54 =	vperm.xlane v1, v61;
	v45 =	vld.idx.msk [tilespmem:v45+s22+$0x0], $0xffff  }
0x8d: {  	v46 =	vld.idx.msk [tilespmem:v46+s23+$0x0], $0xffff  }
0x8e: {  	v48 =	vadd.s32 v5, v54;
	v20 =	vld.idx.msk [tilespmem:v20+s22+$0x0], $0xffff  }
0x8f: {  	v51 =	vld.idx.msk [tilespmem:v47+s23+$0x0], $0xffff  }
0x90: {  	v47 =	vadd.s32 v62, v54;
	v56 =	vld.idx.msk [tilespmem:v59+s23+$0x0], $0xffff  }
0x91: {  	v8 =	vimm.s32 $0x3;
	v39 =	vadd.s32 v6, v53;
	v2 =	vadd.f32 v19, v2;
	v19 =	vld [tilespmem:s18+$0xFFFFFF80]  }
0x92: {  	v0 =	vperm.xlane v1, v10;
	v12 =	vadd.f32 v26, v12;
	v26 =	vld [tilespmem:s18+$0xFFFFFF90];
	v21 =	vadd.f32 v33, v21  }
0x93: {  	v1 =	vperm.xlane v1, v8;
	v8 =	vadd.s32 v7, v53;
	v18 =	vadd.f32 v32, v18;
	v32 =	vld.idx.msk [tilespmem:v48+s21+$0x0], $0xffff  }
0x94: {  	v4 =	vadd.f32 v24, v4;
	v24 =	vadd.s32 v62, v0;
	v21 =	vadd.f32 v34, v21;
	v34 =	vld [tilespmem:s18+$0xFFFFFFA0]  }
0x95: {  	v14 =	vadd.f32 v29, v14;
	v29 =	vadd.s32 v5, v0;
	v58 =	vld.idx.msk [tilespmem:v47+s21+$0x0], $0xffff  }
0x96: {  	v16 =	vadd.f32 v31, v16;
	v31 =	vadd.s32 v6, v54;
	v18 =	vadd.f32 v36, v18;
	v59 =	vld.idx.msk [tilespmem:v39+s10+$0x0], $0xffff  }
0x97: {  	v13 =	vadd.f32 v13, v23;
	v39 =	vld [tilespmem:$0x1FF90]  }
0x98: {  	v2 =	vadd.f32 v15, v2;
	v18 =	vadd.f32 v28, v18;
	v28 =	vld.idx.msk [tilespmem:v8+s10+$0x0], $0xffff  }
0x99: {  	v4 =	vadd.f32 v17, v4;
	v13 =	vadd.f32 v35, v13;
	v24 =	vld.idx.msk [tilespmem:v24+s22+$0x0], $0xffff  }
0x9a: {  	v15 =	vadd.s32 v62, v1;
	v12 =	vadd.f32 v22, v12;
	v16 =	vadd.f32 v38, v16;
	v22 =	vld.idx.msk [tilespmem:v29+s22+$0x0], $0xffff  }
0x9b: {  	v17 =	vadd.s32 v5, v1;
	v21 =	vadd.f32 v30, v21;
	v13 =	vadd.f32 v37, v13;
	v30 =	vld.idx.msk [tilespmem:v31+s21+$0x0], $0xffff  }
0x9c: {  	v3 =	vadd.f32 v3, v14;
	v47 =	vadd.s32 v6, v0;
	v26 =	vadd.f32 v57, v26;
	v57 =	vld [tilespmem:$0x1FF90]  }
0x9d: {  	v50 =	vadd.f32 v44, v13;
	v13 =	vld [tilespmem:s18+$0xFFFFFFB0]  }
0x9e: {  	v23 =	vadd.s32 v7, v54;
	v16 =	vadd.f32 v25, v16;
	v3 =	vadd.f32 v41, v3;
	v44 =	vld [tilespmem:$0x1FF90]  }
0x9f: {  	v12 =	vadd.f32 v43, v12;
	v29 =	vadd.s32 v52, v53;
	v48 =	vadd.f32 v27, v21;
	v14 =	vld.idx.msk [tilespmem:v15+s23+$0x0], $0xffff  }
0xa0: {  	v4 =	vadd.f32 v45, v4;
	v31 =	vadd.s32 v7, v0;
	v21 =	vadd.s32 v7, v1;
	v17 =	vld.idx.msk [tilespmem:v17+s23+$0x0], $0xffff  }
0xa1: {  	v15 =	vadd.s32 v39, v53;
	v39 =	vadd.f32 v40, v18;
	v18 =	vadd.f32 v50, v48;
	v38 =	vld.idx.msk [tilespmem:v47+s22+$0x0], $0xffff  }
0xa2: {  	v25 =	vmul.f32 v48, v48;
	v27 =	vmul.f32 v50, v50;
	v40 =	vadd.f32 v42, v16;
	v42 =	vld [tilespmem:$0x1FF90]  }
0xa3: {  	v37 =	vadd.s32 v52, v1;
	v19 =	vadd.f32 v55, v19;
	v16 =	vadd.f32 v39, v18;
	v18 =	vld.idx.msk [tilespmem:v23+s21+$0x0], $0xffff  }
0xa4: {  	v47 =	vadd.f32 v49, v3;
	v41 =	vadd.f32 v27, v25;
	v27 =	vld.idx.msk [tilespmem:v29+s10+$0x0], $0xffff;
	[tilespmem:$0x1FE60] =	vst v40  }
0xa5: {  	v35 =	vadd.s32 v6, v1;
	v49 =	vadd.f32 v46, v12;
	v19 =	vadd.f32 v58, v19;
	v12 =	vld.idx.msk [tilespmem:v31+s22+$0x0], $0xffff  }
0xa6: {  	v2 =	vadd.f32 v20, v2;
	v21 =	vld.idx.msk [tilespmem:v21+s23+$0x0], $0xffff  }
0xa7: {  	v33 =	vadd.s32 v52, v54;
	v51 =	vadd.f32 v51, v4;
	v19 =	vadd.f32 v24, v19;
	v24 =	vld [tilespmem:s18+$0xFFFFFFE0]  }
0xa8: {  	v46 =	vadd.s32 v9, v54;
	v25 =	vmul.f32 v39, v39;
	v13 =	vadd.f32 v28, v13;
	v28 =	vld.idx.msk [tilespmem:v37+s23+$0x0], $0xffff  }
0xa9: {  	v36 =	vadd.s32 v52, v0;
	v26 =	vadd.f32 v32, v26;
	v3 =	vadd.f32 v40, v16;
	v16 =	vld [tilespmem:s18+$0xFFFFFFC0]  }
0xaa: {  	v31 =	vadd.s32 v9, v53;
	v23 =	vadd.f32 v25, v41;
	v25 =	vmul.f32 v40, v40;
	v40 =	vld.idx.msk [tilespmem:v35+s23+$0x0], $0xffff  }
0xab: {  	v34 =	vadd.f32 v59, v34;
	v45 =	vadd.s32 v44, v0;
	v35 =	vadd.f32 v56, v2;
	v2 =	vld [tilespmem:s18+$0xFFFFFFD0]  }
0xac: {  	v58 =	vadd.s32 v9, v0;
	v59 =	vadd.s32 v11, v54;
	v22 =	vadd.f32 v22, v26;
	v4 =	vld.idx.msk [tilespmem:v15+s10+$0x0], $0xffff  }
0xad: {  	v55 =	vadd.s32 v57, v1;
	v30 =	vadd.f32 v30, v34;
	v37 =	vadd.f32 v14, v19;
	v8 =	vld.idx.msk [tilespmem:v46+s21+$0x0], $0xffff  }
0xae: {  	v43 =	vmul.f32 v47, v47;
	v3 =	vadd.f32 v47, v3;
	v20 =	vadd.f32 v25, v23;
	v25 =	vld.idx.msk [tilespmem:v33+s21+$0x0], $0xffff  }
0xaf: {  	v29 =	vadd.s32 v42, v54;
	v19 =	vadd.f32 v38, v30;
	v13 =	vadd.f32 v18, v13;
	v31 =	vld.idx.msk [tilespmem:v31+s10+$0x0], $0xffff  }
0xb0: {  	v3 =	vadd.f32 v49, v3;
	v15 =	vadd.f32 v43, v20;
	v20 =	vmul.f32 v49, v49;
	v14 =	vld.idx.msk [tilespmem:v45+s22+$0x0], $0xffff  }
0xb1: {  	v30 =	vadd.s32 v11, v0;
	v0 =	vadd.f32 v27, v16;
	v40 =	vadd.f32 v40, v19;
	v16 =	vld [tilespmem:s18+$0xFFFFFFF0]  }
0xb2: {  	v26 =	vmul.f32 v51, v51;
	v12 =	vadd.f32 v12, v13;
	v13 =	vld.idx.msk [tilespmem:v55+s23+$0x0], $0xffff;
	v15 =	vadd.f32 v20, v15  }
0xb3: {  	v3 =	vadd.f32 v51, v3;
	v20 =	vld.idx.msk [tilespmem:v36+s22+$0x0], $0xffff;
	v36 =	vadd.f32 v17, v22;
	v17 =	vadd.s32 v9, v1  }
0xb4: {  	v33 =	vmul.f32 v35, v35;
	v29 =	vld.idx.msk [tilespmem:v29+s21+$0x0], $0xffff;
	v2 =	vadd.f32 v4, v2;
	v15 =	vadd.f32 v26, v15  }
0xb5: {  	v4 =	vld.idx.msk [tilespmem:v59+s21+$0x0], $0xffff;
	v3 =	vadd.f32 v35, v3;
	v18 =	vadd.f32 v36, v37  }
0xb6: {  	v56 =	vadd.s32 v11, v53;
	v19 =	vadd.s32 v11, v1;
	v38 =	vld.idx.msk [tilespmem:v30+s22+$0x0], $0xffff;
	v1 =	vadd.f32 v33, v15  }
0xb7: {  	(xrf2) =	vadd.scan.msk.f32 $0xffff, v3;
	v3 =	vadd.f32 v25, v0;
	v15 =	vadd.f32 v40, v18;
	v18 =	vld.idx.msk [tilespmem:v58+s22+$0x0], $0xffff  }
0xb8: {  	s19 =	simm.s32 $0xF80C;
	v0 =	vadd.f32 v21, v12;
	v12 =	vld.idx.msk [tilespmem:v17+s23+$0x0], $0xffff  }
0xb9: {  	s17 =	simm.s32 $0xFC80;
	v17 =	vld [tilespmem:s19+$0x0];
	v3 =	vadd.f32 v20, v3;
	(xrf2) =	vadd.scan.msk.f32 $0xffff, v1  }
0xba: {  	v22 =	vld [tilespmem:s17+$0x20];
	v2 =	vadd.f32 v29, v2;
	v20 =	vadd.f32 v31, v24  }
0xbb: {  	v26 =	vld.idx.msk [tilespmem:v56+s10+$0x0], $0xffff;
	v1 =	vadd.f32 v28, v3  }
0xbc: {  	v3 =	vadd.f32 v14, v2;
	v14 =	vld.idx.msk [tilespmem:v19+s23+$0x0], $0xffff;
	v19 =	vadd.f32 v8, v20  }
0xbd: {  	v30 =	vld [tilespmem:s17+$0x0]  }
0xbe: {  	v25 =	vld [tilespmem:s17+$0x40];
	v43 =	vadd.f32 v13, v3;
	v3 =	vadd.f32 v18, v19;
	v18 =	vperm.xlane v17, v61  }
0xbf: {  	v21 =	vld [tilespmem:s17+$0x30]  }
0xc0: {  	v16 =	vadd.f32 v26, v16;
	v2 =	vld [tilespmem:s19+$0xFFFFFFFC];
	v24 =	vperm.xlane v17, v60;
	v26 =	vadd.s32 v11, v18  }
0xc1: {  	v20 =	vld [tilespmem:s17+$0x70];
	v44 =	vadd.s32 v9, v18  }
0xc2: {  	v4 =	vadd.f32 v4, v16;
	v16 =	vld [tilespmem:s17+$0x50];
	v29 =	vperm.xlane v17, v10;
	v27 =	vadd.s32 v11, v24;
	v42, _, _ =	vpop (xrf2)  }
0xc3: {  	v15 =	vadd.f32 v0, v15;
	v19 =	vld [tilespmem:s17+$0x60];
	v31 =	vadd.s32 v9, v24;
	(v2sf) =	vpush v42, $0xF;
	v28, _, _ =	vpop (xrf2)  }
0xc4: {  	v46 =	vadd.s32 v7, v29;
	(v2sf) =	vpush v28, $0xF;
	v28 =	vld [tilespmem:s17+$0x10]  }
0xc5: {  	v15 =	vadd.f32 v1, v15;
	v53 =	vadd.s32 v57, v24;
	v26 =	vld.idx.msk [tilespmem:v26+s21+$0x0], $0xffff  }
0xc6: {  	v41 =	vmul.f32 v36, v36;
	v13 =	vmul.f32 v37, v37;
	v54 =	vadd.s32 v6, v29;
	v23 =	vld.idx.msk [tilespmem:v44+s21+$0x0], $0xffff  }
0xc7: {  	v4 =	vadd.f32 v38, v4;
	v15 =	vadd.f32 v43, v15;
	v55 =	vadd.s32 v62, v29;
	v27 =	vld.idx.msk [tilespmem:v27+s10+$0x0], $0xffff  }
0xc8: {  	v3 =	vadd.f32 v12, v3;
	v13 =	vadd.f32 v41, v13;
	v56 =	vadd.s32 v7, v24;
	v31 =	vld.idx.msk [tilespmem:v31+s10+$0x0], $0xffff  }
0xc9: {  	v58 =	vadd.s32 v6, v24;
	v12 =	vadd.f32 v14, v4;
	v14 =	vmul.f32 v40, v40;
	v32 =	vld.idx.msk [tilespmem:v46+s22+$0x0], $0xffff  }
0xca: {  	v4 =	vadd.s32 v57, v18;
	v15 =	vadd.f32 v3, v15;
	v33 =	vld.idx.msk [tilespmem:v53+s10+$0x0], $0xffff  }
0xcb: {  	v59 =	vadd.s32 v62, v24;
	v13 =	vadd.f32 v14, v13;
	v14 =	vmul.f32 v0, v0;
	v34 =	vld.idx.msk [tilespmem:v54+s22+$0x0], $0xffff  }
0xcc: {  	v45 =	vimm.s32 $0x3;
	v8 =	vadd.s32 v5, v29;
	v15 =	vadd.f32 v12, v15;
	v41 =	vld.idx.msk [tilespmem:v55+s22+$0x0], $0xffff  }
0xcd: {  	v17 =	vperm.xlane v17, v45;
	v13 =	vadd.f32 v14, v13;
	v46 =	vadd.s32 v62, v18;
	v42 =	vld.idx.msk [tilespmem:v56+s10+$0x0], $0xffff  }
0xce: {  	v14 =	vmul.f32 v1, v1;
	v53 =	vadd.s32 v5, v18;
	v44 =	vld.idx.msk [tilespmem:v58+s10+$0x0], $0xffff;
	(xrf2) =	vadd.scan.msk.f32 $0xffff, v15  }
0xcf: {  	v15 =	vadd.s32 v62, v17;
	v38 =	vld.idx.msk [tilespmem:v4+s21+$0x0], $0xffff;
	v4 =	vadd.s32 v52, v24  }
0xd0: {  	v45 =	vld.idx.msk [tilespmem:v59+s10+$0x0], $0xffff;
	v24 =	vadd.s32 v5, v24;
	v13 =	vadd.f32 v14, v13;
	v14 =	vmul.f32 v43, v43  }
0xd1: {  	v55 =	vadd.s32 v6, v18;
	v8 =	vld.idx.msk [tilespmem:v8+s22+$0x0], $0xffff  }
0xd2: {  	v13 =	vadd.f32 v14, v13;
	v19 =	vadd.f32 v31, v19;
	v31 =	vadd.s32 v7, v18;
	v46 =	vld.idx.msk [tilespmem:v46+s21+$0x0], $0xffff  }
0xd3: {  	v14 =	vmul.f32 v3, v3;
	v20 =	vadd.f32 v27, v20;
	v53 =	vld.idx.msk [tilespmem:v53+s21+$0x0], $0xffff;
	v18 =	vadd.s32 v52, v18  }
0xd4: {  	v27 =	vadd.s32 v5, v17;
	v16 =	vadd.f32 v33, v16;
	v21 =	vadd.f32 v42, v21;
	v15 =	vld.idx.msk [tilespmem:v15+s23+$0x0], $0xffff  }
0xd5: {  	v42 =	vadd.s32 v6, v17;
	v13 =	vadd.f32 v14, v13;
	v14 =	vmul.f32 v12, v12;
	v24 =	vld.idx.msk [tilespmem:v24+s10+$0x0], $0xffff  }
0xd6: {  	v30 =	vadd.f32 v45, v30;
	v45 =	vadd.s32 v52, v29;
	v22 =	vadd.f32 v44, v22;
	v4 =	vld.idx.msk [tilespmem:v4+s10+$0x0], $0xffff  }
0xd7: {  	v20 =	vadd.f32 v26, v20;
	v13 =	vadd.f32 v14, v13;
	v14 =	vperm.xlane v2, v60;
	v31 =	vld.idx.msk [tilespmem:v31+s21+$0x0], $0xffff;
	s20 =	spop (v2sf)  }
0xd8: {  	v26 =	vadd.s32 v57, v29;
	v19 =	vadd.f32 v23, v19;
	v16 =	vadd.f32 v38, v16;
	v18 =	vld.idx.msk [tilespmem:v18+s21+$0x0], $0xffff;
	v54, _, _ =	vpop (xrf2);
	s3 =	smul.f32 $7.812500000e-03, s20;
	s24 =	spop (v2sf)  }
0xd9: {  	v38 =	vadd.s32 v57, v17;
	v33 =	vadd.s32 v62, v14;
	(v2sf) =	vpush v54, $0xF;
	v54 =	vld.idx.msk [tilespmem:v55+s21+$0x0], $0xffff;
	s4 =	smul.f32 $7.812500000e-03, s24  }
0xda: {  	v27 =	vld.idx.msk [tilespmem:v27+s23+$0x0], $0xffff;
	v30 =	vadd.f32 v46, v30;
	v24 =	vadd.f32 v24, v28;
	v28 =	vadd.s32 v7, v17;
	s8 =	smul.f32 s3, s3  }
0xdb: {  	v42 =	vld.idx.msk [tilespmem:v42+s23+$0x0], $0xffff;
	v25 =	vadd.f32 v4, v25;
	v4 =	vperm.xlane v2, v10;
	v10 =	vadd.s32 v52, v17  }
0xdc: {  	v44 =	vadd.s32 v5, v14;
	v45 =	vld.idx.msk [tilespmem:v45+s22+$0x0], $0xffff;
	v24 =	vadd.f32 v53, v24;
	v53 =	vadd.s32 v9, v29;
	s4 =	ssub.f32 s4, s8  }
0xdd: {  	v56 =	vimm.s32 $0x3;
	(xrf2) =	vadd.scan.msk.f32 $0xffff, v13;
	v30 =	vadd.f32 v41, v30;
	v26 =	vld.idx.msk [tilespmem:v26+s22+$0x0], $0xffff;
	v29 =	vadd.s32 v11, v29  }
0xde: {  	v13 =	vperm.xlane v2, v61;
	v18 =	vadd.f32 v18, v25;
	v25 =	vld.idx.msk [tilespmem:v38+s23+$0x0], $0xffff;
	v22 =	vadd.f32 v54, v22;
	s4 =	smax.f32 s4, $0.0e+00  }
0xdf: {  	v2 =	vperm.xlane v2, v56;
	v58 =	vadd.f32 v15, v30;
	v24 =	vadd.f32 v8, v24;
	v28 =	vld.idx.msk [tilespmem:v28+s23+$0x0], $0xffff;
	s4 =	sadd.f32 $9.999999960e-13, s4  }
0xe0: {  	v21 =	vadd.f32 v31, v21;
	v23 =	vld.idx.msk [tilespmem:v10+s23+$0x0], $0xffff;
	v22 =	vadd.f32 v34, v22;
	v34 =	vadd.s32 v9, v17  }
0xe1: {  	v41 =	vadd.s32 v6, v14;
	v59 =	vadd.f32 v27, v24;
	v15 =	vld.idx.msk [tilespmem:v53+s22+$0x0], $0xffff;
	v17 =	vadd.s32 v11, v17;
	s25 =	sshra.s32 s4, $0x1;
	s4 =	smul.f32 $5.000000000e-01, s4  }
0xe2: {  	v21 =	vadd.f32 v32, v21;
	v38 =	vadd.f32 v42, v22;
	v42 =	vld.idx.msk [tilespmem:v29+s22+$0x0], $0xffff;
	[tilespmem:$0x1FE00] =	vst v58;
	s8 =	ssub.s32 $0x5F3759DF, s25  }
0xe3: {  	v46 =	vadd.s32 v62, v13;
	v55 =	vadd.s32 v62, v4;
	v27 =	vmul.f32 v58, v58;
	[tilespmem:$0x1FE10] =	vst v59;
	s15 =	smul.f32 s8, s4  }
0xe4: {  	v30 =	vadd.f32 v59, v58;
	v29 =	vmul.f32 v59, v59;
	v58 =	vadd.f32 v28, v21;
	v21 =	vld.idx.msk [tilespmem:v33+s10+$0x0], $0xffff  }
0xe5: {  	v31 =	vadd.s32 v5, v4;
	v18 =	vadd.f32 v45, v18;
	v53 =	vld.idx.msk [tilespmem:v34+s23+$0x0], $0xffff;
	[tilespmem:$0x1FE20] =	vst v38;
	s15 =	smul.f32 s8, s15  }
0xe6: {  	v54 =	vadd.s32 v5, v13;
	v16 =	vadd.f32 v26, v16;
	v27 =	vadd.f32 v29, v27;
	v17 =	vld.idx.msk [tilespmem:v17+s23+$0x0], $0xffff  }
0xe7: {  	v28 =	vmul.f32 v38, v38;
	v30 =	vadd.f32 v38, v30;
	v34 =	vadd.f32 v23, v18;
	v18 =	vld.idx.msk [tilespmem:v44+s10+$0x0], $0xffff;
	s15 =	ssub.f32 $1.500000000e+00, s15  }
0xe8: {  	v24 =	vadd.s32 v6, v13;
	v59 =	vadd.f32 v25, v16;
	v15 =	vadd.f32 v15, v19;
	v19 =	vld [tilespmem:s17+$0xFFFFFF80]  }
0xe9: {  	v45 =	vadd.s32 v52, v14;
	v38 =	vadd.f32 v28, v27;
	v28 =	vadd.f32 v58, v30;
	v16 =	vld [tilespmem:s17+$0xFFFFFF90];
	[tilespmem:$0x1FE30] =	vst v34;
	s8 =	smul.f32 s8, s15  }
0xea: {  	v33 =	vadd.s32 v6, v2;
	v29 =	vadd.s32 v7, v14;
	v26 =	vmul.f32 v58, v58;
	v22 =	vld.idx.msk [tilespmem:v46+s21+$0x0], $0xffff  }
0xeb: {  	v25 =	vmul.f32 v34, v34;
	v20 =	vadd.f32 v42, v20;
	v28 =	vadd.f32 v34, v28;
	v30, _, _ =	vpop (xrf2);
	v34 =	vld.idx.msk [tilespmem:v55+s22+$0x0], $0xffff;
	s15 =	smul.f32 s8, s4  }
0xec: {  	v27 =	vadd.s32 v6, v4;
	v23 =	vadd.f32 v26, v38;
	v31 =	vld.idx.msk [tilespmem:v31+s22+$0x0], $0xffff;
	(v2sf) =	vpush v30, $0xF  }
0xed: {  	v42 =	vadd.s32 v62, v2;
	v30 =	vld.idx.msk [tilespmem:v41+s10+$0x0], $0xffff;
	v38 =	vadd.f32 v53, v15;
	v53 =	vadd.f32 v17, v20;
	s15 =	smul.f32 s15, s8  }
0xee: {  	v6 =	vadd.s32 v7, v2;
	v26 =	vadd.s32 v7, v13;
	v15 =	vld.idx.msk [tilespmem:v54+s21+$0x0], $0xffff;
	v28 =	vadd.f32 v59, v28  }
0xef: {  	v23 =	vadd.f32 v25, v23;
	v25 =	vmul.f32 v59, v59;
	v17 =	vld [tilespmem:s17+$0xFFFFFFA0];
	v19 =	vadd.f32 v21, v19;
	[tilespmem:$0x1FE40] =	vst v53;
	s15 =	ssub.f32 $1.500000000e+00, s15  }
0xf0: {  	v21 =	vadd.s32 v7, v4;
	v16 =	vadd.f32 v18, v16;
	v28 =	vadd.f32 v38, v28;
	v24 =	vld.idx.msk [tilespmem:v24+s21+$0x0], $0xffff  }
0xf1: {  	s28 =	spop (v2sf);
	v18 =	vadd.s32 v52, v13;
	v20 =	vadd.f32 v25, v23;
	v54 =	vmul.f32 v38, v38;
	v29 =	vld.idx.msk [tilespmem:v29+s10+$0x0], $0xffff;
	s8 =	smul.f32 s15, s8  }
0xf2: {  	v25 =	vadd.s32 v5, v2;
	v5 =	vmov s3;
	v28 =	vadd.f32 v53, v28;
	v32 =	vld.idx.msk [tilespmem:v42+s23+$0x0], $0xffff;
	s15 =	smul.f32 $7.812500000e-03, s28  }
0xf3: {  	v10 =	vmul.f32 v53, v53;
	v53 =	vsub.f32 v35, v5;
	v35 =	vld [tilespmem:$0x1FEA0];
	v15 =	vadd.f32 v15, v16  }
0xf4: {  	(xrf2) =	vadd.scan.msk.f32 $0xffff, v28;
	v28 =	vld [tilespmem:s17+$0xFFFFFFB0];
	v17 =	vadd.f32 v30, v17;
	v30 =	vadd.s32 v52, v4;
	v16 =	vmov s15  }
0xf5: {  	v15 =	vadd.f32 v31, v15;
	v31 =	vadd.s32 v52, v2;
	v52 =	vld [tilespmem:$0x1FF00];
	v7 =	vsub.f32 v37, v16  }
0xf6: {  	v20 =	vadd.f32 v54, v20;
	v44 =	vsub.f32 v36, v16;
	v36 =	vld [tilespmem:$0x1FF70]  }
0xf7: {  	v37 =	vld [tilespmem:$0x1FF60];
	[tilespmem:$0x1FE50] =	vst v7  }
0xf8: {  	v20 =	vadd.f32 v10, v20;
	v41 =	vld.idx.msk [tilespmem:v25+s23+$0x0], $0xffff  }
0xf9: {  	v27 =	vld.idx.msk [tilespmem:v27+s22+$0x0], $0xffff  }
0xfa: {  	(xrf2) =	vadd.scan.msk.f32 $0xffff, v20;
	v20 =	vadd.s32 v57, v14;
	v26 =	vld.idx.msk [tilespmem:v26+s21+$0x0], $0xffff  }
0xfb: {  	v46 =	vsub.f32 v0, v16;
	v0 =	vadd.f32 v24, v17;
	v17 =	vld.idx.msk [tilespmem:v45+s10+$0x0], $0xffff  }
0xfc: {  	v28 =	vadd.f32 v29, v28;
	v29 =	vld [tilespmem:s17+$0xFFFFFFC0]  }
0xfd: {  	s4 =	smul.f32 s8, s4;
	v45 =	vsub.f32 v1, v16;
	v1 =	vld.idx.msk [tilespmem:v33+s23+$0x0], $0xffff  }
0xfe: {  	v19 =	vadd.f32 v22, v19;
	v42 =	vsub.f32 v3, v16;
	v3 =	vld.idx.msk [tilespmem:v21+s22+$0x0], $0xffff  }
0xff: {  	s30 =	smul.f32 s4, s8;
	v7 =	vadd.s32 v9, v14;
	v20 =	vld.idx.msk [tilespmem:v20+s10+$0x0], $0xffff  }
0x100: {  	v19 =	vadd.f32 v34, v19;
	v33 =	vld [tilespmem:$0x1FE90]  }
0x101: {  	s3 =	ssub.f32 $1.500000000e+00, s30;
	v6 =	vld.idx.msk [tilespmem:v6+s23+$0x0], $0xffff;
	v0 =	vadd.f32 v27, v0  }
0x102: {  	v23 =	vadd.f32 v32, v19;
	v14 =	vadd.s32 v11, v14;
	v30 =	vld.idx.msk [tilespmem:v30+s22+$0x0], $0xffff;
	v55 =	vadd.f32 v26, v28  }
0x103: {  	s2 =	smul.f32 s3, s8;
	v28 =	vsub.f32 v48, v5;
	v48 =	vadd.f32 v1, v0;
	v0 =	vld [tilespmem:$0x1FEB0]  }
0x104: {  	v34 =	vadd.s32 v57, v13;
	v54 =	vsub.f32 v40, v16;
	v43 =	vsub.f32 v43, v16;
	v7 =	vld.idx.msk [tilespmem:v7+s10+$0x0], $0xffff  }
0x105: {  	v19 =	vmul.f32 s2, v52;
	v24 =	vadd.f32 v41, v15;
	v41 =	vsub.f32 v12, v16;
	v12 =	vld.idx.msk [tilespmem:v18+s21+$0x0], $0xffff  }
0x106: {  	v15 =	vadd.s32 v57, v4;
	v18 =	vmul.f32 v23, v23;
	v26 =	vadd.s32 v9, v13;
	v27 =	vld [tilespmem:s17+$0xFFFFFFD0]  }
0x107: {  	v14 =	vld.idx.msk [tilespmem:v14+s10+$0x0], $0xffff;
	v17 =	vadd.f32 v17, v29;
	v29 =	vsub.f32 v50, v5;
	v8 =	vmul.f32 v24, v24  }
0x108: {  	v52 =	vld [tilespmem:$0x1FF40];
	v1 =	vsub.f32 v39, v5;
	v3 =	vadd.f32 v3, v55;
	v0 =	vmul.f32 s2, v0  }
0x109: {  	v19 =	vmul.f32 v19, v53;
	v39 =	vld.idx.msk [tilespmem:v34+s21+$0x0], $0xffff;
	v18 =	vadd.f32 v8, v18;
	v8 =	vmul.f32 s2, v33  }
0x10a: {  	v55 =	vadd.f32 v6, v3;
	v6 =	vld [tilespmem:$0x1FEC0];
	v40 =	vmul.f32 v0, v1;
	v0 =	vmul.f32 v48, v48  }
0x10b: {  	v16, _, _ =	vpop (xrf2);
	v12 =	vadd.f32 v12, v17;
	v17 =	vadd.s32 v57, v2;
	v20 =	vadd.f32 v20, v27;
	v27 =	vld.idx.msk [tilespmem:v31+s23+$0x0], $0xffff  }
0x10c: {  	s15 =	smul.f32 s15, s15;
	s18 =	spop (v2sf);
	v13 =	vadd.s32 v11, v13;
	(v2sf) =	vpush v16, $0xF;
	v16, _, _ =	vpop (xrf2);
	v18 =	vadd.f32 v0, v18;
	v0 =	vld [tilespmem:$0x1FE60]  }
0x10d: {  	s8 =	smul.f32 $7.812500000e-03, s18;
	(v2sf) =	vpush v16, $0xF;
	v19 =	vadd.f32 v19, v52;
	v8 =	vmul.f32 v8, v28;
	v1 =	vld [tilespmem:s17+$0xFFFFFFE0]  }
0x10e: {  	v15 =	vld.idx.msk [tilespmem:v15+s22+$0x0], $0xffff;
	v28 =	vadd.s32 v9, v4;
	v12 =	vadd.f32 v30, v12;
	v30 =	vmul.f32 v55, v55  }
0x10f: {  	s3 =	ssub.f32 s8, s15;
	v16 =	vmul.f32 s2, v35;
	v3 =	vld.idx.msk [tilespmem:v26+s21+$0x0], $0xffff;
	v26 =	vsub.f32 v47, v5;
	v31 =	vsub.f32 v49, v5  }
0x110: {  	v20 =	vadd.f32 v39, v20;
	v17 =	vld.idx.msk [tilespmem:v17+s23+$0x0], $0xffff;
	v18 =	vadd.f32 v30, v18  }
0x111: {  	s3 =	smax.f32 s3, $0.0e+00;
	v16 =	vmul.f32 v16, v29;
	v0 =	vsub.f32 v0, v5;
	v5 =	vsub.f32 v51, v5;
	v51 =	vld [tilespmem:s17+$0xFFFFFFF0];
	[tilespmem:$0x1FE70] =	vst v23  }
0x112: {  	v53 =	vld [tilespmem:$0x1FEF0];
	s3 =	sadd.f32 $9.999999960e-13, s3;
	v6 =	vmul.f32 s2, v6;
	v30 =	vadd.f32 v27, v12;
	v7 =	vadd.f32 v7, v1;
	[tilespmem:$0x1FE80] =	vst v24  }
0x113: {  	v4 =	vadd.s32 v11, v4;
	v15 =	vadd.f32 v15, v20;
	v12 =	vadd.f32 v24, v23;
	v20 =	vld.idx.msk [tilespmem:v28+s22+$0x0], $0xffff  }
0x114: {  	s19 =	sshra.s32 s3, $0x1;
	v0 =	vmul.f32 v6, v0;
	v6 =	vld.idx.msk [tilespmem:v13+s21+$0x0], $0xffff;
	v13 =	vadd.f32 v3, v7;
	v3 =	vmul.f32 v30, v30  }
0x115: {  	v29 =	vadd.s32 v9, v2;
	s24 =	ssub.s32 $0x5F3759DF, s19;
	s19 =	simm.s32 $0x14B80;
	v1 =	vld [tilespmem:$0x1FED0];
	v7 =	vadd.s32 v11, v2;
	v2 =	vadd.f32 v48, v12  }
0x116: {  	v12 =	vadd.f32 v3, v18;
	v3 =	vld [tilespmem:$0x1FEE0];
	[tilespmem:s19+$0x70] =	vst v19  }
0x117: {  	s20 =	smul.f32 $5.000000000e-01, s3;
	v27 =	vadd.f32 v17, v15;
	v17 =	vadd.f32 v55, v2;
	v2 =	vld [tilespmem:$0x1FF10]  }
0x118: {  	v18 =	vadd.f32 v20, v13;
	v13 =	vld.idx.msk [tilespmem:v4+s22+$0x0], $0xffff  }
0x119: {  	s8 =	smul.f32 s24, s20;
	v4 =	vld [tilespmem:$0x1FF20];
	_ =	sdelay $0x1  }
0x11a: {  	s8 =	smul.f32 s24, s8;
	_ =	sdelay $0x1  }
0x11b: {  	s8 =	ssub.f32 $1.500000000e+00, s8;
	v19 =	vadd.f32 v8, v2  }
0x11c: {  	v1 =	vmul.f32 s2, v1;
	v4 =	vadd.f32 v16, v4  }
0x11d: {  	s3 =	smul.f32 s24, s8;
	[tilespmem:s19+$0x0] =	vst v19  }
0x11e: {  	v1 =	vmul.f32 v1, v26;
	v26 =	vld.idx.msk [tilespmem:v29+s23+$0x0], $0xffff;
	[tilespmem:s19+$0x10] =	vst v4  }
0x11f: {  	s18 =	smul.f32 s3, s20;
	s25 =	spop (v2sf);
	v4 =	vld [tilespmem:$0x1FF30]  }
0x120: {  	v15 =	vmul.f32 s2, v53;
	s15 =	smul.f32 $7.812500000e-03, s25;
	s28 =	spop (v2sf)  }
0x121: {  	s30 =	smul.f32 $7.812500000e-03, s28;
	v14 =	vadd.f32 v14, v51;
	v3 =	vmul.f32 s2, v3  }
0x122: {  	s25 =	smul.f32 s15, s15;
	v2 =	vmul.f32 v15, v5;
	v15 =	vadd.f32 v30, v17  }
0x123: {  	s24 =	simm.s32 $0x2;
	s4 =	smul.f32 s18, s3;
	v50 =	vadd.f32 v26, v18;
	v3 =	vmul.f32 v3, v31;
	v16 =	vadd.f32 v6, v14  }
0x124: {  	s18 =	simm.s32 $0x14B80;
	s8 =	ssub.f32 s30, s25;
	s25 =	simm.s32 $0xF814;
	v17 =	vld.idx.msk [tilespmem:v7+s23+$0x0], $0xffff;
	v18 =	vadd.f32 v27, v15;
	v19 =	vmul.f32 v27, v27;
	v4 =	vadd.f32 v40, v4  }
.LBB2_3:
0x125: {  	v14 =	vld [tilespmem:s25+$0x0]  }
0x126: {  	v15 =	vld [tilespmem:s25+$0xFFFFFFFC]  }
0x127: {  	v0 =	vadd.f32 v0, v63;
	v39 =	vld [tilespmem:$0x1FFC0]  }
0x128: {  	v49 =	vld [tilespmem:$0x1FFB0]  }
0x129: {  	[tilespmem:s19+$0x30] =	vst v0;
	v0 =	vld [tilespmem:$0x1FF80]  }
0x12a: {  	v47 =	vld [tilespmem:$0x1FFD0]  }
0x12b: {  	v51 =	vld [tilespmem:$0x1FFE0]  }
0x12c: {  	[tilespmem:$0x1FCC0] =	vst v54;
	v21 =	vld [tilespmem:$0x1FFF0];
	v13 =	vadd.f32 v13, v16  }
0x12d: {  	v1 =	vadd.f32 v1, v37;
	s17 =	sadd.s32 $0x100, s17;
	v22 =	vld [tilespmem:$0x1FF90];
	[tilespmem:s19+$0x20] =	vst v4  }
0x12e: {  	[tilespmem:$0x1FCB0] =	vst v30;
	v5 =	vadd.f32 v17, v13;
	v17 =	vld [tilespmem:s17+$0x70];
	v0 =	vadd.f32 v3, v0  }
0x12f: {  	v7 =	vimm.s32 $0x2;
	v12 =	vadd.f32 v19, v12;
	[tilespmem:s19+$0x40] =	vst v1;
	v1 =	vadd.f32 v2, v36;
	v2 =	vld [tilespmem:$0x1FFA0]  }
0x130: {  	v16 =	vadd.f32 v50, v18;
	v18 =	vmul.f32 v50, v50;
	v30 =	vld [tilespmem:s17+$0x60];
	v54 =	vperm.xlane v14, v60;
	[tilespmem:s19+$0x50] =	vst v0  }
0x131: {  	[tilespmem:$0x1FCE0] =	vst v27;
	v32 =	vperm.xlane v14, v7;
	v31 =	vld [tilespmem:s17+$0x50]  }
0x132: {  	v4 =	vadd.f32 v18, v12;
	v12 =	vmul.f32 v5, v5;
	v13 =	vadd.s32 v49, v54;
	v34 =	vld [tilespmem:s17+$0x40];
	[tilespmem:s19+$0x60] =	vst v1  }
0x133: {  	[tilespmem:$0x1FCF0] =	vst v5;
	v27 =	vperm.xlane v14, v56;
	v3 =	vadd.f32 v5, v16;
	v33 =	vadd.s32 v51, v32;
	v5 =	vld [tilespmem:s17+$0x30]  }
0x134: {  	[tilespmem:$0x1FC90] =	vst v55;
	v55 =	vadd.s32 v57, v54;
	v6 =	vld [tilespmem:s17+$0x20]  }
0x135: {  	[tilespmem:$0x1FD00] =	vst v45;
	v35 =	vperm.xlane v15, v7;
	v37 =	vadd.s32 v62, v27;
	v7 =	vld [tilespmem:s17+$0x0]  }
0x136: {  	[tilespmem:$0x1FDB0] =	vst v59;
	v28 =	vperm.xlane v14, v61;
	v59 =	vadd.s32 v21, v54;
	v8 =	vld [tilespmem:s17+$0x10]  }
0x137: {  	[tilespmem:$0x1FD70] =	vst v41;
	v52 =	vperm.xlane v15, v60;
	v41 =	vld.idx.msk [tilespmem:v13+s10+$0x0], $0xffff  }
0x138: {  	v53 =	vperm.xlane v15, v61;
	v0 =	vadd.f32 v12, v4;
	v1 =	vadd.s32 v49, v28;
	v60 =	vld.idx.msk [tilespmem:v33+s22+$0x0], $0xffff  }
0x139: {  	v10 =	vperm.xlane v15, v56;
	v15 =	vmovc v46;
	v46 =	vadd.s32 v47, v54;
	(xrf2) =	vadd.scan.msk.f32 $0xffff, v3;
	v45 =	vld.idx.msk [tilespmem:v55+s10+$0x0], $0xffff  }
0x13a: {  	(xrf2) =	vadd.scan.msk.f32 $0xffff, v0;
	v0 =	vadd.s32 v57, v28;
	v61 =	vld.idx.msk [tilespmem:v37+s23+$0x0], $0xffff  }
0x13b: {  	[tilespmem:$0x1FD90] =	vst v58;
	v58 =	vadd.s32 v22, v35;
	v22 =	vadd.s32 v39, v28;
	v63 =	vld.idx.msk [tilespmem:v59+s10+$0x0], $0xffff  }
0x13c: {  	v25 =	vadd.s32 v39, v32;
	v24 =	vadd.s32 v2, v35;
	v59 =	vld [tilespmem:$0x1FF90]  }
0x13d: {  	v20 =	vadd.s32 v39, v35;
	[tilespmem:$0x1FDE0] =	vst v24;
	v11 =	vld.idx.msk [tilespmem:v1+s21+$0x0], $0xffff;
	v1 =	vadd.s32 v47, v35  }
0x13e: {  	s4 =	ssub.f32 $1.500000000e+00, s4;
	s8 =	smax.f32 s8, $0.0e+00;
	v36 =	vadd.s32 v47, v32;
	v46 =	vld.idx.msk [tilespmem:v46+s10+$0x0], $0xffff;
	[tilespmem:$0x1FC80] =	vst v1;
	v1 =	vadd.s32 v51, v53  }
0x13f: {  	s8 =	sadd.f32 $9.999999960e-13, s8;
	v57 =	vld.idx.msk [tilespmem:v0+s21+$0x0], $0xffff;
	v0 =	vadd.s32 v47, v10;
	[tilespmem:$0x1FCA0] =	vst v1  }
0x140: {  	s3 =	smul.f32 s4, s3;
	v3 =	vadd.s32 v2, v28;
	v22 =	vld.idx.msk [tilespmem:v22+s21+$0x0], $0xffff;
	[tilespmem:$0x1FD10] =	vst v0;
	v0 =	vadd.s32 v21, v52  }
0x141: {  	s28 =	sshra.s32 s8, $0x1;
	s4 =	smul.f32 $5.000000000e-01, s8;
	v4 =	vadd.s32 v2, v54;
	v25 =	vld.idx.msk [tilespmem:v25+s22+$0x0], $0xffff;
	[tilespmem:$0x1FCD0] =	vst v0;
	v0 =	vadd.s32 v51, v35  }
0x142: {  	s30 =	ssub.s32 $0x5F3759DF, s28;
	v24 =	vadd.s32 v47, v28;
	v20 =	vld.idx.msk [tilespmem:v20+s22+$0x0], $0xffff;
	[tilespmem:$0x1FD30] =	vst v0;
	v0 =	vadd.s32 v21, v53  }
0x143: {  	s28 =	smul.f32 s30, s4;
	v13 =	vmov v44;
	v44 =	vadd.s32 v51, v54;
	v1 =	vld.idx.msk [tilespmem:v36+s22+$0x0], $0xffff;
	[tilespmem:$0x1FD50] =	vst v0;
	v0 =	vadd.s32 v51, v10  }
0x144: {  	v9 =	vadd.s32 v47, v53;
	v36 =	vadd.s32 v39, v54;
	[tilespmem:$0x1FD80] =	vst v0;
	v0 =	vld [tilespmem:$0x1FF90]  }
0x145: {  	s28 =	smul.f32 s30, s28;
	[tilespmem:$0x1FC70] =	vst v9;
	v9 =	vld.idx.msk [tilespmem:v3+s21+$0x0], $0xffff  }
0x146: {  	s20 =	smul.f32 s3, s20;
	v40 =	vld.idx.msk [tilespmem:v4+s10+$0x0], $0xffff  }
0x147: {  	s28 =	ssub.f32 $1.500000000e+00, s28;
	v24 =	vld.idx.msk [tilespmem:v24+s21+$0x0], $0xffff  }
0x148: {  	s20 =	smul.f32 s20, s3;
	v3 =	vadd.s32 v62, v10;
	v23 =	vld.idx.msk [tilespmem:v44+s10+$0x0], $0xffff  }
0x149: {  	s8 =	smul.f32 s30, s28;
	v4 =	vadd.s32 v39, v10;
	v36 =	vld.idx.msk [tilespmem:v36+s10+$0x0], $0xffff;
	v0 =	vadd.s32 v0, v52  }
0x14a: {  	v29 =	vadd.s32 v62, v52;
	v26 =	vadd.s32 v62, v53;
	v16 =	vadd.s32 v39, v53;
	s20 =	ssub.f32 $1.500000000e+00, s20;
	[tilespmem:$0x1FD60] =	vst v0;
	v0 =	vld [tilespmem:$0x1FF90]  }
0x14b: {  	v12 =	vadd.s32 v39, v52;
	s2 =	smul.f32 s8, s4;
	v39 =	vadd.s32 v39, v27;
	v31 =	vadd.f32 v45, v31;
	v45 =	vld [tilespmem:$0x1FE40]  }
0x14c: {  	[tilespmem:$0x1FD20] =	vst v43;
	v18 =	vadd.s32 v47, v52;
	v19 =	vadd.s32 v62, v35;
	s3 =	smul.f32 s20, s3;
	v34 =	vadd.f32 v63, v34;
	v63 =	vld [tilespmem:$0x1FF00]  }
0x14d: {  	v14 =	vadd.s32 v51, v52;
	v43 =	vadd.s32 v62, v32;
	s20 =	smul.f32 s2, s8;
	v47 =	vadd.s32 v47, v27;
	v3 =	vld.idx.msk [tilespmem:v3+s23+$0x0], $0xffff  }
0x14e: {  	v30 =	vadd.f32 v41, v30;
	v40 =	vadd.f32 v40, v17;
	v17 =	vmov s15;
	v4 =	vld.idx.msk [tilespmem:v4+s23+$0x0], $0xffff  }
0x14f: {  	s20 =	ssub.f32 $1.500000000e+00, s20;
	v31 =	vadd.f32 v57, v31;
	v57 =	vld [tilespmem:$0x1FF90];
	v8 =	vadd.f32 v36, v8;
	v0 =	vadd.s32 v0, v53  }
0x150: {  	v41 =	vsub.f32 v45, v17;
	v45 =	vld.idx.msk [tilespmem:v39+s23+$0x0], $0xffff;
	[tilespmem:$0x1FDA0] =	vst v0;
	v0 =	vadd.s32 v21, v10  }
0x151: {  	v56 =	vadd.s32 v49, v52;
	s8 =	smul.f32 s20, s8;
	v39 =	vld [tilespmem:s17+$0xFFFFFF80];
	v8 =	vadd.f32 v22, v8;
	[tilespmem:$0x1FDC0] =	vst v0;
	v0 =	vadd.s32 v62, v54  }
0x152: {  	v54 =	vadd.s32 v59, v10;
	v59 =	vadd.s32 v2, v52;
	v52 =	vadd.s32 v62, v28;
	v62 =	vld.idx.msk [tilespmem:v43+s22+$0x0], $0xffff  }
0x153: {  	v55 =	vadd.s32 v21, v35;
	s4 =	smul.f32 s8, s4;
	v8 =	vadd.f32 v25, v8;
	v43 =	vadd.s32 v49, v35;
	v35 =	vld [tilespmem:$0x1FF90]  }
0x154: {  	v22 =	vld.idx.msk [tilespmem:v47+s23+$0x0], $0xffff  }
0x155: {  	v11 =	vadd.f32 v11, v30;
	s4 =	smul.f32 s4, s8;
	v30 =	vadd.f32 v45, v8;
	v45 =	vld [tilespmem:$0x1FEA0]  }
0x156: {  	v37 =	vadd.s32 v49, v53;
	v44 =	vadd.s32 v49, v10;
	v0 =	vld.idx.msk [tilespmem:v0+s10+$0x0], $0xffff  }
0x157: {  	s4 =	ssub.f32 $1.500000000e+00, s4;
	v36 =	vadd.s32 v2, v27;
	v53 =	vadd.s32 v2, v53;
	v10 =	vadd.s32 v2, v10;
	v52 =	vld.idx.msk [tilespmem:v52+s21+$0x0], $0xffff  }
0x158: {  	[tilespmem:$0x1FDD0] =	vst v37;
	v37 =	vadd.s32 v35, v32;
	v35 =	vmov v38;
	v38 =	vadd.s32 v2, v32;
	v2 =	vld.idx.msk [tilespmem:v12+s10+$0x0], $0xffff  }
0x159: {  	[tilespmem:$0x1FD40] =	vst v42;
	v42, _, _ =	vpop (xrf2);
	s20 =	smul.f32 s4, s8;
	v12 =	vld.idx.msk [tilespmem:v18+s10+$0x0], $0xffff  }
0x15a: {  	(v2sf) =	vpush v42, $0xF;
	v42 =	vadd.s32 v51, v28;
	v18 =	vld.idx.msk [tilespmem:v19+s22+$0x0], $0xffff  }
0x15b: {  	v5 =	vadd.f32 v23, v5;
	v23 =	vmul.f32 s20, v63;
	v28 =	vadd.s32 v21, v28;
	v19 =	vld [tilespmem:$0x1FC70]  }
0x15c: {  	v47 =	vld [tilespmem:$0x1FEE0];
	v0 =	vadd.f32 v0, v7  }
0x15d: {  	v23 =	vmul.f32 v23, v41;
	v41 =	vld [tilespmem:$0x1FEB0];
	[tilespmem:$0x1FDF0] =	vst v10;
	v10 =	vmov v48;
	v48 =	vadd.s32 v21, v32  }
0x15e: {  	v0 =	vadd.f32 v52, v0;
	v52 =	vld [tilespmem:$0x1FF40]  }
0x15f: {  	v8 =	vmul.f32 s3, v45;
	v7 =	vld.idx.msk [tilespmem:v42+s21+$0x0], $0xffff;
	v42 =	vadd.s32 v51, v27  }
0x160: {  	v6 =	vadd.f32 v46, v6;
	v28 =	vld.idx.msk [tilespmem:v28+s21+$0x0], $0xffff  }
0x161: {  	v8 =	vmul.f32 v8, v13;
	v13 =	vld [tilespmem:$0x1FE10]  }
0x162: {  	v46 =	vadd.s32 v21, v27;
	v6 =	vadd.f32 v24, v6;
	v24 =	vld.idx.msk [tilespmem:v48+s22+$0x0], $0xffff  }
0x163: {  	v9 =	vadd.f32 v9, v40;
	v40 =	vadd.s32 v49, v32;
	v19 =	vld.idx.msk [tilespmem:v19+s21+$0x0], $0xffff;
	v23 =	vadd.f32 v23, v52  }
0x164: {  	s19 =	sadd.s32 $0x100, s19;
	v51 =	vadd.s32 v57, v27;
	v25 =	vld.idx.msk [tilespmem:v42+s23+$0x0], $0xffff  }
0x165: {  	v0 =	vadd.f32 v62, v0;
	v42 =	vld [tilespmem:$0x1FE90];
	[tilespmem:s19+$0x70] =	vst v23  }
0x166: {  	v1 =	vadd.f32 v1, v6;
	v5 =	vadd.f32 v7, v5;
	v7 =	vadd.s32 v49, v27;
	v6 =	vld.idx.msk [tilespmem:v37+s22+$0x0], $0xffff  }
0x167: {  	v32 =	vadd.f32 v61, v0;
	v0 =	vld.idx.msk [tilespmem:v46+s23+$0x0], $0xffff  }
0x168: {  	v28 =	vadd.f32 v28, v34;
	v27 =	vadd.f32 v22, v1;
	v34 =	vld.idx.msk [tilespmem:v40+s22+$0x0], $0xffff  }
0x169: {  	v5 =	vadd.f32 v60, v5;
	v48 =	vadd.f32 v30, v32;
	v1 =	vld.idx.msk [tilespmem:v51+s23+$0x0], $0xffff  }
0x16a: {  	v24 =	vadd.f32 v24, v28;
	v38 =	vld.idx.msk [tilespmem:v38+s22+$0x0], $0xffff  }
0x16b: {  	v28 =	vadd.f32 v25, v5;
	v5 =	vld.idx.msk [tilespmem:v7+s23+$0x0], $0xffff;
	v7 =	vadd.f32 v27, v48  }
0x16c: {  	v49 =	vmul.f32 v32, v32;
	v51 =	vmul.f32 v30, v30;
	v46 =	vld [tilespmem:$0x1FEC0]  }
0x16d: {  	v25 =	vld.idx.msk [tilespmem:v29+s10+$0x0], $0xffff;
	v7 =	vadd.f32 v28, v7  }
0x16e: {  	v48 =	vmul.f32 v27, v27;
	v40 =	vld [tilespmem:$0x1FED0];
	v6 =	vadd.f32 v6, v31;
	v31 =	vadd.f32 v51, v49  }
0x16f: {  	v29 =	vadd.f32 v0, v24;
	v0 =	vld.idx.msk [tilespmem:v36+s23+$0x0], $0xffff;
	v11 =	vadd.f32 v34, v11  }
0x170: {  	v9 =	vadd.f32 v38, v9;
	v38 =	vld.idx.msk [tilespmem:v26+s21+$0x0], $0xffff;
	v49 =	vadd.f32 v48, v31  }
0x171: {  	v33, _, _ =	vpop (xrf2);
	v51 =	vmul.f32 v28, v28;
	v31 =	vadd.f32 v1, v6;
	v1 =	vadd.f32 v29, v7;
	v7 =	vld [tilespmem:s17+$0xFFFFFF90]  }
0x172: {  	s28 =	spop (v2sf);
	(v2sf) =	vpush v33, $0xF;
	v22 =	vmul.f32 s3, v46;
	v33 =	vmul.f32 s20, v46;
	v48 =	vld [tilespmem:$0x1FEF0]  }
0x173: {  	v46 =	vld [tilespmem:$0x1FCB0];
	v21 =	vmul.f32 v29, v29;
	v26 =	vadd.f32 v5, v11;
	v34 =	vadd.f32 v51, v49  }
0x174: {  	v37 =	vmul.f32 s3, v41;
	v11 =	vld.idx.msk [tilespmem:v16+s21+$0x0], $0xffff;
	v1 =	vadd.f32 v31, v1;
	v49 =	vadd.f32 v25, v39  }
0x175: {  	v5 =	vmul.f32 s3, v47;
	v25 =	vld [tilespmem:s17+$0xFFFFFFA0];
	v36 =	vadd.f32 v0, v9;
	v16 =	vadd.f32 v21, v34  }
0x176: {  	v39 =	vmul.f32 s20, v47;
	v47 =	vld [tilespmem:$0x1FCC0];
	v0 =	vadd.f32 v26, v1;
	v9 =	vadd.f32 v38, v49  }
0x177: {  	v49 =	vld [tilespmem:$0x1FC80];
	v1 =	vmul.f32 s3, v48;
	v2 =	vadd.f32 v2, v7;
	v21 =	vmul.f32 v36, v36  }
0x178: {  	[tilespmem:$0x1FE40] =	vst v36;
	v0 =	vadd.f32 v36, v0;
	v36 =	vmul.f32 s20, v41;
	v41 =	vmul.f32 s20, v48;
	v48 =	vld [tilespmem:$0x1FCD0]  }
0x179: {  	v34 =	vmul.f32 v31, v31;
	v2 =	vadd.f32 v11, v2;
	v11 =	vld.idx.msk [tilespmem:v14+s10+$0x0], $0xffff  }
0x17a: {  	v12 =	vadd.f32 v12, v25;
	v25 =	vld [tilespmem:s17+$0xFFFFFFB0]  }
0x17b: {  	s30 =	smul.f32 $7.812500000e-03, s28;
	v51 =	vmul.f32 v26, v26;
	v16 =	vadd.f32 v34, v16;
	v14 =	vld [tilespmem:$0x1FE70]  }
0x17c: {  	v37 =	vmul.f32 v37, v47;
	v47 =	vld [tilespmem:$0x1FD00]  }
0x17d: {  	v24 =	vmov s30;
	v16 =	vadd.f32 v51, v16;
	(xrf2) =	vadd.scan.msk.f32 $0xffff, v0;
	v0 =	vmul.f32 s20, v45;
	v45 =	vld [tilespmem:$0x1FCA0]  }
0x17e: {  	v12 =	vadd.f32 v19, v12;
	v19 =	vsub.f32 v46, v24;
	v46 =	vld [tilespmem:s17+$0xFFFFFFC0]  }
0x17f: {  	v16 =	vadd.f32 v21, v16;
	v21 =	vld [tilespmem:$0x1FC90]  }
0x180: {  	v6 =	vmul.f32 s3, v40;
	v38 =	vmul.f32 s20, v40;
	v40 =	vsub.f32 v14, v24;
	v14 =	vld [tilespmem:$0x1FE80]  }
0x181: {  	v23 =	vmul.f32 s3, v42;
	v34 =	vmul.f32 s20, v42;
	v9 =	vadd.f32 v18, v9;
	v42 =	vld.idx.msk [tilespmem:v49+s22+$0x0], $0xffff  }
0x182: {  	v49 =	vld [tilespmem:$0x1FCE0]  }
0x183: {  	v6 =	vmul.f32 v6, v47;
	v47 =	vadd.f32 v3, v9;
	v3 =	vld [tilespmem:$0x1FD10]  }
0x184: {  	v11 =	vadd.f32 v11, v25;
	v25 =	vld.idx.msk [tilespmem:v48+s10+$0x0], $0xffff  }
0x185: {  	v2 =	vadd.f32 v20, v2;
	(xrf2) =	vadd.scan.msk.f32 $0xffff, v16;
	v20 =	vsub.f32 v21, v24;
	v21 =	vld [tilespmem:$0x1FCF0]  }
0x186: {  	v48 =	vmov v40;
	v40 =	vld [tilespmem:$0x1FD50]  }
0x187: {  	v51 =	vsub.f32 v14, v24;
	v14 =	vld [tilespmem:$0x1FE50]  }
0x188: {  	v16 =	vsub.f32 v49, v24;
	v49 =	vld [tilespmem:$0x1FE00]  }
0x189: {  	[tilespmem:$0x1FE50] =	vst v48;
	v48 =	vadd.f32 v4, v2;
	v2 =	vld [tilespmem:$0x1FD30]  }
0x18a: {  	v22 =	vmul.f32 v22, v15;
	v15 =	vsub.f32 v21, v24;
	v21 =	vld [tilespmem:$0x1FD40]  }
0x18b: {  	v45 =	vld.idx.msk [tilespmem:v45+s21+$0x0], $0xffff  }
0x18c: {  	v3 =	vld.idx.msk [tilespmem:v3+s23+$0x0], $0xffff  }
0x18d: {  	v23 =	vmul.f32 v23, v14;
	v14 =	vsub.f32 v50, v24;
	v50 =	vld [tilespmem:$0x1FD20]  }
0x18e: {  	v13 =	vsub.f32 v13, v17;
	v4, _, _ =	vpop (xrf2);
	v9 =	vsub.f32 v49, v17;
	v49 =	vld [tilespmem:$0x1FD60]  }
0x18f: {  	s2 =	spop (v2sf);
	v18 =	vsub.f32 v10, v24;
	(v2sf) =	vpush v4, $0xF;
	v4, _, _ =	vpop (xrf2);
	v24 =	vmul.f32 v1, v21;
	v21 =	vld [tilespmem:$0x1FD80]  }
0x190: {  	(v2sf) =	vpush v4, $0xF;
	v4 =	vmul.f32 v34, v9;
	v9 =	vld.idx.msk [tilespmem:v55+s22+$0x0], $0xffff  }
0x191: {  	[tilespmem:$0x1FE70] =	vst v47;
	v34 =	vmov v32;
	v32 =	vmul.f32 v0, v13;
	v0 =	vld [tilespmem:$0x1FD90]  }
0x192: {  	[tilespmem:$0x1FE80] =	vst v48;
	v2 =	vld.idx.msk [tilespmem:v2+s22+$0x0], $0xffff;
	v1 =	vadd.f32 v42, v12  }
0x193: {  	v12 =	vld.idx.msk [tilespmem:v40+s21+$0x0], $0xffff;
	v40 =	vmul.f32 v47, v47;
	v47 =	vadd.f32 v48, v47;
	v48 =	vmul.f32 v48, v48  }
0x194: {  	v42 =	vld [tilespmem:$0x1FE20]  }
0x195: {  	v40 =	vadd.f32 v48, v40;
	v48 =	vadd.f32 v3, v1;
	v1 =	vld [tilespmem:$0x1FDA0]  }
0x196: {  	v11 =	vadd.f32 v45, v11;
	v45 =	vld.idx.msk [tilespmem:v49+s10+$0x0], $0xffff  }
0x197: {  	v49 =	vld.idx.msk [tilespmem:v21+s23+$0x0], $0xffff  }
0x198: {  	v25 =	vadd.f32 v25, v46;
	v13 =	vld.idx.msk [tilespmem:v56+s10+$0x0], $0xffff  }
0x199: {  	v5 =	vmul.f32 v5, v50;
	v50 =	vld [tilespmem:$0x1FD70];
	v42 =	vsub.f32 v42, v17;
	v2 =	vadd.f32 v2, v11  }
0x19a: {  	v12 =	vadd.f32 v12, v25;
	v25 =	vadd.f32 v48, v47;
	v47 =	vld [tilespmem:$0x1FDB0]  }
0x19b: {  	[tilespmem:$0x1FE00] =	vst v34;
	v34 =	vmul.f32 v36, v42;
	v42 =	vld [tilespmem:s17+$0xFFFFFFE0]  }
0x19c: {  	v55 =	vadd.f32 v49, v2;
	v2 =	vld [tilespmem:$0x1FDD0]  }
0x19d: {  	v11 =	vld.idx.msk [tilespmem:v1+s21+$0x0], $0xffff  }
0x19e: {  	v7 =	vmul.f32 s3, v63;
	v1 =	vld [tilespmem:$0x1FE30];
	_ =	sdelay $0x1  }
0x19f: {  	v46 =	vld [tilespmem:s17+$0xFFFFFFD0];
	v3 =	vmul.f32 v48, v48;
	v7 =	vmul.f32 v7, v50;
	v50 =	vsub.f32 v47, v17  }
0x1a0: {  	v0 =	vsub.f32 v0, v17;
	v21 =	vld [tilespmem:$0x1FDC0]  }
0x1a1: {  	v40 =	vadd.f32 v3, v40;
	v3 =	vmul.f32 v39, v50;
	v39 =	vld [tilespmem:$0x1FF10];
	v13 =	vadd.f32 v13, v42  }
0x1a2: {  	s4 =	smul.f32 s30, s30;
	v42 =	vld [tilespmem:$0x1FF30];
	v1 =	vsub.f32 v1, v17;
	v17 =	vsub.f32 v35, v17  }
0x1a3: {  	s3 =	smul.f32 $7.812500000e-03, s2;
	v9 =	vadd.f32 v9, v12;
	v12 =	vld.idx.msk [tilespmem:v2+s21+$0x0], $0xffff  }
0x1a4: {  	v2 =	vmul.f32 v41, v17;
	v41 =	vld [tilespmem:$0x1FF20]  }
0x1a5: {  	v63 =	vld [tilespmem:$0x1FF50];
	s3 =	ssub.f32 s3, s4  }
0x1a6: {  	v46 =	vadd.f32 v45, v46;
	v45 =	vld.idx.msk [tilespmem:v58+s22+$0x0], $0xffff  }
0x1a7: {  	s3 =	smax.f32 s3, $0.0e+00;
	v47 =	vld [tilespmem:s17+$0xFFFFFFF0]  }
0x1a8: {  	v10 =	vmov v30;
	s3 =	sadd.f32 $9.999999960e-13, s3;
	v30 =	vld.idx.msk [tilespmem:v21+s23+$0x0], $0xffff;
	v23 =	vadd.f32 v23, v39  }
0x1a9: {  	v49 =	vadd.f32 v37, v42;
	v37 =	vld [tilespmem:$0x1FF60];
	v8 =	vadd.f32 v8, v41  }
0x1aa: {  	s8 =	sshra.s32 s3, $0x1;
	s20 =	smul.f32 $5.000000000e-01, s3;
	v17 =	vld.idx.msk [tilespmem:v59+s10+$0x0], $0xffff;
	[tilespmem:s18+$0xFFFFFF80] =	vst v23  }
0x1ab: {  	s15 =	ssub.s32 $0x5F3759DF, s8;
	v50 =	vmov v27;
	v27 =	vld.idx.msk [tilespmem:v54+s23+$0x0], $0xffff;
	[tilespmem:s18+$0xFFFFFF90] =	vst v8  }
0x1ac: {  	s4 =	smul.f32 s15, s20;
	v0 =	vmul.f32 v33, v0;
	v33 =	vld.idx.msk [tilespmem:v43+s22+$0x0], $0xffff;
	[tilespmem:s18+$0xFFFFFFA0] =	vst v49  }
0x1ad: {  	v54 =	vadd.f32 v22, v63;
	v35 =	vld.idx.msk [tilespmem:v53+s21+$0x0], $0xffff  }
0x1ae: {  	s4 =	smul.f32 s15, s4;
	v53 =	vld [tilespmem:$0x1FDE0]  }
0x1af: {  	v11 =	vadd.f32 v11, v46;
	v46 =	vmul.f32 v55, v55;
	[tilespmem:s18+$0xFFFFFFB0] =	vst v54;
	v54 =	vld [tilespmem:$0x1FDF0]  }
0x1b0: {  	[tilespmem:$0x1FE10] =	vst v10;
	v10 =	vmov v29;
	s4 =	ssub.f32 $1.500000000e+00, s4;
	v25 =	vadd.f32 v55, v25;
	v49 =	vld [tilespmem:$0x1FF80]  }
0x1b1: {  	v36 =	vld [tilespmem:$0x1FF70];
	v58 =	vmov v28;
	[tilespmem:$0x1FE30] =	vst v10;
	v28 =	vadd.f32 v46, v40;
	v4 =	vadd.f32 v4, v39  }
0x1b2: {  	s3 =	smul.f32 s15, s4;
	[tilespmem:$0x1FE20] =	vst v50;
	v11 =	vadd.f32 v45, v11;
	v30 =	vadd.f32 v30, v9  }
0x1b3: {  	[tilespmem:s19+$0x0] =	vst v4;
	v4 =	vadd.f32 v34, v42;
	v6 =	vadd.f32 v6, v37  }
0x1b4: {  	s24 =	sadd.s32 $0x2, s24;
	s8 =	smul.f32 s3, s20;
	s28 =	spop (v2sf);
	v1 =	vmul.f32 v38, v1;
	v38 =	vmovc v26;
	v25 =	vadd.f32 v30, v25;
	v50 =	vadd.f32 v12, v13  }
0x1b5: {  	p1 =	slt.u32 s24, $0x4E;
	s15 =	smul.f32 $7.812500000e-03, s28;
	v12 =	vmul.f32 v30, v30;
	v26 =	vadd.f32 v17, v47;
	v23 =	vld.idx.msk [tilespmem:v44+s23+$0x0], $0xffff;
	v5 =	vadd.f32 v5, v49  }
.Ltmp0:
0x1b6: {  	s30 =	spop (v2sf);
	v45 =	vmov v19;
	v27 =	vadd.f32 v27, v11;
	v13 =	vld.idx.msk [tilespmem:v53+s22+$0x0], $0xffff;
	[tilespmem:s18+$0xFFFFFFC0] =	vst v6;
	v6 =	vadd.f32 v24, v36;
	(pc) =	sbr.rel @p1 .LBB2_3-.Ltmp0, $4  }
0x1b7: {  	v62 =	vlaneseq.u32;
	s2 =	smul.f32 $7.812500000e-03, s30;
	v46 =	vmovc v20;
	v12 =	vadd.f32 v12, v28;
	v17 =	vld.idx.msk [tilespmem:v54+s23+$0x0], $0xffff;
	[tilespmem:s18+$0xFFFFFFD0] =	vst v5;
	v5 =	vadd.f32 v7, v52  }
0x1b8: {  	v61 =	vimm.s32 $0x1;
	s30 =	smul.f32 s15, s15;
	v42 =	vmovc v14;
	v59 =	vmovc v31;
	v7 =	vadd.f32 v32, v41;
	[tilespmem:s18+$0xFFFFFFE0] =	vst v6;
	v6 =	vadd.f32 v33, v50  }
0x1b9: {  	s25 =	sadd.s32 $0x8, s25;
	v60 =	vimm.s32 $0x0;
	v43 =	vmovc v16;
	v19 =	vmul.f32 v27, v27;
	v44 =	vmovc v51;
	v16 =	vadd.f32 v35, v26;
	[tilespmem:s18+$0xFFFFFFF0] =	vst v5  }
0x1ba: {  	v56 =	vimm.s32 $0x3;
	s4 =	smul.f32 s8, s3;
	s8 =	ssub.f32 s2, s30;
	v54 =	vmovc v18;
	v18 =	vadd.f32 v27, v25;
	v41 =	vmovc v15;
	s18 =	smov.u32 s19;
	[tilespmem:s19+$0x10] =	vst v7;
	v50 =	vadd.f32 v23, v6  }
0x1bb: {  	v5 =	vadd.f32 v13, v16;
	_ =	sdelay $0x1  }
0x1bc: {  	v6 =	vadd.f32 v50, v18;
	v5 =	vadd.f32 v17, v5  }
0x1bd: {  	v7 =	vadd.f32 v19, v12;
	v8 =	vmul.f32 v50, v50  }
0x1be: {  	v6 =	vadd.f32 v5, v6  }
0x1bf: {  	v7 =	vadd.f32 v8, v7;
	v51 =	vmul.f32 v5, v5  }
0x1c0: {  	(xrf2) =	vadd.scan.msk.f32 $0xffff, v6  }
0x1c1: {  	v6 =	vadd.f32 v51, v7;
	_ =	sdelay $0x1  }
0x1c2: {  	(xrf2) =	vadd.scan.msk.f32 $0xffff, v6;
	_ =	sdelay $0x3  }
0x1c3: {  	s8 =	smax.f32 s8, $0.0e+00  }
0x1c4: {  	s8 =	sadd.f32 $9.999999960e-13, s8;
	_ =	sdelay $0x1  }
0x1c5: {  	s17 =	sshra.s32 s8, $0x1;
	s8 =	smul.f32 $5.000000000e-01, s8;
	v6, _, _ =	vpop (xrf2)  }
0x1c6: {  	s17 =	ssub.s32 $0x5F3759DF, s17;
	(v2sf) =	vpush v6, $0xF  }
0x1c7: {  	s24 =	smul.f32 s17, s8  }
0x1c8: {  	v6, _, _ =	vpop (xrf2)  }
0x1c9: {  	s24 =	smul.f32 s17, s24;
	(v2sf) =	vpush v6, $0xF;
	_ =	sdelay $0x1  }
0x1ca: {  	s24 =	ssub.f32 $1.500000000e+00, s24;
	_ =	sdelay $0x1  }
0x1cb: {  	s17 =	smul.f32 s17, s24;
	_ =	sdelay $0x1  }
0x1cc: {  	s24 =	smul.f32 s17, s8  }
0x1cd: {  	v40 =	vld [tilespmem:$0x1FF00];
	s4 =	ssub.f32 $1.500000000e+00, s4  }
0x1ce: {  	v52 =	vld [tilespmem:$0x1FE40];
	s24 =	smul.f32 s24, s17  }
0x1cf: {  	v39 =	vld [tilespmem:$0x1FE90];
	s3 =	smul.f32 s4, s3  }
0x1d0: {  	v35 =	vld [tilespmem:$0x1FEA0];
	s24 =	ssub.f32 $1.500000000e+00, s24  }
0x1d1: {  	v34 =	vld [tilespmem:$0x1FEB0];
	s20 =	smul.f32 s3, s20  }
0x1d2: {  	v33 =	vld [tilespmem:$0x1FEC0];
	s17 =	smul.f32 s24, s17;
	s25 =	spop (v2sf)  }
0x1d3: {  	v21 =	vld [tilespmem:$0x1FF80];
	s25 =	smul.f32 $7.812500000e-03, s25  }
0x1d4: {  	v32 =	vld [tilespmem:$0x1FED0];
	s8 =	smul.f32 s17, s8  }
0x1d5: {  	v29 =	vld [tilespmem:$0x1FEE0];
	s28 =	spop (v2sf);
	s2 =	smul.f32 s25, s25  }
0x1d6: {  	v0 =	vadd.f32 v0, v63;
	v28 =	vld [tilespmem:$0x1FEF0];
	s28 =	smul.f32 $7.812500000e-03, s28  }
0x1d7: {  	v1 =	vadd.f32 v1, v37;
	v26 =	vld [tilespmem:$0x1FF40];
	[tilespmem:s19+$0x20] =	vst v4;
	s4 =	smul.f32 s8, s17  }
0x1d8: {  	[tilespmem:s19+$0x30] =	vst v0;
	s20 =	smul.f32 s20, s3;
	s30 =	ssub.f32 s28, s2  }
0x1d9: {  	v2 =	vadd.f32 v2, v36;
	v22 =	vld [tilespmem:$0x1FE70];
	[tilespmem:s19+$0x40] =	vst v1;
	s2 =	ssub.f32 $1.500000000e+00, s4  }
0x1da: {  	v1 =	vld [tilespmem:$0x1FE80];
	v3 =	vadd.f32 v3, v21;
	s20 =	ssub.f32 $1.500000000e+00, s20  }
0x1db: {  	v23 =	vld [tilespmem:$0x1FE50];
	[tilespmem:s19+$0x60] =	vst v2;
	s8 =	smax.f32 s30, $0.0e+00;
	s17 =	smul.f32 s2, s17  }
0x1dc: {  	[tilespmem:s19+$0x50] =	vst v3;
	s3 =	smul.f32 s20, s3;
	v6 =	vmov s15;
	s8 =	sadd.f32 $9.999999960e-13, s8  }
0x1dd: {  	v31 =	vld [tilespmem:$0x1FF10];
	v8 =	vsub.f32 v52, v6;
	v7 =	vmul.f32 s17, v40  }
0x1de: {  	v53 =	vmul.f32 s3, v39;
	s28 =	sshra.s32 s8, $0x1;
	s4 =	smul.f32 $5.000000000e-01, s8  }
0x1df: {  	s30 =	ssub.s32 $0x5F3759DF, s28;
	v7 =	vmul.f32 v7, v8  }
0x1e0: {  	v8 =	vmul.f32 v53, v23;
	s2 =	smul.f32 s30, s4  }
0x1e1: {  	v7 =	vadd.f32 v7, v26  }
0x1e2: {  	v11 =	vmul.f32 s3, v33;
	v8 =	vadd.f32 v8, v31;
	s15 =	smul.f32 s30, s2;
	s2 =	sadd.s32 $0x100, s19  }
0x1e3: {  	[tilespmem:s2+$0x70] =	vst v7  }
0x1e4: {  	v9 =	vmul.f32 s3, v35;
	v11 =	vmul.f32 v11, v46;
	v4 =	vmov s25;
	s8 =	ssub.f32 $1.500000000e+00, s15;
	v46 =	vld [tilespmem:$0x1FF20];
	[tilespmem:s18+$0xFFFFFF80] =	vst v8  }
0x1e5: {  	v10 =	vmul.f32 s3, v34;
	v12 =	vmul.f32 s3, v32;
	v7 =	vsub.f32 v27, v4;
	v27 =	vld [tilespmem:$0x1FF30]  }
0x1e6: {  	v13 =	vmul.f32 s3, v29;
	v14 =	vmul.f32 s3, v28;
	s8 =	smul.f32 s30, s8  }
0x1e7: {  	v9 =	vmul.f32 v9, v44;
	v25 =	vsub.f32 v22, v4;
	v1 =	vsub.f32 v1, v4  }
0x1e8: {  	v10 =	vmul.f32 v10, v54;
	v3 =	vsub.f32 v48, v4;
	v2 =	vsub.f32 v30, v4;
	s24 =	smul.f32 s8, s4  }
0x1e9: {  	v15 =	vmul.f32 s3, v40;
	v24 =	vsub.f32 v50, v4;
	v9 =	vadd.f32 v9, v46  }
0x1ea: {  	v12 =	vmul.f32 v12, v45;
	v48 =	vadd.f32 v11, v63;
	s3 =	smul.f32 s24, s8;
	v47 =	vadd.f32 v10, v27  }
0x1eb: {  	v23 =	vsub.f32 v55, v4;
	v4 =	vsub.f32 v5, v4;
	v5 =	vmul.f32 v13, v43;
	[tilespmem:s18+$0xFFFFFF90] =	vst v9  }
0x1ec: {  	v51 =	vadd.f32 v12, v37;
	s30 =	ssub.f32 $1.500000000e+00, s3;
	v49 =	vld [tilespmem:$0x1FE00];
	[tilespmem:s18+$0xFFFFFFA0] =	vst v47  }
0x1ed: {  	v5 =	vadd.f32 v5, v21;
	v12 =	vld [tilespmem:$0x1FE10];
	[tilespmem:s18+$0xFFFFFFB0] =	vst v48  }
0x1ee: {  	v50 =	vmul.f32 v14, v42;
	v13 =	vmul.f32 v15, v41;
	s8 =	smul.f32 s30, s8;
	v9 =	vld [tilespmem:$0x1FE20];
	[tilespmem:s18+$0xFFFFFFC0] =	vst v51  }
0x1ef: {  	[tilespmem:s18+$0xFFFFFFD0] =	vst v5  }
0x1f0: {  	v52 =	vadd.f32 v50, v36;
	v16 =	vmul.f32 s17, v39;
	v5 =	vadd.f32 v13, v26;
	v13 =	vld [tilespmem:$0x1FE30];
	s4 =	smul.f32 s8, s4  }
0x1f1: {  	v17 =	vmul.f32 s17, v35;
	v18 =	vmul.f32 s17, v34;
	v10 =	vsub.f32 v49, v6  }
0x1f2: {  	v19 =	vmul.f32 s17, v33;
	v0 =	vmul.f32 s17, v32;
	v12 =	vsub.f32 v12, v6;
	s4 =	smul.f32 s4, s8  }
0x1f3: {  	v20 =	vmul.f32 s17, v29;
	v9 =	vsub.f32 v9, v6;
	v10 =	vmul.f32 v16, v10  }
0x1f4: {  	v22 =	vmul.f32 s17, v28;
	v53 =	vmul.f32 v17, v12;
	v12 =	vsub.f32 v58, v6;
	s4 =	ssub.f32 $1.500000000e+00, s4  }
0x1f5: {  	[tilespmem:s18+$0xFFFFFFE0] =	vst v52;
	v13 =	vsub.f32 v13, v6;
	v9 =	vmul.f32 v18, v9;
	v10 =	vadd.f32 v10, v31  }
0x1f6: {  	[tilespmem:s18+$0xFFFFFFF0] =	vst v5;
	v54 =	vmul.f32 v19, v12;
	v12 =	vsub.f32 v59, v6;
	v11 =	vadd.f32 v53, v46;
	s4 =	smul.f32 s4, s8  }
0x1f7: {  	v5 =	vsub.f32 v38, v6;
	v0 =	vmul.f32 v0, v13;
	[tilespmem:s2+$0x0] =	vst v10;
	v6 =	vadd.f32 v9, v27  }
0x1f8: {  	v55 =	vmul.f32 v20, v12;
	[tilespmem:s2+$0x10] =	vst v11;
	v8 =	vadd.f32 v54, v63;
	v58 =	vmul.f32 s4, v39  }
0x1f9: {  	v5 =	vmul.f32 v22, v5;
	v0 =	vadd.f32 v0, v37;
	[tilespmem:s2+$0x20] =	vst v6;
	v6 =	vmul.f32 s4, v35  }
0x1fa: {  	v22 =	vmul.f32 s4, v34;
	[tilespmem:s2+$0x30] =	vst v8;
	v59 =	vadd.f32 v55, v21;
	v10 =	vmul.f32 v58, v25  }
0x1fb: {  	[tilespmem:s2+$0x40] =	vst v0;
	v0 =	vadd.f32 v5, v36;
	v5 =	vmul.f32 s4, v33;
	v1 =	vmul.f32 v6, v1  }
0x1fc: {  	v3 =	vmul.f32 v22, v3;
	v6 =	vmul.f32 s4, v32;
	[tilespmem:s2+$0x50] =	vst v59;
	v31 =	vadd.f32 v10, v31  }
0x1fd: {  	[tilespmem:s2+$0x60] =	vst v0;
	v0 =	vmul.f32 s4, v29;
	v5 =	vmul.f32 v5, v23;
	v1 =	vadd.f32 v1, v46  }
0x1fe: {  	v32 =	vmul.f32 s4, v28;
	v3 =	vadd.f32 v3, v27;
	v2 =	vmul.f32 v6, v2;
	[tilespmem:s2+$0xFFFFFF80] =	vst v31  }
0x1ff: {  	s17 =	smul.u32 $0xA0, s16;
	v6 =	vmul.f32 s4, v40;
	v0 =	vmul.f32 v0, v7;
	[tilespmem:s2+$0xFFFFFF90] =	vst v1;
	v1 =	vadd.f32 v5, v63  }
0x200: {  	[tilespmem:s2+$0xFFFFFFA0] =	vst v3;
	v5 =	vmul.f32 v32, v24;
	v2 =	vadd.f32 v2, v37  }
0x201: {  	p1 =	seq.s32 s16, $0x27;
	s3 =	sadd.s32 $0xA0, s17;
	v3 =	vmul.f32 v6, v4;
	v0 =	vadd.f32 v0, v21;
	[tilespmem:s2+$0xFFFFFFB0] =	vst v1  }
0x202: {  	s3 =	simm.s32 @p1 $0x0;
	[tilespmem:s2+$0xFFFFFFC0] =	vst v2;
	v1 =	vadd.f32 v5, v36  }
0x203: {  	s3 =	sadd.s32 s11, s3;
	s18 =	sadd.s32 s11, s17;
	[tilespmem:s2+$0xFFFFFFD0] =	vst v0;
	v0 =	vadd.f32 v3, v26  }
0x204: {  	s20 =	sshrl.u32 s3, $0x3;
	s4 =	sshll.u32 s18, $0x4;
	[tilespmem:s2+$0xFFFFFFE0] =	vst v1  }
0x205: {  	s3 =	sshrl.u32 s3, $0x1;
	s19 =	sadd.s32 s9, s4;
	[tilespmem:s2+$0xFFFFFFF0] =	vst v0;
	s2 =	simm.s32 $0x14B00  }
0x206: {  	[hbm4b:s19+s10] =	stream.linear.scatter [tilespmem:s2], [sflag:$0x5], $0x2800, $0x38;
	[tilespmem:$0x19B00] =	vst v63  }
0x207: {  	s3 =	sand.u32 $0x1FFFFFF0, s3;
	s4 =	sadd.s32 s12, s20  }
0x208: {  	[tilespmem:s26], [sflag:$0x3] =	stream.linear.gather [hbm4b:s4+s10], $0x50, $0x38;
	[tilespmem:$0x19B00] =	vst v63  }
0x209: {  	s24 =	simm.s32 $0xF800;
	s3 =	sadd.s32 s13, s3  }
0x20a: {  	[tilespmem:s24], [sflag:$0x3] =	stream.linear.gather [hbm4b:s3+s10], $0x140, $0x38;
	[tilespmem:$0x19B00] =	vst v63  }
0x20b: {  	_ =	swait.ge [sflag:s5], $0x2800  }
0x20c: {  	[sflag:s5] =	ssyncset.done $0x0  }
0x20d: {  	[sflag:s5] =	ssyncadd.s32 $0xFFFFD800  }
0x20e: {  	_ =	swait.ge [sflag:s6], $0x50  }
0x20f: {  	[sflag:s6] =	ssyncset.done $0x0  }
0x210: {  	[sflag:s6] =	ssyncadd.s32 $0xFFFFFFB0  }
0x211: {  	_ =	swait.ge [sflag:s6], $0x140  }
0x212: {  	[sflag:s6] =	ssyncset.done $0x0  }
0x213: {  	s25 =	simm.s32 $0xFB00;
	s3 =	simm.s32 @!p0 $0x6;
	[sflag:s6] =	ssyncadd.s32 $0xFFFFFEC0  }
0x214: {  	[tilespmem:s25], [sflag:$0x1] =	stream.indirect.gather [hbm4b:s0+s31], $0x80, s26, s31, $0xb8;
	[tilespmem:$0x19B00] =	vst v63  }
0x215: {  	_ =	swait.ge @!p0 [sflag:s3], $0x2800  }
0x216: {  	v53 =	vld [tilespmem:$0x1FFA0]  }
0x217: {  	v52 =	vld [tilespmem:$0x1FFB0]  }
0x218: {  	[sflag:s3] =	ssyncset.done @!p0 $0x0;
	v50 =	vld [tilespmem:$0x1FFE0]  }
0x219: {  	s30 =	simm.s32 $0xF984;
	v49 =	vld [tilespmem:$0x1FFD0];
	[sflag:s3] =	ssyncadd.s32 @!p0 $0xFFFFD800  }
0x21a: {  	v0 =	vld [tilespmem:s30+$0x0]  }
0x21b: {  	v51 =	vld [tilespmem:$0x1FFF0]  }
0x21c: {  	v45 =	vld [tilespmem:$0x1FFC0]  }
0x21d: {  	s2 =	simm.s32 $0x12380;
	v1 =	vld [tilespmem:s30+$0xFFFFFFFC]  }
0x21e: {  	v2 =	vld [tilespmem:s2+$0x70]  }
0x21f: {  	v4 =	vld [tilespmem:s2+$0x60];
	v3 =	vperm.xlane v0, v61  }
0x220: {  	v5 =	vld [tilespmem:s2+$0x50]  }
0x221: {  	v7 =	vld [tilespmem:s2+$0x40];
	v6 =	vperm.xlane v0, v60;
	v33 =	vadd.s32 v53, v3  }
0x222: {  	v9 =	vld [tilespmem:s2+$0x30];
	v34 =	vadd.s32 v52, v3  }
0x223: {  	v63 =	vimm.s32 $0x2;
	v11 =	vld [tilespmem:s2+$0x20];
	v12 =	vadd.s32 v53, v6  }
0x224: {  	v14 =	vld [tilespmem:s2+$0x0];
	v13 =	vperm.xlane v0, v63;
	v15 =	vadd.s32 v57, v3  }
0x225: {  	v16 =	vld [tilespmem:s2+$0x10];
	v17 =	vadd.s32 v52, v6  }
0x226: {  	v0 =	vperm.xlane v0, v56;
	v18 =	vadd.s32 v50, v13;
	v8 =	vld.idx.msk [tilespmem:v33+s21+$0x0], $0xffff  }
0x227: {  	v19 =	vadd.s32 v57, v6;
	v10 =	vld.idx.msk [tilespmem:v34+s21+$0x0], $0xffff  }
0x228: {  	v20 =	vadd.s32 v62, v0;
	v12 =	vld.idx.msk [tilespmem:v12+s10+$0x0], $0xffff  }
0x229: {  	v35 =	vadd.s32 v49, v13;
	v15 =	vld.idx.msk [tilespmem:v15+s21+$0x0], $0xffff  }
0x22a: {  	v36 =	vadd.s32 v51, v6;
	v17 =	vld.idx.msk [tilespmem:v17+s10+$0x0], $0xffff  }
0x22b: {  	v37 =	vadd.s32 v62, v13;
	v18 =	vld.idx.msk [tilespmem:v18+s22+$0x0], $0xffff  }
0x22c: {  	v24 =	vadd.s32 v50, v6;
	v19 =	vld.idx.msk [tilespmem:v19+s10+$0x0], $0xffff  }
0x22d: {  	v25 =	vadd.s32 v49, v6;
	v20 =	vld.idx.msk [tilespmem:v20+s23+$0x0], $0xffff  }
0x22e: {  	v26 =	vadd.s32 v62, v6;
	v21 =	vld.idx.msk [tilespmem:v35+s22+$0x0], $0xffff  }
0x22f: {  	v6 =	vadd.s32 v45, v6;
	v22 =	vld.idx.msk [tilespmem:v36+s10+$0x0], $0xffff  }
0x230: {  	v27 =	vadd.s32 v62, v3;
	v23 =	vld.idx.msk [tilespmem:v37+s22+$0x0], $0xffff  }
0x231: {  	v38 =	vadd.s32 v45, v3;
	v24 =	vld.idx.msk [tilespmem:v24+s10+$0x0], $0xffff  }
0x232: {  	v39 =	vadd.s32 v49, v3;
	v25 =	vld.idx.msk [tilespmem:v25+s10+$0x0], $0xffff  }
0x233: {  	v40 =	vadd.s32 v45, v13;
	v26 =	vld.idx.msk [tilespmem:v26+s10+$0x0], $0xffff  }
0x234: {  	v41 =	vadd.s32 v50, v3;
	v6 =	vld.idx.msk [tilespmem:v6+s10+$0x0], $0xffff  }
0x235: {  	v42 =	vadd.s32 v45, v0;
	v27 =	vld.idx.msk [tilespmem:v27+s21+$0x0], $0xffff  }
0x236: {  	v3 =	vadd.s32 v51, v3;
	v28 =	vld.idx.msk [tilespmem:v38+s21+$0x0], $0xffff  }
0x237: {  	v43 =	vadd.s32 v49, v0;
	v29 =	vld.idx.msk [tilespmem:v39+s21+$0x0], $0xffff  }
0x238: {  	v44 =	vadd.s32 v51, v13;
	v30 =	vld.idx.msk [tilespmem:v40+s22+$0x0], $0xffff  }
0x239: {  	v46 =	vadd.s32 v50, v0;
	v31 =	vld.idx.msk [tilespmem:v41+s21+$0x0], $0xffff  }
0x23a: {  	v47 =	vadd.s32 v57, v13;
	v32 =	vld.idx.msk [tilespmem:v42+s23+$0x0], $0xffff  }
0x23b: {  	v48 =	vadd.s32 v51, v0;
	v3 =	vld.idx.msk [tilespmem:v3+s21+$0x0], $0xffff  }
0x23c: {  	v58 =	vadd.s32 v52, v13;
	v33 =	vld.idx.msk [tilespmem:v43+s23+$0x0], $0xffff  }
0x23d: {  	v59 =	vadd.s32 v57, v0;
	v34 =	vld.idx.msk [tilespmem:v44+s22+$0x0], $0xffff  }
0x23e: {  	v13 =	vadd.s32 v53, v13;
	v35 =	vld.idx.msk [tilespmem:v46+s23+$0x0], $0xffff  }
0x23f: {  	v54 =	vadd.s32 v52, v0;
	v36 =	vld.idx.msk [tilespmem:v47+s22+$0x0], $0xffff  }
0x240: {  	v37 =	vld.idx.msk [tilespmem:v48+s23+$0x0], $0xffff;
	v48 =	vadd.s32 v53, v0  }
0x241: {  	v40 =	vperm.xlane v1, v60;
	v38 =	vld.idx.msk [tilespmem:v58+s22+$0x0], $0xffff  }
0x242: {  	v58 =	vld.idx.msk [tilespmem:v59+s23+$0x0], $0xffff  }
0x243: {  	v46 =	vperm.xlane v1, v61;
	v13 =	vld.idx.msk [tilespmem:v13+s22+$0x0], $0xffff;
	v55 =	vadd.s32 v62, v40  }
0x244: {  	v41 =	vld.idx.msk [tilespmem:v54+s23+$0x0], $0xffff;
	v44 =	vadd.s32 v45, v40  }
0x245: {  	v54 =	vadd.s32 v62, v46;
	v43 =	vld.idx.msk [tilespmem:v48+s23+$0x0], $0xffff  }
0x246: {  	v0 =	vperm.xlane v1, v63;
	v47 =	vadd.s32 v45, v46;
	v2 =	vadd.f32 v12, v2;
	v12 =	vld [tilespmem:s2+$0xFFFFFF80]  }
0x247: {  	v5 =	vadd.f32 v19, v5;
	v19 =	vld [tilespmem:s2+$0xFFFFFF90]  }
0x248: {  	v1 =	vperm.xlane v1, v56;
	v59 =	vadd.s32 v45, v0;
	v42 =	vld.idx.msk [tilespmem:v55+s10+$0x0], $0xffff  }
0x249: {  	v4 =	vadd.f32 v17, v4;
	v17 =	vadd.s32 v62, v0;
	v7 =	vadd.f32 v22, v7;
	v44 =	vld.idx.msk [tilespmem:v44+s10+$0x0], $0xffff  }
0x24a: {  	v9 =	vadd.f32 v24, v9;
	v24 =	vadd.s32 v49, v46;
	v14 =	vadd.f32 v26, v14;
	v39 =	vld.idx.msk [tilespmem:v54+s21+$0x0], $0xffff  }
0x24b: {  	v26 =	vadd.s32 v50, v40;
	v11 =	vadd.f32 v25, v11;
	v6 =	vadd.f32 v6, v16;
	v25 =	vld.idx.msk [tilespmem:v47+s21+$0x0], $0xffff  }
0x24c: {  	v48 =	vadd.s32 v62, v1;
	v14 =	vadd.f32 v27, v14;
	v27 =	vld [tilespmem:s2+$0xFFFFFFA0];
	v4 =	vadd.f32 v10, v4  }
0x24d: {  	v6 =	vadd.f32 v28, v6;
	v5 =	vadd.f32 v15, v5;
	v15 =	vld.idx.msk [tilespmem:v59+s22+$0x0], $0xffff  }
0x24e: {  	v55 =	vadd.s32 v49, v40;
	v11 =	vadd.f32 v29, v11;
	v9 =	vadd.f32 v31, v9;
	v17 =	vld.idx.msk [tilespmem:v17+s22+$0x0], $0xffff  }
0x24f: {  	v10 =	vadd.s32 v45, v1;
	v3 =	vadd.f32 v3, v7;
	v14 =	vadd.f32 v23, v14;
	v23 =	vld.idx.msk [tilespmem:v24+s21+$0x0], $0xffff  }
0x250: {  	v47 =	vadd.s32 v49, v0;
	v6 =	vadd.f32 v30, v6;
	v11 =	vadd.f32 v21, v11;
	v21 =	vld.idx.msk [tilespmem:v26+s10+$0x0], $0xffff  }
0x251: {  	v16 =	vadd.s32 v50, v46;
	v2 =	vadd.f32 v8, v2;
	v9 =	vadd.f32 v18, v9;
	v7 =	vld.idx.msk [tilespmem:v48+s23+$0x0], $0xffff  }
0x252: {  	v22 =	vadd.s32 v51, v40;
	v3 =	vadd.f32 v34, v3;
	v59 =	vadd.f32 v32, v6;
	v6 =	vld [tilespmem:s2+$0xFFFFFFB0]  }
0x253: {  	v31 =	vadd.f32 v35, v9;
	v54 =	vld.idx.msk [tilespmem:v55+s10+$0x0], $0xffff;
	v55 =	vadd.f32 v20, v14  }
0x254: {  	v28 =	vadd.s32 v49, v1;
	v24 =	vadd.s32 v50, v0;
	v37 =	vadd.f32 v37, v3;
	v10 =	vld.idx.msk [tilespmem:v10+s23+$0x0], $0xffff  }
0x255: {  	v29 =	vld.idx.msk [tilespmem:v47+s22+$0x0], $0xffff;
	v20 =	vmul.f32 v59, v59;
	[tilespmem:$0x1FC50] =	vst v31;
	v18 =	vmul.f32 v55, v55  }
0x256: {  	v5 =	vadd.f32 v36, v5;
	v48 =	vadd.f32 v33, v11;
	v11 =	vld.idx.msk [tilespmem:v16+s21+$0x0], $0xffff  }
0x257: {  	v14 =	vadd.s32 v50, v1;
	v16 =	vadd.f32 v20, v18;
	v20 =	vld.idx.msk [tilespmem:v22+s10+$0x0], $0xffff;
	[tilespmem:$0x1FC60] =	vst v37  }
0x258: {  	v36 =	vadd.s32 v57, v46;
	v4 =	vadd.f32 v38, v4;
	v9 =	vld [tilespmem:s2+$0xFFFFFFC0]  }
0x259: {  	v8 =	vadd.s32 v57, v40;
	v2 =	vadd.f32 v13, v2;
	v58 =	vadd.f32 v58, v5;
	v28 =	vld.idx.msk [tilespmem:v28+s23+$0x0], $0xffff  }
0x25a: {  	v38 =	vadd.s32 v51, v1;
	v12 =	vadd.f32 v42, v12;
	v19 =	vadd.f32 v44, v19;
	v5 =	vld.idx.msk [tilespmem:v24+s22+$0x0], $0xffff  }
0x25b: {  	v30 =	vadd.s32 v51, v0;
	v35 =	vadd.f32 v43, v2;
	v33 =	vadd.f32 v59, v55;
	v2 =	vld [tilespmem:s2+$0xFFFFFFD0]  }
0x25c: {  	v26 =	vadd.s32 v51, v46;
	v12 =	vadd.f32 v39, v12;
	v19 =	vadd.f32 v25, v19;
	v14 =	vld.idx.msk [tilespmem:v14+s23+$0x0], $0xffff  }
0x25d: {  	v32 =	vadd.s32 v52, v0;
	v25 =	vadd.s32 v53, v40;
	v47 =	vadd.f32 v48, v33;
	v22 =	vld.idx.msk [tilespmem:v36+s21+$0x0], $0xffff  }
0x25e: {  	v18 =	vmul.f32 v48, v48;
	v12 =	vadd.f32 v17, v12;
	v15 =	vadd.f32 v15, v19;
	v17 =	vld [tilespmem:s2+$0xFFFFFFE0]  }
0x25f: {  	v24 =	vadd.s32 v52, v40;
	v27 =	vadd.f32 v54, v27;
	v34 =	vld.idx.msk [tilespmem:v38+s23+$0x0], $0xffff;
	v3 =	vadd.f32 v31, v47  }
0x260: {  	s8 =	simm.s32 $0xF98C;
	v16 =	vadd.f32 v18, v16;
	v18 =	vmul.f32 v31, v31;
	v47 =	vadd.f32 v41, v4;
	v4 =	vld.idx.msk [tilespmem:v8+s10+$0x0], $0xffff  }
0x261: {  	v6 =	vadd.f32 v21, v6;
	v31 =	vld [tilespmem:s8+$0x0];
	v23 =	vadd.f32 v23, v27;
	v27 =	vadd.s32 v53, v46  }
0x262: {  	s18 =	simm.s32 $0x12480;
	v3 =	vadd.f32 v37, v3;
	v13 =	vadd.f32 v18, v16;
	v16 =	vmul.f32 v37, v37;
	v18 =	vld.idx.msk [tilespmem:v26+s21+$0x0], $0xffff  }
0x263: {  	v26 =	vadd.s32 v52, v46;
	v37 =	vadd.f32 v7, v12;
	v12 =	vadd.f32 v29, v23;
	v23 =	vld [tilespmem:s18+$0x10]  }
0x264: {  	v36 =	vadd.f32 v10, v15;
	v41 =	vadd.f32 v16, v13;
	v13 =	vmul.f32 v58, v58;
	v24 =	vld.idx.msk [tilespmem:v24+s10+$0x0], $0xffff  }
0x265: {  	v54 =	vadd.s32 v53, v0;
	v3 =	vadd.f32 v58, v3;
	v40 =	vadd.f32 v28, v12;
	v28 =	vld [tilespmem:s2+$0xFFFFFFF0]  }
0x266: {  	v6 =	vadd.f32 v11, v6;
	v16 =	vadd.s32 v57, v0;
	v8 =	vadd.f32 v13, v41;
	v13 =	vld.idx.msk [tilespmem:v30+s22+$0x0], $0xffff  }
0x267: {  	v2 =	vadd.f32 v4, v2;
	v3 =	vadd.f32 v47, v3;
	v30 =	vadd.s32 v57, v1;
	v4 =	vld.idx.msk [tilespmem:v27+s21+$0x0], $0xffff  }
0x268: {  	v19 =	vmul.f32 v47, v47;
	v46 =	vadd.f32 v36, v37;
	v0 =	vadd.f32 v20, v9;
	v15 =	vld.idx.msk [tilespmem:v26+s21+$0x0], $0xffff  }
0x269: {  	v44 =	vadd.s32 v52, v1;
	v2 =	vadd.f32 v22, v2;
	v22 =	vld [tilespmem:s18+$0x0];
	v3 =	vadd.f32 v35, v3  }
0x26a: {  	v5 =	vadd.f32 v5, v6;
	v12 =	vadd.s32 v53, v1;
	v8 =	vadd.f32 v19, v8;
	v19 =	vld.idx.msk [tilespmem:v25+s10+$0x0], $0xffff  }
0x26b: {  	v7 =	vld.idx.msk [tilespmem:v16+s22+$0x0], $0xffff;
	v16 =	vmul.f32 v35, v35;
	(xrf2) =	vadd.scan.msk.f32 $0xffff, v3;
	v3 =	vadd.f32 v18, v0  }
0x26c: {  	v29 =	vadd.f32 v40, v46;
	v0 =	vadd.f32 v14, v5;
	v6 =	vld.idx.msk [tilespmem:v30+s23+$0x0], $0xffff  }
0x26d: {  	v1 =	vadd.f32 v16, v8;
	v30 =	vld.idx.msk [tilespmem:v32+s22+$0x0], $0xffff;
	v3 =	vadd.f32 v13, v3  }
0x26e: {  	v11 =	vperm.xlane v31, v61;
	v14 =	vld.idx.msk [tilespmem:v54+s22+$0x0], $0xffff;
	v8 =	vadd.f32 v0, v29;
	v13 =	vadd.f32 v24, v17  }
0x26f: {  	v5 =	vld.idx.msk [tilespmem:v44+s23+$0x0], $0xffff;
	(xrf2) =	vadd.scan.msk.f32 $0xffff, v1;
	v9 =	vadd.f32 v19, v28;
	v1 =	vadd.f32 v34, v3  }
0x270: {  	v10 =	vperm.xlane v31, v56;
	v3 =	vadd.f32 v7, v2;
	v7 =	vld.idx.msk [tilespmem:v12+s23+$0x0], $0xffff;
	v12 =	vadd.f32 v15, v13  }
0x271: {  	v18 =	vadd.s32 v53, v11;
	v17 =	vld [tilespmem:s18+$0x40];
	v4 =	vadd.f32 v4, v9;
	v8 =	vadd.f32 v1, v8  }
0x272: {  	v19 =	vld [tilespmem:s18+$0x20];
	v13 =	vmul.f32 v37, v37;
	v42 =	vadd.f32 v6, v3;
	v3 =	vadd.f32 v30, v12  }
0x273: {  	v2 =	vld [tilespmem:s8+$0xFFFFFFFC];
	v12 =	vmul.f32 v36, v36;
	v4 =	vadd.f32 v14, v4;
	v14 =	vadd.s32 v52, v11  }
0x274: {  	v15 =	vld [tilespmem:s18+$0x60];
	v8 =	vadd.f32 v42, v8;
	v3 =	vadd.f32 v5, v3;
	v5 =	vperm.xlane v31, v60  }
0x275: {  	v9 =	vld [tilespmem:s18+$0x50];
	v13 =	vadd.f32 v12, v13;
	v12 =	vadd.f32 v7, v4;
	v4 =	vadd.s32 v57, v11  }
0x276: {  	v38 =	vadd.s32 v62, v10;
	v18 =	vld.idx.msk [tilespmem:v18+s21+$0x0], $0xffff  }
0x277: {  	v6 =	vld [tilespmem:s18+$0x70];
	v16, _, _ =	vpop (xrf2);
	v8 =	vadd.f32 v3, v8;
	v20 =	vadd.s32 v53, v5  }
0x278: {  	v24 =	vadd.s32 v52, v5;
	(v2sf) =	vpush v16, $0xF;
	v16 =	vld [tilespmem:s18+$0x30]  }
0x279: {  	v26 =	vadd.s32 v57, v5;
	v8 =	vadd.f32 v12, v8;
	v27 =	vld.idx.msk [tilespmem:v14+s21+$0x0], $0xffff  }
0x27a: {  	v33 =	vmul.f32 v40, v40;
	v43 =	vadd.s32 v50, v5;
	v28 =	vld.idx.msk [tilespmem:v4+s21+$0x0], $0xffff  }
0x27b: {  	v34 =	vmul.f32 v0, v0;
	v44 =	vadd.s32 v49, v5;
	v32, _, _ =	vpop (xrf2);
	(xrf2) =	vadd.scan.msk.f32 $0xffff, v8;
	v8 =	vld.idx.msk [tilespmem:v38+s23+$0x0], $0xffff  }
0x27c: {  	v7 =	vperm.xlane v31, v63;
	v13 =	vadd.f32 v33, v13;
	v46 =	vadd.s32 v62, v5;
	v20 =	vld.idx.msk [tilespmem:v20+s10+$0x0], $0xffff  }
0x27d: {  	v33 =	vadd.s32 v62, v11;
	v24 =	vld.idx.msk [tilespmem:v24+s10+$0x0], $0xffff  }
0x27e: {  	v25 =	vadd.s32 v50, v7;
	v13 =	vadd.f32 v34, v13;
	v14 =	vmul.f32 v1, v1;
	v26 =	vld.idx.msk [tilespmem:v26+s10+$0x0], $0xffff  }
0x27f: {  	v39 =	vadd.s32 v49, v7;
	v30 =	vld.idx.msk [tilespmem:v43+s10+$0x0], $0xffff  }
0x280: {  	v4 =	vadd.s32 v51, v5;
	v13 =	vadd.f32 v14, v13;
	v14 =	vmul.f32 v42, v42;
	v31 =	vld.idx.msk [tilespmem:v44+s10+$0x0], $0xffff  }
0x281: {  	v41 =	vadd.s32 v62, v7;
	(v2sf) =	vpush v32, $0xF;
	v32 =	vld.idx.msk [tilespmem:v46+s10+$0x0], $0xffff  }
0x282: {  	v34 =	vadd.s32 v45, v11;
	v33 =	vld.idx.msk [tilespmem:v33+s21+$0x0], $0xffff;
	v13 =	vadd.f32 v14, v13;
	v14 =	vmul.f32 v3, v3  }
0x283: {  	v5 =	vadd.s32 v45, v5;
	v25 =	vld.idx.msk [tilespmem:v25+s22+$0x0], $0xffff  }
0x284: {  	v46 =	vadd.s32 v45, v7;
	v21 =	vld.idx.msk [tilespmem:v39+s22+$0x0], $0xffff;
	v13 =	vadd.f32 v14, v13;
	v14 =	vmul.f32 v12, v12  }
0x285: {  	v54 =	vadd.s32 v49, v11;
	v43 =	vadd.s32 v53, v10;
	v4 =	vld.idx.msk [tilespmem:v4+s10+$0x0], $0xffff  }
0x286: {  	v29 =	vld.idx.msk [tilespmem:v41+s22+$0x0], $0xffff;
	v13 =	vadd.f32 v14, v13;
	v14 =	vperm.xlane v2, v60;
	v15 =	vadd.f32 v24, v15  }
0x287: {  	v34 =	vld.idx.msk [tilespmem:v34+s21+$0x0], $0xffff;
	v24 =	vadd.s32 v50, v11;
	v6 =	vadd.f32 v20, v6;
	v20 =	vadd.s32 v45, v10  }
0x288: {  	v5 =	vld.idx.msk [tilespmem:v5+s10+$0x0], $0xffff;
	v11 =	vadd.s32 v51, v11;
	v9 =	vadd.f32 v26, v9;
	v16 =	vadd.f32 v30, v16  }
0x289: {  	v30 =	vadd.s32 v49, v10;
	v22 =	vadd.f32 v32, v22;
	v44 =	vld.idx.msk [tilespmem:v46+s22+$0x0], $0xffff;
	v19 =	vadd.f32 v31, v19  }
0x28a: {  	v46 =	vadd.s32 v50, v10;
	v38, _, _ =	vpop (xrf2);
	v17 =	vadd.f32 v4, v17;
	v4 =	vperm.xlane v2, v63;
	v63 =	vld [tilespmem:$0x1FF50]  }
0x28b: {  	v26 =	vadd.s32 v62, v14;
	v31 =	vadd.s32 v45, v14;
	(v2sf) =	vpush v38, $0xF;
	v38 =	vld.idx.msk [tilespmem:v54+s21+$0x0], $0xffff  }
0x28c: {  	v6 =	vadd.f32 v18, v6;
	v18 =	vadd.s32 v57, v7;
	v22 =	vadd.f32 v33, v22;
	v24 =	vld.idx.msk [tilespmem:v24+s21+$0x0], $0xffff  }
0x28d: {  	v15 =	vadd.f32 v27, v15;
	v27 =	vadd.s32 v51, v10;
	v9 =	vadd.f32 v28, v9;
	v20 =	vld.idx.msk [tilespmem:v20+s23+$0x0], $0xffff  }
0x28e: {  	v28 =	vadd.s32 v57, v10;
	v5 =	vadd.f32 v5, v23;
	v54 =	vadd.s32 v51, v7;
	v11 =	vld.idx.msk [tilespmem:v11+s21+$0x0], $0xffff  }
0x28f: {  	(xrf2) =	vadd.scan.msk.f32 $0xffff, v13;
	v13 =	vperm.xlane v2, v61;
	v22 =	vadd.f32 v29, v22;
	v30 =	vld.idx.msk [tilespmem:v30+s23+$0x0], $0xffff  }
0x290: {  	v29 =	vadd.s32 v49, v14;
	v23 =	vld.idx.msk [tilespmem:v46+s23+$0x0], $0xffff;
	v5 =	vadd.f32 v34, v5;
	v34 =	vadd.s32 v52, v7  }
0x291: {  	v2 =	vperm.xlane v2, v56;
	v33 =	vadd.s32 v62, v13;
	v7 =	vadd.s32 v53, v7;
	v18 =	vld.idx.msk [tilespmem:v18+s22+$0x0], $0xffff  }
0x292: {  	v41 =	vadd.s32 v62, v4;
	v22 =	vadd.f32 v8, v22;
	v27 =	vld.idx.msk [tilespmem:v27+s23+$0x0], $0xffff;
	v19 =	vadd.f32 v38, v19  }
0x293: {  	v5 =	vadd.f32 v44, v5;
	v32 =	vld.idx.msk [tilespmem:v54+s22+$0x0], $0xffff;
	v54 =	vadd.s32 v52, v10;
	v16 =	vadd.f32 v24, v16  }
0x294: {  	s15 =	spop (v2sf);
	v38 =	vadd.s32 v45, v13;
	v11 =	vadd.f32 v11, v17;
	v17 =	vld.idx.msk [tilespmem:v28+s23+$0x0], $0xffff;
	v19 =	vadd.f32 v21, v19  }
0x295: {  	s3 =	smul.f32 $7.812500000e-03, s15;
	v24 =	vadd.s32 v45, v4;
	v46 =	vadd.f32 v20, v5;
	v5 =	vld.idx.msk [tilespmem:v34+s22+$0x0], $0xffff;
	v16 =	vadd.f32 v25, v16  }
0x296: {  	v10 =	vadd.s32 v49, v13;
	v7 =	vld.idx.msk [tilespmem:v7+s22+$0x0], $0xffff;
	[tilespmem:$0x1FBE0] =	vst v22;
	v44 =	vadd.f32 v30, v19  }
0x297: {  	s19 =	spop (v2sf);
	s20 =	smul.f32 s3, s3;
	v20 =	vmul.f32 v46, v46;
	v19 =	vmul.f32 v22, v22;
	v25 =	vadd.f32 v23, v16;
	v16 =	vld.idx.msk [tilespmem:v26+s10+$0x0], $0xffff  }
0x298: {  	s4 =	smul.f32 $7.812500000e-03, s19;
	v22 =	vadd.f32 v46, v22;
	v11 =	vadd.f32 v32, v11;
	v21 =	vld.idx.msk [tilespmem:v54+s23+$0x0], $0xffff;
	[tilespmem:$0x1FBF0] =	vst v44  }
0x299: {  	v9 =	vadd.f32 v18, v9;
	v19 =	vadd.f32 v20, v19;
	v20 =	vmul.f32 v44, v44;
	v8 =	vld.idx.msk [tilespmem:v43+s23+$0x0], $0xffff  }
0x29a: {  	s4 =	ssub.f32 s4, s20;
	v22 =	vadd.f32 v44, v22;
	v27 =	vadd.f32 v27, v11;
	v32 =	vld.idx.msk [tilespmem:v31+s10+$0x0], $0xffff;
	[tilespmem:$0x1FC00] =	vst v25  }
0x29b: {  	v5 =	vadd.f32 v5, v15;
	v18 =	vadd.f32 v20, v19;
	v19 =	vmul.f32 v25, v25;
	v15 =	vld [tilespmem:s18+$0xFFFFFF80]  }
0x29c: {  	s4 =	smax.f32 s4, $0.0e+00;
	v54 =	vadd.s32 v50, v14;
	v26 =	vadd.f32 v17, v9;
	v22 =	vadd.f32 v25, v22;
	v34 =	vld [tilespmem:s18+$0xFFFFFF90];
	[tilespmem:$0x1FC10] =	vst v27  }
0x29d: {  	s4 =	sadd.f32 $9.999999960e-13, s4;
	v6 =	vadd.f32 v7, v6;
	v17 =	vadd.f32 v19, v18;
	v18 =	vmul.f32 v27, v27;
	v7 =	vld.idx.msk [tilespmem:v33+s21+$0x0], $0xffff  }
0x29e: {  	v25, _, _ =	vpop (xrf2);
	v22 =	vadd.f32 v27, v22;
	v27 =	vadd.f32 v21, v5;
	v5 =	vld.idx.msk [tilespmem:v38+s21+$0x0], $0xffff;
	[tilespmem:$0x1FC20] =	vst v26  }
0x29f: {  	s24 =	sshra.s32 s4, $0x1;
	s4 =	smul.f32 $5.000000000e-01, s4;
	(v2sf) =	vpush v25, $0xF;
	v25 =	vld.idx.msk [tilespmem:v29+s10+$0x0], $0xffff;
	v17 =	vadd.f32 v18, v17;
	v18 =	vmul.f32 v26, v26  }
0x2a0: {  	v39 =	vadd.s32 v62, v2;
	s8 =	ssub.s32 $0x5F3759DF, s24;
	v24 =	vld.idx.msk [tilespmem:v24+s22+$0x0], $0xffff;
	v22 =	vadd.f32 v26, v22;
	v43 =	vadd.f32 v8, v6  }
0x2a1: {  	v20 =	vadd.s32 v49, v4;
	s25 =	smul.f32 s8, s4;
	s30 =	spop (v2sf);
	v6 =	vld [tilespmem:s18+$0xFFFFFFA0];
	v26 =	vadd.s32 v49, v2;
	v44 =	vadd.f32 v18, v17  }
0x2a2: {  	s2 =	smul.f32 $7.812500000e-03, s30;
	v49 =	vmov v27;
	v17 =	vmul.f32 v27, v27;
	v22 =	vadd.f32 v27, v22;
	v27 =	vld.idx.msk [tilespmem:v41+s22+$0x0], $0xffff;
	[tilespmem:$0x1FC30] =	vst v43  }
0x2a3: {  	v10 =	vld.idx.msk [tilespmem:v10+s21+$0x0], $0xffff  }
0x2a4: {  	s15 =	smul.f32 s8, s25;
	v18 =	vadd.s32 v45, v2;
	v23 =	vld.idx.msk [tilespmem:v54+s10+$0x0], $0xffff;
	v54 =	vmov s2  }
0x2a5: {  	v19 =	vadd.s32 v50, v13;
	v21 =	vld.idx.msk [tilespmem:v39+s23+$0x0], $0xffff;
	v8 =	vadd.f32 v17, v44;
	v44 =	vsub.f32 v36, v54  }
0x2a6: {  	s15 =	ssub.f32 $1.500000000e+00, s15;
	v17 =	vmul.f32 v43, v43;
	v36 =	vld [tilespmem:$0x1FF70];
	v6 =	vadd.f32 v25, v6;
	v25 =	vsub.f32 v37, v54  }
0x2a7: {  	v28 =	vadd.s32 v51, v14;
	v15 =	vadd.f32 v16, v15;
	v33 =	vsub.f32 v40, v54;
	v40 =	vld [tilespmem:$0x1FF60]  }
0x2a8: {  	v16 =	vadd.s32 v50, v4;
	s8 =	smul.f32 s8, s15;
	v8 =	vadd.f32 v17, v8;
	v17 =	vadd.s32 v50, v2;
	v50 =	vld [tilespmem:s18+$0xFFFFFFB0];
	[tilespmem:$0x1FC40] =	vst v25  }
0x2a9: {  	v18 =	vld.idx.msk [tilespmem:v18+s23+$0x0], $0xffff  }
0x2aa: {  	s15 =	smul.f32 s8, s4;
	v20 =	vld.idx.msk [tilespmem:v20+s22+$0x0], $0xffff  }
0x2ab: {  	v9 =	vadd.f32 v32, v34;
	v7 =	vadd.f32 v7, v15;
	v19 =	vld.idx.msk [tilespmem:v19+s21+$0x0], $0xffff  }
0x2ac: {  	v15 =	vmov s3;
	v34 =	vsub.f32 v0, v54;
	s15 =	smul.f32 s15, s8;
	v0 =	vadd.f32 v10, v6;
	v6 =	vld.idx.msk [tilespmem:v28+s10+$0x0], $0xffff  }
0x2ad: {  	v11 =	vadd.s32 v51, v13;
	v22 =	vadd.f32 v43, v22;
	v29 =	vsub.f32 v35, v15;
	v35 =	vld [tilespmem:s18+$0xFFFFFFC0]  }
0x2ae: {  	v43 =	vsub.f32 v1, v54;
	v41 =	vsub.f32 v42, v54;
	v1 =	vld.idx.msk [tilespmem:v26+s23+$0x0], $0xffff;
	s15 =	ssub.f32 $1.500000000e+00, s15  }
0x2af: {  	v42 =	vsub.f32 v3, v54;
	v7 =	vadd.f32 v27, v7;
	v27 =	vadd.s32 v57, v13;
	v3 =	vld.idx.msk [tilespmem:v16+s22+$0x0], $0xffff  }
0x2b0: {  	v30 =	vadd.s32 v51, v2;
	(xrf2) =	vadd.scan.msk.f32 $0xffff, v22;
	v28 =	vld [tilespmem:$0x1FEA0];
	s8 =	smul.f32 s15, s8  }
0x2b1: {  	v31 =	vadd.s32 v51, v4;
	(xrf2) =	vadd.scan.msk.f32 $0xffff, v8;
	v8 =	vadd.s32 v57, v14;
	v51 =	vadd.f32 v21, v7;
	v7 =	vld [tilespmem:$0x1FF00]  }
0x2b2: {  	v5 =	vadd.f32 v5, v9;
	v32 =	vadd.f32 v23, v50;
	v50 =	vld.idx.msk [tilespmem:v11+s21+$0x0], $0xffff;
	s4 =	smul.f32 s8, s4  }
0x2b3: {  	v17 =	vld.idx.msk [tilespmem:v17+s23+$0x0], $0xffff;
	v0 =	vadd.f32 v20, v0  }
0x2b4: {  	v5 =	vadd.f32 v24, v5;
	v10 =	vadd.s32 v52, v14;
	v24 =	vld.idx.msk [tilespmem:v27+s21+$0x0], $0xffff;
	s15 =	smul.f32 s4, s8  }
0x2b5: {  	v25 =	vadd.f32 v1, v0;
	v0 =	vld [tilespmem:$0x1FEB0]  }
0x2b6: {  	v8 =	vld.idx.msk [tilespmem:v8+s10+$0x0], $0xffff;
	s3 =	ssub.f32 $1.500000000e+00, s15  }
0x2b7: {  	v45 =	vadd.f32 v18, v5;
	v5 =	vadd.s32 v57, v4;
	v16 =	vadd.f32 v19, v32;
	v20 =	vld [tilespmem:s18+$0xFFFFFFD0]  }
0x2b8: {  	v39 =	vsub.f32 v12, v54;
	v12 =	vmul.f32 v51, v51;
	v32 =	vld.idx.msk [tilespmem:v31+s22+$0x0], $0xffff;
	s15 =	smul.f32 s3, s8  }
0x2b9: {  	v19 =	vadd.s32 v52, v13;
	v6 =	vadd.f32 v6, v35;
	v10 =	vld.idx.msk [tilespmem:v10+s10+$0x0], $0xffff;
	v3 =	vadd.f32 v3, v16  }
0x2ba: {  	v18 =	vmul.f32 v45, v45;
	v1 =	vsub.f32 v48, v15;
	v16 =	vld.idx.msk [tilespmem:v30+s23+$0x0], $0xffff;
	v0 =	vmul.f32 s15, v0  }
0x2bb: {  	v13 =	vadd.s32 v53, v13;
	v6 =	vadd.f32 v50, v6;
	v48 =	vadd.f32 v17, v3;
	v17 =	vld [tilespmem:$0x1FEC0]  }
0x2bc: {  	v12 =	vadd.f32 v18, v12;
	v5 =	vld.idx.msk [tilespmem:v5+s22+$0x0], $0xffff;
	v35 =	vmul.f32 v0, v1;
	v0 =	vmul.f32 v25, v25  }
0x2bd: {  	v37 =	vadd.s32 v57, v2;
	v1 =	vld [tilespmem:s18+$0xFFFFFFE0]  }
0x2be: {  	s19 =	smul.f32 s2, s2;
	s20 =	spop (v2sf);
	v54, _, _ =	vpop (xrf2);
	v3 =	vld.idx.msk [tilespmem:v19+s21+$0x0], $0xffff;
	v6 =	vadd.f32 v32, v6;
	v50 =	vmul.f32 v48, v48;
	v12 =	vadd.f32 v0, v12  }
0x2bf: {  	s4 =	smul.f32 $7.812500000e-03, s20;
	(v2sf) =	vpush v54, $0xF;
	v8 =	vadd.f32 v8, v20;
	v0 =	vld [tilespmem:$0x1FC50]  }
0x2c0: {  	v14 =	vadd.s32 v53, v14;
	v22, _, _ =	vpop (xrf2);
	v12 =	vadd.f32 v50, v12;
	v50 =	vadd.f32 v16, v6;
	v16 =	vld.idx.msk [tilespmem:v13+s21+$0x0], $0xffff  }
0x2c1: {  	v20 =	vadd.s32 v52, v4;
	s3 =	ssub.f32 s4, s19;
	(v2sf) =	vpush v22, $0xF;
	v7 =	vmul.f32 s15, v7;
	v13 =	vld [tilespmem:$0x1FF40]  }
0x2c2: {  	v4 =	vadd.s32 v53, v4;
	v8 =	vadd.f32 v24, v8;
	v6 =	vld.idx.msk [tilespmem:v37+s23+$0x0], $0xffff;
	v10 =	vadd.f32 v10, v1  }
0x2c3: {  	v18 =	vld [tilespmem:$0x1FE90];
	s3 =	smax.f32 s3, $0.0e+00;
	v17 =	vmul.f32 s15, v17;
	v7 =	vmul.f32 v7, v29;
	v29 =	vsub.f32 v55, v15  }
0x2c4: {  	v19 =	vld [tilespmem:$0x1FC60];
	s3 =	sadd.f32 $9.999999960e-13, s3;
	v55 =	vmovc v45;
	v0 =	vsub.f32 v0, v15;
	v10 =	vadd.f32 v3, v10;
	v3 =	vmul.f32 v50, v50  }
0x2c5: {  	v27 =	vadd.s32 v52, v2;
	v5 =	vadd.f32 v5, v8;
	v52 =	vadd.f32 v55, v51;
	v1 =	vld [tilespmem:$0x1FED0]  }
0x2c6: {  	s24 =	sshra.s32 s3, $0x1;
	v0 =	vmul.f32 v17, v0;
	v7 =	vadd.f32 v7, v13;
	v12 =	vadd.f32 v3, v12;
	v3 =	vld [tilespmem:$0x1FEE0]  }
0x2c7: {  	s4 =	ssub.s32 $0x5F3759DF, s24;
	s24 =	simm.s32 $0x17380;
	v17 =	vadd.s32 v53, v2;
	v2 =	vadd.f32 v25, v52;
	v24 =	vadd.f32 v6, v5;
	v5 =	vld [tilespmem:$0x1FEF0]  }
0x2c8: {  	v13 =	vld.idx.msk [tilespmem:v4+s22+$0x0], $0xffff;
	[tilespmem:s24+$0x70] =	vst v7  }
0x2c9: {  	s3 =	smul.f32 $5.000000000e-01, s3;
	v6 =	vadd.f32 v48, v2;
	v2 =	vld [tilespmem:$0x1FF10]  }
0x2ca: {  	v18 =	vmul.f32 s15, v18;
	v4 =	vld [tilespmem:$0x1FF20]  }
0x2cb: {  	v26 =	vsub.f32 v59, v15;
	v11 =	vmul.f32 s15, v28;
	s25 =	smul.f32 s4, s3  }
0x2cc: {  	v14 =	vld.idx.msk [tilespmem:v14+s10+$0x0], $0xffff;
	v18 =	vmul.f32 v18, v29  }
0x2cd: {  	v11 =	vmul.f32 v11, v26;
	v26 =	vld [tilespmem:s18+$0xFFFFFFF0];
	s8 =	smul.f32 s4, s25  }
0x2ce: {  	v59 =	vadd.f32 v18, v2  }
0x2cf: {  	v54 =	vld.idx.msk [tilespmem:v20+s22+$0x0], $0xffff;
	s8 =	ssub.f32 $1.500000000e+00, s8;
	v4 =	vadd.f32 v11, v4  }
0x2d0: {  	[tilespmem:s24+$0x0] =	vst v59  }
0x2d1: {  	v38 =	vsub.f32 v58, v15;
	v58 =	vld.idx.msk [tilespmem:v27+s23+$0x0], $0xffff;
	s4 =	smul.f32 s4, s8;
	s30 =	spop (v2sf);
	[tilespmem:s24+$0x10] =	vst v4  }
0x2d2: {  	v14 =	vadd.f32 v14, v26;
	s20 =	smul.f32 $7.812500000e-03, s30;
	v4 =	vld [tilespmem:$0x1FF30]  }
0x2d3: {  	v19 =	vsub.f32 v19, v15;
	v15 =	vsub.f32 v47, v15;
	s2 =	smul.f32 s4, s3;
	s25 =	spop (v2sf);
	v5 =	vmul.f32 s15, v5  }
0x2d4: {  	v16 =	vadd.f32 v16, v14;
	v1 =	vmul.f32 s15, v1;
	v7 =	vadd.f32 v54, v10;
	s30 =	smul.f32 $7.812500000e-03, s25  }
0x2d5: {  	s28 =	smul.f32 s20, s20;
	v3 =	vmul.f32 s15, v3;
	v2 =	vmul.f32 v5, v15;
	v5 =	vadd.f32 v50, v6  }
0x2d6: {  	s19 =	simm.s32 $0x17380;
	v1 =	vmul.f32 v1, v19;
	s25 =	simm.s32 $0x2;
	v19 =	vmul.f32 v24, v24;
	v52 =	vadd.f32 v58, v7;
	v17 =	vld.idx.msk [tilespmem:v17+s23+$0x0], $0xffff  }
0x2d7: {  	v47 =	vmovc v25;
	s8 =	smul.f32 s2, s4;
	s28 =	ssub.f32 s30, s28;
	s15 =	simm.s32 $0xF994;
	v3 =	vmul.f32 v3, v38;
	v18 =	vadd.f32 v24, v5;
	v37 =	vld [tilespmem:$0x1FF80];
	v4 =	vadd.f32 v35, v4  }
.LBB2_5:
0x2d8: {  	v5 =	vld [tilespmem:s15+$0x0]  }
0x2d9: {  	[tilespmem:$0x1FA80] =	vst v50;
	v8 =	vld [tilespmem:s15+$0xFFFFFFFC]  }
0x2da: {  	[tilespmem:$0x1FB40] =	vst v39;
	v39 =	vld [tilespmem:$0x1FFC0]  }
0x2db: {  	[tilespmem:$0x1FBA0] =	vst v49;
	v49 =	vld [tilespmem:$0x1FFB0];
	v6 =	vadd.f32 v13, v16  }
0x2dc: {  	[tilespmem:$0x1FA50] =	vst v47;
	v47 =	vld [tilespmem:$0x1FFD0];
	v7 =	vadd.f32 v19, v12;
	v9 =	vadd.f32 v52, v18  }
0x2dd: {  	[tilespmem:$0x1FA30] =	vst v51;
	v51 =	vld [tilespmem:$0x1FFE0];
	v10 =	vmul.f32 v52, v52;
	v0 =	vadd.f32 v0, v63;
	v18 =	vadd.f32 v17, v6  }
0x2de: {  	v1 =	vadd.f32 v1, v40;
	v50 =	vld [tilespmem:$0x1FFF0];
	[tilespmem:s24+$0x20] =	vst v4  }
0x2df: {  	s18 =	sadd.s32 $0x100, s18;
	v22 =	vld [tilespmem:$0x1FF90];
	v4 =	vadd.f32 v10, v7;
	[tilespmem:s24+$0x30] =	vst v0;
	v0 =	vadd.f32 v3, v37;
	v6 =	vmul.f32 v18, v18  }
0x2e0: {  	v17 =	vld [tilespmem:s18+$0x70];
	[tilespmem:s24+$0x40] =	vst v1;
	v3 =	vadd.f32 v18, v9  }
0x2e1: {  	s8 =	ssub.f32 $1.500000000e+00, s8;
	s28 =	smax.f32 s28, $0.0e+00;
	v28 =	vperm.xlane v5, v61;
	v30 =	vld [tilespmem:s18+$0x60];
	[tilespmem:s24+$0x50] =	vst v0;
	v0 =	vadd.f32 v6, v4  }
0x2e2: {  	v38 =	vld [tilespmem:$0x1FF90];
	s28 =	sadd.f32 $9.999999960e-13, s28;
	(xrf2) =	vadd.scan.msk.f32 $0xffff, v3  }
0x2e3: {  	s8 =	smul.f32 s8, s4;
	v1 =	vadd.f32 v2, v36;
	v2 =	vld [tilespmem:$0x1FFA0];
	(xrf2) =	vadd.scan.msk.f32 $0xffff, v0;
	v0 =	vadd.s32 v57, v28  }
0x2e4: {  	[tilespmem:$0x1FAB0] =	vst v34;
	s30 =	sshra.s32 s28, $0x1;
	s4 =	smul.f32 $5.000000000e-01, s28;
	v7 =	vperm.xlane v8, v60;
	v31 =	vld [tilespmem:s18+$0x50]  }
0x2e5: {  	v13 =	vimm.s32 $0x2;
	s28 =	ssub.s32 $0x5F3759DF, s30;
	v9 =	vperm.xlane v8, v61;
	v10 =	vperm.xlane v5, v60;
	v34 =	vld [tilespmem:s18+$0x40];
	[tilespmem:s24+$0x60] =	vst v1  }
0x2e6: {  	[tilespmem:$0x1FA40] =	vst v55;
	s30 =	smul.f32 s28, s4;
	v6 =	vperm.xlane v8, v13;
	v11 =	vld [tilespmem:s18+$0x30];
	v1 =	vadd.s32 v49, v28;
	v8 =	vperm.xlane v8, v56  }
0x2e7: {  	[tilespmem:$0x1FAF0] =	vst v41;
	v32 =	vperm.xlane v5, v13;
	v35 =	vld [tilespmem:s18+$0x20];
	v13 =	vadd.s32 v49, v10  }
0x2e8: {  	[tilespmem:$0x1FAC0] =	vst v52;
	s30 =	smul.f32 s28, s30;
	v40 =	vld.idx.msk [tilespmem:v0+s21+$0x0], $0xffff;
	v0 =	vadd.s32 v47, v8  }
0x2e9: {  	v27 =	vperm.xlane v5, v56;
	v52 =	vld [tilespmem:s18+$0x0];
	v5 =	vadd.s32 v51, v32;
	[tilespmem:$0x1FAE0] =	vst v0;
	v0 =	vadd.s32 v50, v7  }
0x2ea: {  	v53 =	vld [tilespmem:s18+$0x10];
	v23 =	vadd.s32 v57, v10;
	s30 =	ssub.f32 $1.500000000e+00, s30;
	[tilespmem:$0x1FAA0] =	vst v0;
	v0 =	vadd.s32 v51, v6  }
0x2eb: {  	v36 =	vadd.s32 v62, v27;
	v55 =	vld.idx.msk [tilespmem:v1+s21+$0x0], $0xffff;
	[tilespmem:$0x1FB00] =	vst v0;
	v0 =	vadd.s32 v50, v9  }
0x2ec: {  	v59 =	vadd.s32 v50, v10;
	s2 =	smul.f32 s28, s30;
	v41 =	vld.idx.msk [tilespmem:v13+s10+$0x0], $0xffff;
	[tilespmem:$0x1FB20] =	vst v0;
	v0 =	vadd.s32 v51, v8  }
0x2ed: {  	s3 =	smul.f32 s8, s3;
	v56 =	vmov v46;
	v46 =	vadd.s32 v47, v10;
	[tilespmem:$0x1FB50] =	vst v0;
	v0 =	vld [tilespmem:$0x1FF90]  }
0x2ee: {  	[tilespmem:$0x1FAD0] =	vst v43;
	v4 =	vadd.s32 v2, v10;
	v43 =	vld.idx.msk [tilespmem:v5+s22+$0x0], $0xffff;
	s28 =	smul.f32 s2, s4  }
0x2ef: {  	s3 =	smul.f32 s3, s8;
	v29 =	vadd.s32 v62, v7;
	v61 =	vld.idx.msk [tilespmem:v23+s10+$0x0], $0xffff  }
0x2f0: {  	v12 =	vadd.s32 v39, v7;
	v26 =	vadd.s32 v62, v9;
	v3 =	vadd.s32 v2, v28;
	v45 =	vld.idx.msk [tilespmem:v36+s23+$0x0], $0xffff;
	s28 =	smul.f32 s28, s2  }
0x2f1: {  	v14 =	vadd.s32 v39, v9;
	v15 =	vadd.s32 v47, v7;
	v58 =	vadd.s32 v47, v32;
	s3 =	ssub.f32 $1.500000000e+00, s3;
	v63 =	vld.idx.msk [tilespmem:v59+s10+$0x0], $0xffff  }
0x2f2: {  	[tilespmem:$0x1FB10] =	vst v42;
	v13 =	vmov v44;
	v44 =	vadd.s32 v51, v10;
	v46 =	vld.idx.msk [tilespmem:v46+s10+$0x0], $0xffff;
	s28 =	ssub.f32 $1.500000000e+00, s28;
	v0 =	vadd.s32 v0, v7  }
0x2f3: {  	v21 =	vadd.s32 v51, v7;
	s3 =	smul.f32 s3, s8;
	v57 =	vld.idx.msk [tilespmem:v4+s10+$0x0], $0xffff;
	[tilespmem:$0x1FB30] =	vst v0;
	v0 =	vadd.s32 v50, v6  }
0x2f4: {  	v60 =	vadd.s32 v62, v32;
	v25 =	vadd.s32 v39, v32;
	v1 =	vadd.s32 v47, v6;
	s8 =	smul.f32 s28, s2;
	[tilespmem:$0x1FB60] =	vst v0;
	v0 =	vld [tilespmem:$0x1FF90]  }
0x2f5: {  	v16 =	vadd.s32 v62, v6;
	[tilespmem:$0x1FA60] =	vst v1;
	v1 =	vadd.s32 v51, v9;
	v54 =	vld.idx.msk [tilespmem:v3+s21+$0x0], $0xffff  }
0x2f6: {  	v20 =	vadd.s32 v39, v6;
	v36 =	vadd.s32 v39, v10;
	[tilespmem:$0x1FA70] =	vst v1;
	v1 =	vld.idx.msk [tilespmem:v58+s22+$0x0], $0xffff;
	s4 =	smul.f32 s8, s4  }
0x2f7: {  	v58 =	vadd.s32 v22, v6;
	v22 =	vadd.s32 v39, v28;
	v42, _, _ =	vpop (xrf2);
	v23 =	vld.idx.msk [tilespmem:v44+s10+$0x0], $0xffff;
	v30 =	vadd.f32 v41, v30  }
0x2f8: {  	v5 =	vadd.s32 v49, v9;
	v34 =	vadd.f32 v63, v34;
	v63 =	vld [tilespmem:$0x1FF00];
	(v2sf) =	vpush v42, $0xF;
	s4 =	smul.f32 s4, s8  }
0x2f9: {  	[tilespmem:$0x1FBB0] =	vst v5;
	v42 =	vadd.s32 v51, v28;
	v41 =	vadd.f32 v57, v17;
	v57 =	vld [tilespmem:$0x1FC30];
	v0 =	vadd.s32 v0, v9  }
0x2fa: {  	v59 =	vadd.s32 v2, v7;
	v25 =	vld.idx.msk [tilespmem:v25+s22+$0x0], $0xffff;
	s4 =	ssub.f32 $1.500000000e+00, s4;
	[tilespmem:$0x1FB70] =	vst v0;
	v0 =	vadd.s32 v50, v8  }
0x2fb: {  	v5 =	vadd.s32 v2, v6;
	v36 =	vld.idx.msk [tilespmem:v36+s10+$0x0], $0xffff;
	[tilespmem:$0x1FB90] =	vst v0;
	v0 =	vadd.s32 v49, v7  }
0x2fc: {  	v3 =	vadd.s32 v62, v8;
	v22 =	vld.idx.msk [tilespmem:v22+s21+$0x0], $0xffff;
	s4 =	smul.f32 s4, s8;
	[tilespmem:$0x1FB80] =	vst v0;
	v0 =	vadd.s32 v62, v10  }
0x2fd: {  	v17 =	vmov s20;
	v41 =	vadd.f32 v54, v41;
	v54 =	vld [tilespmem:$0x1FF40];
	v11 =	vadd.f32 v23, v11  }
0x2fe: {  	v42 =	vld.idx.msk [tilespmem:v42+s21+$0x0], $0xffff;
	v57 =	vsub.f32 v57, v17;
	v23 =	vmul.f32 s4, v63;
	v7 =	vadd.s32 v62, v28  }
0x2ff: {  	v62 =	vld.idx.msk [tilespmem:v60+s22+$0x0], $0xffff;
	v60 =	vadd.s32 v49, v6;
	v6 =	vmov v24;
	v24 =	vadd.s32 v47, v28  }
0x300: {  	v19 =	vadd.s32 v47, v9;
	v4 =	vadd.s32 v39, v8;
	v23 =	vmul.f32 v23, v57;
	v57 =	vld [tilespmem:$0x1FF90]  }
0x301: {  	[tilespmem:$0x1FBC0] =	vst v5;
	v5 =	vadd.s32 v2, v8;
	v39 =	vadd.s32 v39, v27;
	v0 =	vld.idx.msk [tilespmem:v0+s10+$0x0], $0xffff  }
0x302: {  	v44 =	vadd.s32 v49, v8;
	v10 =	vadd.s32 v38, v8;
	v8 =	vmovc v37;
	v37 =	vld [tilespmem:$0x1FF90];
	v47 =	vadd.s32 v47, v27  }
0x303: {  	v36 =	vadd.f32 v36, v53;
	v28 =	vadd.s32 v50, v28;
	v7 =	vld.idx.msk [tilespmem:v7+s21+$0x0], $0xffff  }
0x304: {  	v24 =	vld.idx.msk [tilespmem:v24+s21+$0x0], $0xffff  }
0x305: {  	v35 =	vadd.f32 v46, v35;
	v46 =	vadd.s32 v51, v27;
	v22 =	vadd.f32 v22, v36  }
0x306: {  	[tilespmem:$0x1FBD0] =	vst v5;
	v5 =	vmov v48;
	v48 =	vadd.s32 v50, v32;
	v39 =	vld.idx.msk [tilespmem:v39+s23+$0x0], $0xffff;
	v0 =	vadd.f32 v0, v52  }
0x307: {  	v31 =	vadd.f32 v61, v31;
	v22 =	vadd.f32 v25, v22;
	v37 =	vadd.s32 v37, v32;
	v36 =	vld.idx.msk [tilespmem:v47+s23+$0x0], $0xffff  }
0x308: {  	v11 =	vadd.f32 v42, v11;
	v0 =	vadd.f32 v7, v0;
	v7 =	vld.idx.msk [tilespmem:v28+s21+$0x0], $0xffff;
	v28 =	vadd.s32 v50, v27  }
0x309: {  	v23 =	vadd.f32 v23, v54;
	v51 =	vadd.s32 v57, v27;
	v24 =	vadd.f32 v24, v35  }
0x30a: {  	s24 =	sadd.s32 $0x100, s24;
	v25 =	vld.idx.msk [tilespmem:v46+s23+$0x0], $0xffff;
	v38 =	vadd.s32 v2, v32;
	v47 =	vadd.s32 v49, v32;
	v0 =	vadd.f32 v62, v0  }
0x30b: {  	v52 =	vadd.f32 v55, v30;
	v50 =	vld.idx.msk [tilespmem:v48+s22+$0x0], $0xffff;
	[tilespmem:s24+$0x70] =	vst v23;
	v1 =	vadd.f32 v1, v24  }
0x30c: {  	v53 =	vadd.s32 v49, v27;
	v30 =	vadd.f32 v39, v22;
	v24 =	vld.idx.msk [tilespmem:v37+s22+$0x0], $0xffff;
	v32 =	vadd.f32 v45, v0  }
0x30d: {  	v11 =	vadd.f32 v43, v11;
	v55 =	vadd.s32 v2, v27;
	v27 =	vadd.f32 v36, v1;
	v0 =	vld.idx.msk [tilespmem:v28+s23+$0x0], $0xffff  }
0x30e: {  	v1 =	vld.idx.msk [tilespmem:v51+s23+$0x0], $0xffff;
	v7 =	vadd.f32 v7, v34;
	v48 =	vadd.f32 v30, v32  }
0x30f: {  	v31 =	vadd.f32 v40, v31;
	v34 =	vld.idx.msk [tilespmem:v47+s22+$0x0], $0xffff;
	v28 =	vadd.f32 v25, v11  }
0x310: {  	v35 =	vld.idx.msk [tilespmem:v38+s22+$0x0], $0xffff;
	v7 =	vadd.f32 v50, v7;
	v25 =	vadd.f32 v27, v48  }
0x311: {  	v11 =	vld.idx.msk [tilespmem:v53+s23+$0x0], $0xffff;
	v24 =	vadd.f32 v24, v31  }
0x312: {  	v37 =	vld.idx.msk [tilespmem:v29+s10+$0x0], $0xffff;
	v29 =	vadd.f32 v0, v7;
	v7 =	vadd.f32 v28, v25  }
0x313: {  	v31 =	vadd.f32 v1, v24;
	v0 =	vld.idx.msk [tilespmem:v55+s23+$0x0], $0xffff  }
0x314: {  	v34 =	vadd.f32 v34, v52;
	v1 =	vadd.f32 v29, v7  }
0x315: {  	v45 =	vld [tilespmem:$0x1FEA0];
	v49 =	vmul.f32 v32, v32;
	v35 =	vadd.f32 v35, v41;
	v50 =	vmul.f32 v30, v30  }
0x316: {  	v41 =	vld.idx.msk [tilespmem:v26+s21+$0x0], $0xffff;
	v26 =	vadd.f32 v11, v34;
	v1 =	vadd.f32 v31, v1  }
0x317: {  	v51 =	vadd.f32 v50, v49  }
0x318: {  	v49 =	vadd.f32 v0, v35;
	v0 =	vadd.f32 v26, v1;
	_ =	sdelay $0x1  }
0x319: {  	v42 =	vld [tilespmem:s18+$0xFFFFFF80];
	v53 =	vmul.f32 v27, v27;
	v0 =	vadd.f32 v49, v0  }
0x31a: {  	[tilespmem:$0x1FA90] =	vst v33;
	v22 =	vmul.f32 s3, v45;
	v52 =	vld [tilespmem:$0x1FEE0]  }
0x31b: {  	v33, _, _ =	vpop (xrf2);
	v55 =	vmul.f32 v28, v28;
	v38 =	vadd.f32 v53, v51;
	(xrf2) =	vadd.scan.msk.f32 $0xffff, v0;
	v0 =	vmul.f32 s4, v45;
	v45 =	vld.idx.msk [tilespmem:v4+s23+$0x0], $0xffff  }
0x31c: {  	v4 =	vld [tilespmem:$0x1FA50]  }
0x31d: {  	s30 =	spop (v2sf);
	v50 =	vmul.f32 v29, v29;
	v38 =	vadd.f32 v55, v38  }
0x31e: {  	s8 =	smul.f32 $7.812500000e-03, s30  }
0x31f: {  	v46 =	vld [tilespmem:$0x1FE90];
	v34 =	vadd.f32 v50, v38;
	v50 =	vadd.f32 v37, v42  }
0x320: {  	(v2sf) =	vpush v33, $0xF;
	v25 =	vmov s8;
	v11 =	vmul.f32 s3, v52  }
0x321: {  	v33 =	vadd.f32 v41, v50;
	v41 =	vmul.f32 s4, v52;
	v52 =	vsub.f32 v4, v25;
	v4 =	vld [tilespmem:$0x1FC40];
	_ =	sdelay $0x2  }
0x322: {  	v23 =	vmul.f32 s3, v46;
	_ =	sdelay $0x1  }
0x323: {  	v23 =	vmul.f32 v23, v4;
	v4 =	vld [tilespmem:$0x1FA60];
	_ =	sdelay $0x5  }
0x324: {  	v38 =	vmul.f32 v31, v31;
	_ =	sdelay $0x1  }
0x325: {  	v34 =	vadd.f32 v38, v34;
	v38 =	vmul.f32 s4, v46;
	v46 =	vld.idx.msk [tilespmem:v4+s22+$0x0], $0xffff  }
0x326: {  	v4 =	vld [tilespmem:$0x1FA70]  }
0x327: {  	v14 =	vld.idx.msk [tilespmem:v14+s21+$0x0], $0xffff  }
0x328: {  	v19 =	vld.idx.msk [tilespmem:v19+s21+$0x0], $0xffff  }
0x329: {  	v47 =	vld [tilespmem:$0x1FEC0]  }
0x32a: {  	v9 =	vadd.s32 v2, v9;
	v2 =	vld.idx.msk [tilespmem:v12+s10+$0x0], $0xffff;
	v55 =	vmul.f32 v26, v26  }
0x32b: {  	v12 =	vld.idx.msk [tilespmem:v15+s10+$0x0], $0xffff  }
0x32c: {  	v24 =	vld [tilespmem:s18+$0xFFFFFF90];
	v42 =	vmul.f32 v49, v49;
	v34 =	vadd.f32 v55, v34  }
0x32d: {  	v51 =	vld [tilespmem:s18+$0xFFFFFFA0]  }
0x32e: {  	v36 =	vmul.f32 s3, v47;
	[tilespmem:$0x1FC30] =	vst v49;
	v49 =	vadd.f32 v42, v34;
	v34 =	vmul.f32 s4, v47;
	v47 =	vld.idx.msk [tilespmem:v4+s21+$0x0], $0xffff  }
0x32f: {  	v4 =	vld [tilespmem:$0x1FA80];
	_ =	sdelay $0x1  }
0x330: {  	v20 =	vld.idx.msk [tilespmem:v20+s22+$0x0], $0xffff;
	v2 =	vadd.f32 v2, v24  }
0x331: {  	v43 =	vld [tilespmem:$0x1FEB0];
	v12 =	vadd.f32 v12, v51  }
0x332: {  	v15 =	vld.idx.msk [tilespmem:v16+s22+$0x0], $0xffff;
	v2 =	vadd.f32 v14, v2  }
0x333: {  	v12 =	vadd.f32 v19, v12;
	v19 =	vsub.f32 v4, v25;
	v4 =	vld [tilespmem:$0x1FA90]  }
0x334: {  	v16 =	vld [tilespmem:$0x1FA30]  }
0x335: {  	v2 =	vadd.f32 v20, v2;
	v20 =	vsub.f32 v5, v25;
	v5 =	vld [tilespmem:$0x1FAF0]  }
0x336: {  	v3 =	vld.idx.msk [tilespmem:v3+s23+$0x0], $0xffff;
	v40 =	vmul.f32 s3, v43  }
0x337: {  	v53 =	vld [tilespmem:$0x1FEF0]  }
0x338: {  	v40 =	vmul.f32 v40, v4;
	v4 =	vld [tilespmem:$0x1FAA0]  }
0x339: {  	v42 =	vsub.f32 v16, v25;
	v16 =	vld [tilespmem:$0x1FA40]  }
0x33a: {  	v33 =	vadd.f32 v15, v33;
	v11 =	vmul.f32 v11, v5;
	v5 =	vld [tilespmem:$0x1FB10]  }
0x33b: {  	v48 =	vld [tilespmem:$0x1FED0]  }
0x33c: {  	v51 =	vadd.f32 v3, v33;
	v3 =	vld [tilespmem:$0x1FAE0]  }
0x33d: {  	v14 =	vld.idx.msk [tilespmem:v21+s10+$0x0], $0xffff;
	v1 =	vmul.f32 s3, v53  }
0x33e: {  	v21 =	vsub.f32 v16, v25;
	v16 =	vsub.f32 v6, v25;
	v6 =	vld [tilespmem:$0x1FB40]  }
0x33f: {  	v33 =	vmul.f32 v1, v5;
	v5 =	vld [tilespmem:$0x1FB20]  }
0x340: {  	v7 =	vmul.f32 s3, v48;
	v37 =	vmul.f32 s4, v48;
	v48 =	vld.idx.msk [tilespmem:v4+s10+$0x0], $0xffff  }
0x341: {  	v4 =	vld [tilespmem:$0x1FAB0]  }
0x342: {  	v50 =	vld [tilespmem:s18+$0xFFFFFFB0]  }
0x343: {  	v24 =	vmul.f32 s3, v63;
	v55 =	vadd.f32 v45, v2;
	v2 =	vld [tilespmem:$0x1FB00]  }
0x344: {  	v3 =	vld.idx.msk [tilespmem:v3+s23+$0x0], $0xffff  }
0x345: {  	v24 =	vmul.f32 v24, v6;
	v6 =	vld [tilespmem:$0x1FB50]  }
0x346: {  	(xrf2) =	vadd.scan.msk.f32 $0xffff, v49;
	v36 =	vmul.f32 v36, v4;
	v4 =	vld [tilespmem:$0x1FAC0]  }
0x347: {  	v39 =	vmul.f32 s4, v43;
	v43 =	vmul.f32 s4, v53;
	v53 =	vld [tilespmem:s18+$0xFFFFFFD0]  }
0x348: {  	v35 =	vadd.f32 v14, v50;
	v1 =	vadd.f32 v46, v12;
	v12 =	vld.idx.msk [tilespmem:v5+s21+$0x0], $0xffff  }
0x349: {  	v5 =	vld [tilespmem:$0x1FBF0]  }
0x34a: {  	v35 =	vadd.f32 v47, v35;
	v47 =	vadd.f32 v3, v1;
	v1 =	vld [tilespmem:$0x1FB60]  }
0x34b: {  	v14 =	vsub.f32 v4, v25;
	v4 =	vld [tilespmem:$0x1FAD0]  }
0x34c: {  	v49 =	vld [tilespmem:s18+$0xFFFFFFC0]  }
0x34d: {  	v2 =	vld.idx.msk [tilespmem:v2+s22+$0x0], $0xffff  }
0x34e: {  	v50 =	vld.idx.msk [tilespmem:v6+s23+$0x0], $0xffff  }
0x34f: {  	v22 =	vmul.f32 v22, v13;
	v13, _, _ =	vpop (xrf2);
	v45 =	vsub.f32 v5, v17;
	v5 =	vld [tilespmem:$0x1FB30]  }
0x350: {  	s2 =	smul.f32 s8, s8;
	s8 =	spop (v2sf);
	(v2sf) =	vpush v13, $0xF;
	v13, _, _ =	vpop (xrf2);
	v3 =	vld [tilespmem:$0x1FB80];
	v7 =	vmul.f32 v7, v4;
	v4 =	vmov v42  }
0x351: {  	(v2sf) =	vpush v13, $0xF;
	v13 =	vmov v32;
	[tilespmem:$0x1FC40] =	vst v4;
	v4 =	vld [tilespmem:$0x1FBE0]  }
0x352: {  	[tilespmem:$0x1FBE0] =	vst v13;
	v13 =	vld.idx.msk [tilespmem:v1+s22+$0x0], $0xffff  }
0x353: {  	v1 =	vld [tilespmem:$0x1FB70]  }
0x354: {  	v15 =	vsub.f32 v18, v25;
	v18 =	vld [tilespmem:$0x1FC20]  }
0x355: {  	v6 =	vld [tilespmem:$0x1FB90];
	v48 =	vadd.f32 v48, v49  }
0x356: {  	v2 =	vadd.f32 v2, v35;
	v35 =	vmul.f32 v39, v45;
	v45 =	vld [tilespmem:s18+$0xFFFFFFE0]  }
0x357: {  	v5 =	vld.idx.msk [tilespmem:v5+s10+$0x0], $0xffff;
	v12 =	vadd.f32 v12, v48;
	v25 =	vsub.f32 v56, v17  }
0x358: {  	v48 =	vadd.f32 v50, v2;
	v2 =	vld [tilespmem:$0x1FBB0];
	v56 =	vmul.f32 v55, v55;
	v4 =	vsub.f32 v4, v17  }
0x359: {  	v25 =	vmul.f32 v0, v25;
	v0 =	vld [tilespmem:$0x1FC00];
	v42 =	vmul.f32 v51, v51  }
0x35a: {  	v4 =	vmul.f32 v38, v4;
	v38 =	vld.idx.msk [tilespmem:v3+s10+$0x0], $0xffff  }
0x35b: {  	v42 =	vadd.f32 v56, v42;
	v3 =	vmul.f32 v47, v47;
	v32 =	vld.idx.msk [tilespmem:v1+s21+$0x0], $0xffff  }
0x35c: {  	v1 =	vld [tilespmem:$0x1FC10]  }
0x35d: {  	v42 =	vadd.f32 v3, v42;
	v3 =	vld [tilespmem:$0x1FBA0];
	_ =	sdelay $0x1  }
0x35e: {  	v46 =	vadd.f32 v55, v51;
	v5 =	vadd.f32 v5, v53  }
0x35f: {  	v63 =	vld [tilespmem:$0x1FF50];
	v53 =	vsub.f32 v18, v17;
	v0 =	vsub.f32 v0, v17  }
0x360: {  	v12 =	vadd.f32 v13, v12;
	v13 =	vld.idx.msk [tilespmem:v2+s21+$0x0], $0xffff;
	v38 =	vadd.f32 v38, v45  }
0x361: {  	v45 =	vld [tilespmem:$0x1FF30];
	v1 =	vsub.f32 v1, v17;
	v17 =	vsub.f32 v3, v17  }
0x362: {  	v3 =	vmul.f32 v41, v53;
	v41 =	vld [tilespmem:$0x1FF10]  }
0x363: {  	s3 =	smul.f32 $7.812500000e-03, s8;
	v2 =	vmul.f32 v43, v17;
	v43 =	vld [tilespmem:$0x1FF20]  }
0x364: {  	v39 =	vadd.f32 v47, v46;
	v46 =	vmov v30;
	v30 =	vld.idx.msk [tilespmem:v6+s23+$0x0], $0xffff;
	v6 =	vmov v28  }
0x365: {  	s3 =	ssub.f32 s3, s2;
	[tilespmem:$0x1FC00] =	vst v6;
	v6 =	vld [tilespmem:$0x1FBC0]  }
0x366: {  	v5 =	vadd.f32 v32, v5;
	v32 =	vadd.f32 v48, v39;
	v39 =	vld [tilespmem:s18+$0xFFFFFFF0]  }
0x367: {  	s3 =	smax.f32 s3, $0.0e+00;
	v1 =	vmul.f32 v37, v1;
	v37 =	vld.idx.msk [tilespmem:v58+s22+$0x0], $0xffff;
	v23 =	vadd.f32 v23, v41  }
0x368: {  	s3 =	sadd.f32 $9.999999960e-13, s3;
	v58 =	vadd.f32 v40, v45;
	v40 =	vld [tilespmem:$0x1FF60];
	v17 =	vadd.f32 v22, v43  }
0x369: {  	v53 =	vmul.f32 v48, v48;
	v22 =	vld.idx.msk [tilespmem:v59+s10+$0x0], $0xffff;
	[tilespmem:s19+$0xFFFFFF80] =	vst v23  }
0x36a: {  	s30 =	sshra.s32 s3, $0x1;
	s3 =	smul.f32 $5.000000000e-01, s3;
	v10 =	vld.idx.msk [tilespmem:v10+s23+$0x0], $0xffff;
	[tilespmem:s19+$0xFFFFFF90] =	vst v17;
	v17 =	vadd.f32 v36, v63  }
0x36b: {  	s4 =	ssub.s32 $0x5F3759DF, s30;
	v59 =	vmov v27;
	v27 =	vadd.f32 v53, v42;
	v53 =	vld.idx.msk [tilespmem:v60+s22+$0x0], $0xffff;
	[tilespmem:s19+$0xFFFFFFA0] =	vst v58  }
0x36c: {  	s2 =	smul.f32 s4, s3;
	v9 =	vld.idx.msk [tilespmem:v9+s21+$0x0], $0xffff;
	[tilespmem:s19+$0xFFFFFFB0] =	vst v17  }
0x36d: {  	v49 =	vmov v26;
	v7 =	vadd.f32 v7, v40;
	v26 =	vld.idx.msk [tilespmem:v44+s23+$0x0], $0xffff  }
0x36e: {  	s8 =	smul.f32 s4, s2;
	v58 =	vadd.f32 v13, v38;
	v13 =	vld.idx.msk [tilespmem:v6+s22+$0x0], $0xffff  }
0x36f: {  	[tilespmem:s19+$0xFFFFFFC0] =	vst v7;
	v7 =	vld [tilespmem:$0x1FBD0]  }
0x370: {  	s8 =	ssub.f32 $1.500000000e+00, s8  }
0x371: {  	v50 =	vadd.f32 v30, v12;
	v36 =	vld [tilespmem:$0x1FF70]  }
0x372: {  	s4 =	smul.f32 s4, s8;
	v12 =	vmov v31;
	v4 =	vadd.f32 v4, v41  }
0x373: {  	v11 =	vadd.f32 v11, v8;
	[tilespmem:$0x1FC20] =	vst v12;
	v12 =	vmul.f32 v50, v50  }
0x374: {  	s25 =	sadd.s32 $0x2, s25;
	v61 =	vimm.s32 $0x1;
	s28 =	smul.f32 s4, s3;
	s20 =	spop (v2sf);
	v18 =	vmovc v29;
	v5 =	vadd.f32 v37, v5;
	[tilespmem:s24+$0x0] =	vst v4;
	v4 =	vadd.f32 v35, v45  }
0x375: {  	p0 =	slt.u32 s25, $0x4E;
	s20 =	smul.f32 $7.812500000e-03, s20;
	v0 =	vmul.f32 v34, v0;
	[tilespmem:$0x1FBF0] =	vst v59;
	v59 =	vadd.f32 v50, v32;
	v12 =	vadd.f32 v12, v27  }
.Ltmp1:
0x376: {  	v62 =	vlaneseq.u32;
	v34 =	vmovc v20;
	[tilespmem:$0x1FC10] =	vst v18;
	v22 =	vadd.f32 v22, v39;
	v6 =	vadd.f32 v33, v36;
	(pc) =	sbr.rel @p0 .LBB2_5-.Ltmp1, $4  }
0x377: {  	s30 =	spop (v2sf);
	s2 =	smul.f32 s20, s20;
	v56 =	vimm.s32 $0x3;
	v41 =	vmovc v16;
	v17 =	vld.idx.msk [tilespmem:v7+s23+$0x0], $0xffff;
	[tilespmem:s19+$0xFFFFFFD0] =	vst v11;
	v7 =	vadd.f32 v24, v54;
	v24 =	vadd.f32 v10, v5  }
0x378: {  	s30 =	smul.f32 $7.812500000e-03, s30;
	v37 =	vmovc v8;
	v42 =	vmovc v14;
	v60 =	vimm.s32 $0x0;
	[tilespmem:s19+$0xFFFFFFE0] =	vst v6;
	v5 =	vadd.f32 v53, v58;
	v6 =	vadd.f32 v25, v43  }
0x379: {  	s15 =	sadd.s32 $0x8, s15;
	v44 =	vmovc v21;
	v39 =	vmovc v15;
	v33 =	vmov v52;
	v16 =	vadd.f32 v9, v22;
	v43 =	vmov v19;
	[tilespmem:s19+$0xFFFFFFF0] =	vst v7  }
0x37a: {  	s8 =	smul.f32 s28, s4;
	s28 =	ssub.f32 s30, s2;
	s19 =	smov.u32 s24;
	v18 =	vadd.f32 v24, v59;
	v19 =	vmul.f32 v24, v24;
	v52 =	vadd.f32 v26, v5;
	[tilespmem:s24+$0x10] =	vst v6  }
0x37b: {  	_ = 	snop  }
0x37c: {  	v5 =	vadd.f32 v13, v16;
	s2 =	smax.f32 s28, $0.0e+00  }
0x37d: {  	s2 =	sadd.f32 $9.999999960e-13, s2  }
0x37e: {  	v6 =	vadd.f32 v52, v18;
	v5 =	vadd.f32 v17, v5  }
0x37f: {  	v7 =	vadd.f32 v19, v12;
	v8 =	vmul.f32 v52, v52;
	s15 =	sshra.s32 s2, $0x1;
	s2 =	smul.f32 $5.000000000e-01, s2  }
0x380: {  	v6 =	vadd.f32 v5, v6;
	s15 =	ssub.s32 $0x5F3759DF, s15  }
0x381: {  	v7 =	vadd.f32 v8, v7;
	v8 =	vmul.f32 v5, v5;
	s18 =	smul.f32 s15, s2  }
0x382: {  	(xrf2) =	vadd.scan.msk.f32 $0xffff, v6  }
0x383: {  	v6 =	vadd.f32 v8, v7;
	s18 =	smul.f32 s15, s18;
	_ =	sdelay $0x1  }
0x384: {  	(xrf2) =	vadd.scan.msk.f32 $0xffff, v6;
	s18 =	ssub.f32 $1.500000000e+00, s18;
	_ =	sdelay $0x1  }
0x385: {  	s15 =	smul.f32 s15, s18;
	_ =	sdelay $0x1  }
0x386: {  	s18 =	smul.f32 s15, s2;
	_ =	sdelay $0x1  }
0x387: {  	s18 =	smul.f32 s18, s15  }
0x388: {  	v6, _, _ =	vpop (xrf2)  }
0x389: {  	(v2sf) =	vpush v6, $0xF;
	s18 =	ssub.f32 $1.500000000e+00, s18;
	_ =	sdelay $0x1  }
0x38a: {  	v32 =	vld [tilespmem:$0x1FF00];
	v6, _, _ =	vpop (xrf2);
	s15 =	smul.f32 s18, s15  }
0x38b: {  	v25 =	vld [tilespmem:$0x1FE90];
	(v2sf) =	vpush v6, $0xF  }
0x38c: {  	v26 =	vld [tilespmem:$0x1FEA0];
	s2 =	smul.f32 s15, s2  }
0x38d: {  	v27 =	vld [tilespmem:$0x1FEB0]  }
0x38e: {  	v28 =	vld [tilespmem:$0x1FEC0];
	s2 =	smul.f32 s2, s15  }
0x38f: {  	s8 =	ssub.f32 $1.500000000e+00, s8;
	v8 =	vld [tilespmem:$0x1FC30]  }
0x390: {  	v29 =	vld [tilespmem:$0x1FED0];
	s2 =	ssub.f32 $1.500000000e+00, s2  }
0x391: {  	v30 =	vld [tilespmem:$0x1FEE0];
	s8 =	smul.f32 s8, s4  }
0x392: {  	v31 =	vld [tilespmem:$0x1FEF0];
	[tilespmem:s24+$0x20] =	vst v4;
	s2 =	smul.f32 s2, s15  }
0x393: {  	s3 =	smul.f32 s8, s3;
	v38 =	vld [tilespmem:$0x1FF40];
	v6 =	vmov s20  }
0x394: {  	v8 =	vsub.f32 v8, v6;
	v7 =	vmul.f32 s2, v32  }
0x395: {  	s3 =	smul.f32 s3, s8  }
0x396: {  	v0 =	vadd.f32 v0, v63;
	v7 =	vmul.f32 v7, v8  }
0x397: {  	v1 =	vadd.f32 v1, v40;
	s3 =	ssub.f32 $1.500000000e+00, s3;
	s25 =	spop (v2sf)  }
0x398: {  	v3 =	vadd.f32 v3, v37;
	s25 =	smul.f32 $7.812500000e-03, s25;
	v4 =	vadd.f32 v7, v38;
	v7 =	vld [tilespmem:$0x1FC40];
	[tilespmem:s24+$0x30] =	vst v0  }
0x399: {  	v2 =	vadd.f32 v2, v36;
	s3 =	smul.f32 s3, s8;
	[tilespmem:s24+$0x40] =	vst v1  }
0x39a: {  	s30 =	spop (v2sf);
	[tilespmem:s24+$0x50] =	vst v3;
	s18 =	smul.f32 s25, s25  }
0x39b: {  	[tilespmem:s24+$0x60] =	vst v2;
	s28 =	smul.f32 $7.812500000e-03, s30  }
0x39c: {  	v45 =	vld [tilespmem:$0x1FF10]  }
0x39d: {  	v8 =	vmul.f32 s3, v25;
	s28 =	ssub.f32 s28, s18;
	_ =	sdelay $0x1  }
0x39e: {  	s4 =	smax.f32 s28, $0.0e+00;
	v7 =	vmul.f32 v8, v7  }
0x39f: {  	s4 =	sadd.f32 $9.999999960e-13, s4  }
0x3a0: {  	s20 =	sadd.s32 $0x100, s24;
	v7 =	vadd.f32 v7, v45  }
0x3a1: {  	v54 =	vmov s25;
	[tilespmem:s20+$0x70] =	vst v4;
	s30 =	sshra.s32 s4, $0x1;
	s4 =	smul.f32 $5.000000000e-01, s4  }
0x3a2: {  	v22 =	vsub.f32 v47, v54;
	v47 =	vld [tilespmem:$0x1FF20];
	s28 =	ssub.s32 $0x5F3759DF, s30;
	[tilespmem:s19+$0xFFFFFF80] =	vst v7  }
0x3a3: {  	v9 =	vmul.f32 s3, v26;
	s18 =	smul.f32 s28, s4;
	v35 =	vld [tilespmem:$0x1FF30]  }
0x3a4: {  	v10 =	vmul.f32 s3, v27  }
0x3a5: {  	v11 =	vmul.f32 s3, v28;
	v9 =	vmul.f32 v9, v44;
	s30 =	smul.f32 s28, s18  }
0x3a6: {  	v12 =	vmul.f32 s3, v29;
	v10 =	vmul.f32 v10, v33  }
0x3a7: {  	v11 =	vmul.f32 v11, v34;
	v9 =	vadd.f32 v9, v47;
	s8 =	ssub.f32 $1.500000000e+00, s30  }
0x3a8: {  	v12 =	vmul.f32 v12, v43;
	v7 =	vadd.f32 v10, v35  }
0x3a9: {  	[tilespmem:s19+$0xFFFFFF90] =	vst v9;
	v9 =	vadd.f32 v11, v63;
	s8 =	smul.f32 s28, s8  }
0x3aa: {  	v10 =	vld [tilespmem:$0x1FBE0];
	[tilespmem:s19+$0xFFFFFFA0] =	vst v7;
	v7 =	vadd.f32 v12, v40  }
0x3ab: {  	v13 =	vmul.f32 s3, v30;
	v14 =	vmul.f32 s3, v31;
	[tilespmem:s19+$0xFFFFFFB0] =	vst v9;
	s15 =	smul.f32 s8, s4  }
0x3ac: {  	v15 =	vmul.f32 s3, v32;
	v16 =	vmul.f32 s2, v25;
	v9 =	vld [tilespmem:$0x1FBF0];
	[tilespmem:s19+$0xFFFFFFC0] =	vst v7  }
0x3ad: {  	v17 =	vmul.f32 s2, v26;
	v23 =	vsub.f32 v48, v54;
	v48 =	vsub.f32 v52, v54;
	s3 =	smul.f32 s15, s8;
	v52 =	vld [tilespmem:$0x1FC00]  }
0x3ae: {  	v53 =	vmul.f32 s2, v27;
	v0 =	vsub.f32 v5, v54;
	v5 =	vmul.f32 v13, v41  }
0x3af: {  	v58 =	vmul.f32 s2, v29;
	v11 =	vmul.f32 v14, v42;
	s18 =	ssub.f32 $1.500000000e+00, s3  }
0x3b0: {  	v59 =	vmul.f32 s2, v30;
	v3 =	vmul.f32 s2, v31;
	v5 =	vadd.f32 v5, v37  }
0x3b1: {  	v8 =	vmul.f32 s2, v28;
	v7 =	vadd.f32 v11, v36;
	v9 =	vsub.f32 v9, v6;
	s2 =	smul.f32 s18, s8  }
0x3b2: {  	[tilespmem:s19+$0xFFFFFFD0] =	vst v5;
	v12 =	vsub.f32 v52, v6  }
0x3b3: {  	v9 =	vmul.f32 v53, v9;
	v53 =	vld [tilespmem:$0x1FC10];
	[tilespmem:s19+$0xFFFFFFE0] =	vst v7;
	s4 =	smul.f32 s2, s4  }
0x3b4: {  	v20 =	vsub.f32 v51, v54;
	v10 =	vsub.f32 v10, v6;
	v7 =	vmul.f32 v8, v12;
	v8 =	vld [tilespmem:$0x1FC20]  }
0x3b5: {  	v44 =	vsub.f32 v50, v54;
	v50 =	vsub.f32 v46, v6;
	v51 =	vmul.f32 v15, v39;
	s4 =	smul.f32 s4, s2  }
0x3b6: {  	v21 =	vsub.f32 v55, v54;
	v10 =	vmul.f32 v16, v10  }
0x3b7: {  	v4 =	vsub.f32 v24, v54;
	v11 =	vmul.f32 v17, v50;
	v5 =	vadd.f32 v51, v38;
	s4 =	ssub.f32 $1.500000000e+00, s4  }
0x3b8: {  	v10 =	vadd.f32 v10, v45;
	v13 =	vsub.f32 v53, v6  }
0x3b9: {  	v11 =	vadd.f32 v11, v47;
	[tilespmem:s19+$0xFFFFFFF0] =	vst v5;
	v8 =	vsub.f32 v8, v6;
	s2 =	smul.f32 s4, s2  }
0x3ba: {  	[tilespmem:s20+$0x0] =	vst v10;
	v9 =	vadd.f32 v9, v35;
	v5 =	vmul.f32 v58, v13;
	v6 =	vsub.f32 v49, v6  }
0x3bb: {  	[tilespmem:s20+$0x10] =	vst v11;
	v7 =	vadd.f32 v7, v63;
	v1 =	vmul.f32 v59, v8;
	v8 =	vmul.f32 s2, v25  }
0x3bc: {  	[tilespmem:s20+$0x20] =	vst v9;
	v3 =	vmul.f32 v3, v6;
	v5 =	vadd.f32 v5, v40;
	v6 =	vmul.f32 s2, v26  }
0x3bd: {  	[tilespmem:s20+$0x30] =	vst v7;
	v7 =	vmul.f32 s2, v27;
	v1 =	vadd.f32 v1, v37;
	v8 =	vmul.f32 v8, v20  }
0x3be: {  	[tilespmem:s20+$0x40] =	vst v5;
	v3 =	vadd.f32 v3, v36;
	v5 =	vmul.f32 s2, v28;
	v6 =	vmul.f32 v6, v21  }
0x3bf: {  	v54 =	vmul.f32 s2, v29;
	v7 =	vmul.f32 v7, v22;
	[tilespmem:s20+$0x50] =	vst v1;
	v8 =	vadd.f32 v8, v45  }
0x3c0: {  	[tilespmem:s20+$0x60] =	vst v3;
	v3 =	vmul.f32 s2, v30;
	v5 =	vmul.f32 v5, v23;
	v6 =	vadd.f32 v6, v47  }
0x3c1: {  	v9 =	vmul.f32 s2, v31;
	v1 =	vmul.f32 v54, v44;
	v55 =	vadd.f32 v7, v35;
	[tilespmem:s20+$0xFFFFFF80] =	vst v8  }
0x3c2: {  	v7 =	vmul.f32 s2, v32;
	v3 =	vmul.f32 v3, v4;
	[tilespmem:s20+$0xFFFFFF90] =	vst v6;
	v4 =	vadd.f32 v5, v63  }
0x3c3: {  	v5 =	vmul.f32 v9, v48;
	[tilespmem:s20+$0xFFFFFFA0] =	vst v55;
	v1 =	vadd.f32 v1, v40  }
0x3c4: {  	v0 =	vmul.f32 v7, v0;
	[tilespmem:s20+$0xFFFFFFB0] =	vst v4;
	v58 =	vadd.f32 v3, v37  }
0x3c5: {  	[tilespmem:s20+$0xFFFFFFC0] =	vst v1;
	v59 =	vadd.f32 v5, v36  }
0x3c6: {  	s24 =	sadd.s32 s17, s14;
	v0 =	vadd.f32 v0, v38;
	[tilespmem:s20+$0xFFFFFFD0] =	vst v58  }
0x3c7: {  	s2 =	sshll.u32 s24, $0x4;
	[tilespmem:s20+$0xFFFFFFE0] =	vst v59  }
0x3c8: {  	s25 =	simm.s32 $0x17300;
	s2 =	sadd.s32 s9, s2;
	[tilespmem:s20+$0xFFFFFFF0] =	vst v0  }
0x3c9: {  	[hbm4b:s2+s10] =	stream.linear.scatter [tilespmem:s25], [sflag:$0x6], $0x2800, $0x38;
	[tilespmem:$0x19B00] =	vst v63  }
0x3ca: {  	s2 =	sadd.s32 $0xF0, s17  }
0x3cb: {  	s16 =	sadd.s32 $0x1, s16;
	s2 =	simm.s32 @p1 $0x0  }
0x3cc: {  	p0 =	sne.s32 s16, $0x28;
	v5 =	vld [tilespmem:$0x1FFC0];
	s2 =	sadd.s32 s11, s2  }
.Ltmp2:
0x3cd: {  	v6 =	vld [tilespmem:$0x1FFD0];
	s28 =	sshrl.u32 s2, $0x3;
	s2 =	sshrl.u32 s2, $0x1;
	(pc) =	sbr.rel @p0 .LBB2_2-.Ltmp2, $4  }
0x3ce: {  	v7 =	vld [tilespmem:$0x1FFE0];
	s3 =	sadd.s32 s12, s28;
	s2 =	sand.u32 $0x1FFFFFF8, s2  }
0x3cf: {  	v52 =	vld [tilespmem:$0x1FFF0];
	[tilespmem:s29], [sflag:$0x4] =	stream.linear.gather [hbm4b:s3+s10], $0x50, $0x38  }
0x3d0: {  	s30 =	simm.s32 $0xF980;
	v9 =	vld [tilespmem:$0x1FFB0];
	s2 =	sadd.s32 s13, s2  }
0x3d1: {  	v10 =	vld [tilespmem:$0x1FFA0];
	[tilespmem:s30], [sflag:$0x4] =	stream.linear.gather [hbm4b:s2+s10], $0x140, $0x38  }
0x3d2: {  	_ =	swait.ge [sflag:s1], $0x50  }
0x3d3: {  	[sflag:s1] =	ssyncset.done $0x0  }
0x3d4: {  	[sflag:s1] =	ssyncadd.s32 $0xFFFFFFB0  }
0x3d5: {  	_ =	swait.ge [sflag:s1], $0x140  }
0x3d6: {  	[sflag:s1] =	ssyncset.done $0x0  }
0x3d7: {  	[sflag:s1] =	ssyncadd.s32 $0xFFFFFEC0  }
0x3d8: {  	_ =	swait.ge [sflag:s7], $0x2800  }
0x3d9: {  	[sflag:s7] =	ssyncset.done $0x0  }
0x3da: {  	s2 =	simm.s32 $0x5;
	[sflag:s7] =	ssyncadd.s32 $0xFFFFD800  }
0x3db: {  	_ =	swait.ge [sflag:s2], $0x2800  }
0x3dc: {  	[sflag:s2] =	ssyncset.done $0x0  }
0x3dd: {  	s3 =	simm.s32 $0x6;
	[sflag:s2] =	ssyncadd.s32 $0xFFFFD800  }
0x3de: {  	_ =	swait.ge [sflag:s3], $0x2800  }
0x3df: {  	s4 =	rddreg [dreg:$0xf]  }
0x3e0: {  	s30 =	rddreg [dreg:$0xe];
	s4 =	sadd.s32 $0x1, s4  }
0x3e1: {  	p0 =	sne.s32 s4, s30  }
.Ltmp3:
0x3e2: {  	_ = 	snop;
	(pc) =	sbr.rel @p0 .LBB2_1-.Ltmp3, $3  }
0x3e3: {  	_ =	sdelay $0x1  }
0x3e4: {  	[sflag:s3] =	ssyncset.done $0x0  }
0x3e5: {  	[sflag:s3] =	ssyncadd.s32 $0xFFFFD800  }
0x3e6: {  	_ =	sfence.sel $0x180000  }
0x3e7: {  	[bflag:$0x0] =	sbarrier.arrive $0xFFFF  }
0x3e8: {  	_ =	strace $0x90000047  }
0x3e9: {  	s0 =	stileid.u32;
	[bflag:$0x2] =	sbarrier.arrive $0xFFFF  }
0x3ea: {  	p0 =	sne.s32 s0, $0x0;
	s0 =	rddreg [dreg:$0x9]  }
0x3eb: {  	s0 =	sadd.s32 @!p0 $0x100000, s0  }
0x3ec: {  	[sflag:s0] =	ssyncadd.tile.s32 @!p0 $0x1;
	_ =	shalt  }
.Lfunc_end2:
_tile_overlayer_lowered:
.L_overlay_start_2:
0x3ed: {  	(tag) =	ssettag $0x2  }
0x3ee: {  	s0 =	rddreg [dreg:$0x0];
	s2 =	stileid.u32  }
0x3ef: {  	s1 =	rddreg [dreg:$0x1];
	p0 =	sne.s32 s2, $0x0  }
0x3f0: {  	s3 =	rddreg [dreg:$0x2];
	[bflag:$0x3] =	sbarrier.arrive $0xFFFF;
	s2 =	simm.s32 @!p0 $0x1C07  }
0x3f1: {  	[timem:s3], [sflag:s2] =	dma.local @!p0 [hbm:s0], s1  }
0x3f2: {  	s0 =	simm.s32 @!p0 $0x7  }
0x3f3: {  	_ =	swait.ge @!p0 [sflag:s0], s1  }
0x3f4: {  	s1 =	ssub.s32 @!p0 $0x0, s1;
	[sflag:s0] =	ssyncset.done @!p0 $0x0  }
0x3f5: {  	[sflag:s0] =	ssyncadd.s32 @!p0 s1  }
0x3f6: {  	[bflag:$0x3] =	sbarrier.arrive $0xFFFF  }
0x3f7: {  	_ =	shalt  }

// kernel: sparse-core-data-format-call.cloned.1.call-start
scs
called_computation_lowered:
.L_overlay_start_0:
0x0: {  	s2 =	sld [smem:$0x3FD9]  }
0x1: {  	s3 =	sld [smem:$0x3FFE];
	_ =	sdelay $0x1  }
0x2: {  	s1 =	srdreg.scid  }
0x3: {  	s0 =	sand.u32 $0x1, s1  }
0x4: {  	s18 =	sshll.u32 s0, $0xA;
	s2 =	sadd.s32 s3, s2  }
0x5: {  	s2 =	sadd.s32 s2, s18  }
0x6: {  	[smem:$0x3FBC] =	sst s2  }
0x7: {  	_ = 	snop  }
0x8: {  	s2 =	sld [smem:$0x3FD0];
	(tm) =	ssettm $0x1  }
0x9: {  	s19 =	sld [smem:$0x3FFB];
	_ =	sdelay $0x3  }
0xa: {  	_ =	strace s19  }
0xb: {  	s3 =	sld [smem:$0x3FFC];
	_ =	sdelay $0x3  }
0xc: {  	_ =	strace s3  }
0xd: {  	s3 =	sld [smem:$0x3FFD];
	_ =	sdelay $0x3  }
0xe: {  	_ =	strace s3  }
0xf: {  	_ =	strace $0x8FFFFFFF  }
0x10: {  	s20 =	sld [smem:$0x3FDB];
	_ =	sdelay $0x1  }
0x11: {  	s4 =	simm.s32 $_scs_section_size  }
0x12: {  	s5 =	simm.s32 $_size__tile_overlayer_lowered;
	s6 =	simm.s32 $_tile_overlayer_lowered  }
0x13: {  	s23 =	simm.s32 $0x1BFF;
	s22 =	sshll.u32 s6, $0x1;
	s3 =	sadd.s32 s4, s20  }
0x14: {  	s7 =	simm.s32 $0x0;
	s21 =	sshll.u32 s5, $0x1;
	s5 =	sadd.s32 s22, s3  }
0x15: {  	[timem:s7], [sflag:s23] =	dma.local [hbm:s5], s21  }
0x16: {  	_ =	swait.ge [sflag:s23], s21  }
0x17: {  	s4 =	ssub.s32 $0x0, s21;
	[sflag:s23] =	ssyncset.done $0x0  }
0x18: {  	[sflag:s23] =	ssyncadd.s32 s4;
	_ =	sdelay $0x1  }
0x19: {  	s24 =	simm.s32 $0x1B8B  }
0x1a: {  	_ =	swait.ge [sflag:s24], $0x1  }
0x1b: {  	[sflag:s24] =	ssyncset.done $0x0  }
0x1c: {  	s26 =	simm.s32 $0x1B8E;
	s25 =	sld [smem:$0x3FFE];
	[sflag:s24] =	ssyncadd.s32 $0xFFFFFFFF  }
0x1d: {  	s27 =	simm.s32 $execute0_lowered;
	[smem:$0x3FD2] =	sst s26  }
0x1e: {  	s5 =	sshll.u32 s27, $0x1;
	_ =	strace $0x80000049;
	[dreg:$0x1] =	wrdreg $0xFFFFFFFF  }
0x1f: {  	s28 =	simm.s32 $_size_execute0_lowered;
	s3 =	sadd.s32 s3, s5;
	[dreg:$0x0] =	wrdreg $0x0  }
0x20: {  	s5 =	sshll.u32 s28, $0x1;
	[dreg:$0x2] =	wrdreg s3  }
0x21: {  	[dreg:$0x3] =	wrdreg s5  }
0x22: {  	[dreg:$0x4] =	wrdreg $0xC0  }
0x23: {  	_ =	task [dreg:s7], $0x5FFFF  }
0x24: {  	[dreg:$0x1] =	wrdreg $0xFFFFFFFF  }
0x25: {  	[dreg:$0x0] =	wrdreg $0x60  }
0x26: {  	[dreg:$0x2] =	wrdreg s25  }
0x27: {  	[dreg:$0x3] =	wrdreg s2  }
0x28: {  	[dreg:$0x4] =	wrdreg $0x9  }
0x29: {  	_ =	task.clear_ibuf [dreg:s7], $0x5FFFF;
	_ =	strace $0x90000049  }
0x2a: {  	s29 =	simm.s32 $0x9;
	_ =	strace $0x8000004B  }
0x2b: {  	_ =	swait.ge [sflag:s29], $0x1  }
0x2c: {  	[sflag:s29] =	ssyncadd.s32 $0xFFFFFFFF  }
0x2d: {  	_ =	strace $0x9000004B  }
0x2e: {  	_ =	sfence  }
0x2f: {  	s30 =	sld [smem:$0x0];
	_ =	sdelay $0x2  }
0x30: {  	s31 =	sshll.u32 s1, $0xD;
	s1 =	sshrl.u32 s1, $0x2  }
0x31: {  	s3 =	sand.u32 $0x4000, s31;
	s1 =	sadd.s32 s1, s30  }
0x32: {  	s0 =	sor.u32 s3, s0;
	s1 =	sshll.u32 s1, $0x11  }
0x33: {  	s0 =	sor.u32 s1, s0  }
0x34: {  	s0 =	sadd.s32 $0x8F2B, s0  }
0x35: {  	[sflag:s0] =	ssyncadd.remote.s32 $0x1  }
0x36: {  	_ =	sfence.sel $0xFFFF  }
0x37: {  	[dreg:$0x0] =	wrdreg $0xFFFFFFFF;
	(pc) =	sbr.abs _section_cstart, $3  }
0x38: {  	[dreg:$0x1] =	wrdreg $0xFFFFFFFF  }
0x39: {  	_ =	task.clear_ibuf [dreg:s7], $0x2FFFF;
	_ =	strace $0x9FFFFFFF  }
0x3a: {  	(tm) =	ssettm $0x7FFFFFFF  }
0x3b: {  	_ =	shalt  }
tec
execute0_lowered:
.L_overlay_start_1:
0x0: {  	(tag) =	ssettag $0x1  }
0x1: {  	s0 =	srdreg.scid  }
0x2: {  	s1 =	sshll.u32 s0, $0x4  }
0x3: {  	s0 =	stileid.u32;
	s1 =	sand.u32 $0x10, s1  }
0x4: {  	s1 =	sor.u32 s0, s1  }
0x5: {  	s6 =	rddreg [dreg:$0x0];
	s4 =	simm.s32 $0x1;
	s2 =	sshll.u32 s1, $0x6  }
0x6: {  	s7 =	simm.s32 $0x2;
	s13 =	simm.s32 $0x0;
	s1 =	ssub.s32 $0x1000, s2  }
0x7: {  	s8 =	simm.s32 $0x2000;
	s9 =	simm.s32 $0x80000;
	s3 =	sand.u32 $0x7C0, s1  }
0x8: {  	s14 =	simm.s32 $0x0;
	s5 =	sshrl.u32 s1, $0xB;
	p0 =	sne.s32 s3, $0x0  }
.Ltmp0:
0x9: {  	s1 =	rddreg [dreg:$0x2];
	s4 =	simm.s32 @!p0 $0x0;
	(pc) =	sbr.rel .LBB1_1-.Ltmp0, $4  }
0xa: {  	s10 =	simm.s32 $0x0;
	s3 =	rddreg [dreg:$0x1];
	s5 =	sadd.s32 s4, s5  }
0xb: {  	_ =	strace $0x8000004A;
	s4 =	simm.s32 $0x1;
	s5 =	smul.u32 $0x19, s5  }
0xc: {  	s12 =	simm.s32 $0x0;
	s6 =	sadd.s32 $0x1000, s6;
	[sflag:s4] =	ssyncpa.u1 $0x0  }
0xd: {  	s11 =	smov.u32 s2;
	[sflag:s7] =	ssyncpa.u1 $0x0;
	s7 =	sadd.s32 $0x1, s5  }
.LBB1_7:
0xe: {  	s15 =	sadd.s32 $0x2, s10  }
0xf: {  	s13 =	sadd.s32 $0x800, s11;
	s17 =	smov.u32 s11;
	p1 =	sgt.s32 s15, $0x31  }
0x10: {  	s17 =	smov.u32 @p1 s13  }
0x11: {  	s15 =	simm.s32 @p1 $0x0;
	p1 =	sgt.s32 s17, $0xFFF  }
0x12: {  	s17 =	smov.u32 @p1 s2;
	p1 =	sne.s32 s12, s7  }
.Ltmp1:
0x13: {  	p0 =	slt.u32 s12, $0x2;
	(pc) =	sbr.rel @!p1 .LBB1_8-.Ltmp1, $4  }
0x14: {  	s16 =	simm.s32 @!p0 $0x2  }
0x15: {  	s14 =	smov.u32 s11;
	_ =	swait.ge @!p0 [sflag:s16], $0x4000  }
0x16: {  	s13 =	smov.u32 s10;
	[sflag:s16] =	ssyncset.done @!p0 $0x0;
	s10 =	smov.u32 s15  }
0x17: {  	s12 =	sadd.s32 $0x1, s12;
	[sflag:s16] =	ssyncadd.s32 @!p0 $0xFFFFC000;
	s11 =	smov.u32 s17  }
.LBB1_1:
0x18: {  	p0 =	sge.u32 s12, s5  }
0x19: {  	s15 =	sand.u32 @!p0 $0x1FFFFFF, s10  }
0x1a: {  	s16 =	smulhi.u32 @!p0 $0x4924925, s15;
	_ =	sdelay $0x1  }
0x1b: {  	s16 =	smul.u32 @!p0 $0x38, s16  }
0x1c: {  	s17 =	sxor.u32 @!p0 $0xFFFFFFFF, s12;
	s18 =	smul.u32 @!p0 $0x380, s11  }
0x1d: {  	s31 =	sadd.s32 $0xFFFFFFFF, s12;
	s17 =	sshll.u32 @!p0 s17, $0xE;
	s15 =	ssub.s32 @!p0 s15, s16  }
0x1e: {  	s16 =	sand.u32 @!p0 $0x4000, s17;
	s17 =	sadd.s32 @!p0 s6, s18;
	s15 =	sshll.u32 @!p0 s15, $0x4  }
0x1f: {  	s18 =	simm.s32 @!p0 $0x1C00;
	s15 =	sadd.s32 @!p0 s15, s17;
	s17 =	simm.s32 @!p0 $0x100  }
0x20: {  	[tilespmem:s16], [sflag:$0x1] =	stream.strided.gather @!p0 [hbm4b:s15+s17], $0x4000, s18, s17, $0x38;
	[tilespmem:$0x10000] =	vst v63  }
0x21: {  	p0 =	sge.u32 s31, s5  }
.Ltmp2:
0x22: {  	_ = 	snop;
	(pc) =	sbr.rel @p0 .LBB1_7-.Ltmp2, $1  }
0x23: {  	_ =	sdelay $0x3  }
0x24: {  	_ =	swait.ge [sflag:s4], $0x4000;
	s15 =	sshll.u32 s12, $0xE  }
0x25: {  	[sflag:s4] =	ssyncset.done $0x0;
	s16 =	sand.u32 $0x4000, s15  }
0x26: {  	s17 =	simm.s32 $0x0;
	[sflag:s4] =	ssyncadd.s32 $0xFFFFC000;
	s15 =	sor.u32 $0x8000, s16  }
.LBB1_3:
0x27: {  	s18 =	sshll.u32 s17, $0x8  }
0x28: {  	s18 =	sand.u32 $0x3FFFFF00, s18  }
0x29: {  	s19 =	sshll.u32 s17, $0x7;
	s18 =	sadd.s32 s18, s16  }
0x2a: {  	s19 =	sand.u32 $0x3FFFFF80, s19;
	v0 =	vmov s18  }
0x2b: {  	s19 =	sadd.s32 s19, s15  }
0x2c: {  	p0 =	por $0x1, $0x1;
	v1 =	vmov s19;
	s18 =	simm.s32 $0x0  }
.LBB1_4:
0x2d: {  	s19 =	sshll.u32 s18, $0x7  }
0x2e: {  	s19 =	sand.u32 $0x3FFFFF80, s19  }
0x2f: {  	v2 =	vld.idx.msk [tilespmem:v0+s19+$0x0 ss:$0x1], $0xffff  }
0x30: {  	v3 =	vld.idx.msk [tilespmem:v0+s19+$0x10 ss:$0x1], $0xffff  }
0x31: {  	v4 =	vld.idx.msk [tilespmem:v0+s19+$0x20 ss:$0x1], $0xffff  }
0x32: {  	s31 =	sshll.u32 s18, $0xD;
	v5 =	vld.idx.msk [tilespmem:v0+s19+$0x30 ss:$0x1], $0xffff  }
0x33: {  	s18 =	sand.u32 $0x3FFFE000, s31;
	v6 =	vld.idx.msk [tilespmem:v0+s19+$0x40 ss:$0x1], $0xffff  }
0x34: {  	v63 =	vld.idx.msk [tilespmem:v0+s19+$0x70 ss:$0x1], $0xffff;
	[tilespmem:v1+s18+$0x0 ss:$0x1] =	vst.idx.msk $0xffff, v2  }
0x35: {  	v2 =	vld.idx.msk [tilespmem:v0+s19+$0x50 ss:$0x1], $0xffff;
	[tilespmem:v1+s18+$0x10 ss:$0x1] =	vst.idx.msk $0xffff, v3  }
0x36: {  	p1 =	por p0, p0;
	v3 =	vld.idx.msk [tilespmem:v0+s19+$0x60 ss:$0x1], $0xffff;
	[tilespmem:v1+s18+$0x20 ss:$0x1] =	vst.idx.msk $0xffff, v4  }
.Ltmp3:
0x37: {  	[tilespmem:v1+s18+$0x30 ss:$0x1] =	vst.idx.msk $0xffff, v5;
	(pc) =	sbr.rel @p1 .LBB1_4-.Ltmp3, $4  }
0x38: {  	[tilespmem:v1+s18+$0x40 ss:$0x1] =	vst.idx.msk $0xffff, v6  }
0x39: {  	[tilespmem:v1+s18+$0x70 ss:$0x1] =	vst.idx.msk $0xffff, v63  }
0x3a: {  	[tilespmem:v1+s18+$0x50 ss:$0x1] =	vst.idx.msk $0xffff, v2  }
0x3b: {  	p0 =	por $0x0, $0x0;
	[tilespmem:v1+s18+$0x60 ss:$0x1] =	vst.idx.msk $0xffff, v3;
	s18 =	simm.s32 $0x1  }
0x3c: {  	s17 =	sadd.s32 $0x1, s17  }
0x3d: {  	p0 =	sne.s32 s17, $0x40  }
.Ltmp4:
0x3e: {  	_ = 	snop;
	(pc) =	sbr.rel @p0 .LBB1_3-.Ltmp4, $1  }
0x3f: {  	_ =	sdelay $0x3  }
.Ltmp5:
0x40: {  	s14 =	sshll.u32 s14, $0x4;
	(pc) =	sbr.rel .LBB1_7-.Ltmp5, $4  }
0x41: {  	s14 =	sand.u32 $0xFFF0, s14  }
0x42: {  	s13 =	sshll.u32 s13, $0x10;
	s14 =	sadd.s32 s3, s14  }
0x43: {  	s13 =	sadd.s32 s13, s14  }
0x44: {  	[hbm4b:s13+s8] =	stream.strided.scatter [tilespmem:s15], [sflag:$0x2], $0x4000, s9, s8, $0x38;
	[tilespmem:$0x10000] =	vst v63  }
.LBB1_8:
0x45: {  	_ =	sfence.sel $0x180000  }
0x46: {  	s2 =	simm.s32 $0x1;
	[bflag:$0x0] =	sbarrier.arrive $0xFFFF  }
0x47: {  	s31 =	simm.s32 $0x2;
	[sflag:s2] =	ssyncpa.u1 $0x1  }
0x48: {  	[sflag:s31] =	ssyncpa.u1 $0x1  }
0x49: {  	p0 =	sne.s32 s0, $0x0;
	_ =	strace $0x9000004A  }
0x4a: {  	s0 =	sadd.s32 @!p0 $0x100000, s1;
	[bflag:$0x2] =	sbarrier.arrive $0xFFFF  }
0x4b: {  	[sflag:s0] =	ssyncadd.tile.s32 @!p0 $0x1;
	_ =	shalt  }
.Lfunc_end1:
_tile_overlayer_lowered:
.L_overlay_start_2:
0x4c: {  	(tag) =	ssettag $0x2  }
0x4d: {  	s0 =	rddreg [dreg:$0x0];
	s2 =	stileid.u32  }
0x4e: {  	s1 =	rddreg [dreg:$0x1];
	p0 =	sne.s32 s2, $0x0  }
0x4f: {  	s3 =	rddreg [dreg:$0x2];
	[bflag:$0x3] =	sbarrier.arrive $0xFFFF;
	s2 =	simm.s32 @!p0 $0x1C01  }
0x50: {  	[timem:s3], [sflag:s2] =	dma.local @!p0 [hbm:s0], s1  }
0x51: {  	s0 =	simm.s32 @!p0 $0x1  }
0x52: {  	_ =	swait.ge @!p0 [sflag:s0], s1  }
0x53: {  	s1 =	ssub.s32 @!p0 $0x0, s1;
	[sflag:s0] =	ssyncset.done @!p0 $0x0  }
0x54: {  	[sflag:s0] =	ssyncadd.s32 @!p0 s1  }
0x55: {  	[bflag:$0x3] =	sbarrier.arrive $0xFFFF  }
0x56: {  	_ =	shalt  }

</sc_bundles>
